<compile_context>
chip_gen: v7x
topology: tpu7x:2x2x1
jax: 0.10.2.dev20260603
libtpu: 0.0.44.dev20260713+nightly
codegen_flags: <defaults>
</compile_context>

<pallas_src>
import functools

import jax
import jax.numpy as jnp
from jax.experimental import pallas as pl
from jax.experimental.pallas import tpu as pltpu
from jax.experimental.pallas import tpu_sc as plsc

_NC = 2
_NS = 16
_LANES = 16
_B = 80
_CHUNK = 4000
_NMETA = 5
_DNT = (((1,), (1,)), ((), ()))
_DN0 = (((0,), (0,)), ((), ()))


def _matmul_call(x, W_neigh, b_neigh, W_root, b_root, blk):
    N, D = x.shape

    def body(x_ref, wn_ref, bn_ref, wr_ref, br_ref, neigh_ref, root_ref):
        xb = x_ref[...]
        neigh_ref[...] = jax.lax.dot_general(
            xb, wn_ref[...], _DNT,
            preferred_element_type=jnp.float32) + bn_ref[...]
        root_ref[...] = jax.lax.dot_general(
            xb, wr_ref[...], _DNT,
            preferred_element_type=jnp.float32) + br_ref[...]

    return pl.pallas_call(
        body,
        out_shape=[
            jax.ShapeDtypeStruct((N, D), jnp.float32),
            jax.ShapeDtypeStruct((N, D), jnp.float32),
        ],
    )(x, W_neigh, b_neigh, W_root, b_root)


def _sc_call(neigh2, src, dst, attr, w):
    N2, H = neigh2.shape
    N = N2 // 2
    E = src.shape[0]
    ept = E // _NS
    nchunk = ept // _CHUNK
    nblk = _CHUNK // _B
    ctiles = 10
    rpt = N // ctiles
    zrows = 125
    mesh = plsc.VectorSubcoreMesh(core_axis_name="c", subcore_axis_name="s")

    @functools.partial(
        pl.kernel,
        out_type=[
            jax.ShapeDtypeStruct((_NC, N, H), jnp.float32),
            jax.ShapeDtypeStruct((_NS, _NMETA * N), jnp.float32),
        ],
        mesh=mesh,
        scratch_types=[
            pltpu.VMEM((_CHUNK,), jnp.int32),
            pltpu.VMEM((_CHUNK,), jnp.int32),
            pltpu.VMEM((_CHUNK,), jnp.int32),
            pltpu.VMEM((_CHUNK,), jnp.float32),
            pltpu.VMEM((_B, H), jnp.float32),
            pltpu.VMEM((_B, H), jnp.float32),
            pltpu.VMEM((zrows, H), jnp.float32),
            pltpu.VMEM((_NMETA * N,), jnp.float32),
            pltpu.VMEM_SHARED((N, H), jnp.float32),
            pltpu.SemaphoreType.DMA,
            pltpu.SemaphoreType.DMA,
            pltpu.SemaphoreType.DMA,
            pltpu.SemaphoreType.DMA,
        ],
        compiler_params=pltpu.CompilerParams(needs_layout_passes=False,
                                             use_tc_tiling_on_sc=False),
    )
    def sc_kernel(neigh_hbm, src_hbm, dst_hbm, attr_hbm, w_hbm,
                  outf_hbm, outm_hbm,
                  src_c, dst_c, attr_c, w_c,
                  rows0, rows1, zbuf, meta_t, accf_sh,
                  gsem0, gsem1, fsem0, fsem1):
        cid = jax.lax.axis_index("c")
        sid = jax.lax.axis_index("s")
        is_c0 = cid == 0
        z16 = jnp.zeros((_LANES,), jnp.float32)
        ones16 = jnp.ones((_LANES,), jnp.float32)
        row0 = sid * rpt
        rows_b = (rows0, rows1)
        gsem_b = (gsem0, gsem1)
        fsem_b = (fsem0, fsem1)

        @pl.when(sid < ctiles)
        def _():
            @pl.loop(0, zrows)
            def _(i):
                for j in range(H // _LANES):
                    zbuf[i, pl.ds(j * _LANES, _LANES)] = z16

            for k in range(rpt // zrows):
                pltpu.sync_copy(zbuf,
                                accf_sh.at[pl.ds(row0 + k * zrows, zrows)])

        @pl.when(is_c0)
        def _():
            @pl.loop(0, _NMETA * N // _LANES, unroll=8)
            def _(i):
                meta_t[pl.ds(i * _LANES, _LANES)] = z16

        plsc.subcore_barrier()

        ebase = sid * ept

        def gather_start(g, p):
            pltpu.async_copy(neigh_hbm.at[src_c.at[pl.ds(g * _B, _B)]],
                             rows_b[p], gsem_b[p])

        def gather_wait(p):
            pltpu.make_async_copy(neigh_hbm.at[src_c.at[pl.ds(0, _B)]],
                                  rows_b[p], gsem_b[p]).wait()

        def compute(g, p):
            rows = rows_b[p]
            off = g * _B

            @pl.loop(0, _B // _LANES)
            def _(k):
                w16 = w_c[pl.ds(off + k * _LANES, _LANES)]
                for e in range(_LANES):
                    wv = w16[e]
                    r = k * _LANES + e
                    for j in range(H // _LANES):
                        sl = pl.ds(j * _LANES, _LANES)
                        rows[r, sl] = rows[r, sl] * wv

            @pl.when(is_c0)
            def _():
                for k in range(_B // _LANES):
                    sl = pl.ds(off + k * _LANES, _LANES)
                    d16 = dst_c[sl]
                    a16 = attr_c[sl]
                    w16 = w_c[sl]
                    plsc.addupdate_scatter(meta_t, [d16], ones16)
                    plsc.addupdate_scatter(meta_t, [(a16 + 1) * N + d16], w16)

        def scatter_start(g, p):
            pltpu.async_copy(rows_b[p],
                             accf_sh.at[dst_c.at[pl.ds(g * _B, _B)]],
                             fsem_b[p], add=True)

        def scatter_wait(p):
            pltpu.make_async_copy(rows_b[p],
                                  accf_sh.at[dst_c.at[pl.ds(0, _B)]],
                                  fsem_b[p]).wait()

        @pl.loop(0, nchunk)
        def _(c):
            cb = ebase + c * _CHUNK
            pltpu.async_copy(src_hbm.at[pl.ds(cb, _CHUNK)], src_c, gsem0)
            pltpu.async_copy(dst_hbm.at[pl.ds(cb, _CHUNK)], dst_c, gsem1)
            pltpu.async_copy(attr_hbm.at[pl.ds(cb, _CHUNK)], attr_c, fsem0)
            pltpu.async_copy(w_hbm.at[pl.ds(cb, _CHUNK)], w_c, fsem1)
            pltpu.make_async_copy(src_hbm.at[pl.ds(cb, _CHUNK)], src_c,
                                  gsem0).wait()
            pltpu.make_async_copy(dst_hbm.at[pl.ds(cb, _CHUNK)], dst_c,
                                  gsem1).wait()
            pltpu.make_async_copy(attr_hbm.at[pl.ds(cb, _CHUNK)], attr_c,
                                  fsem0).wait()
            pltpu.make_async_copy(w_hbm.at[pl.ds(cb, _CHUNK)], w_c,
                                  fsem1).wait()

            @pl.loop(0, _CHUNK // _LANES, unroll=8)
            def _(k):
                sl = pl.ds(k * _LANES, _LANES)
                src_c[sl] = src_c[sl] * 2 + cid

            gather_start(0, 0)

            @pl.loop(0, nblk // 2)
            def _(h):
                for p in range(2):
                    g = h * 2 + p
                    gather_wait(p)

                    if p == 1:
                        scatter_wait(0)

                        @pl.when(h < nblk // 2 - 1)
                        def _():
                            gather_start(g + 1, 0)
                    else:
                        @pl.when(h >= 1)
                        def _():
                            scatter_wait(1)

                        gather_start(g + 1, 1)

                    compute(g, p)
                    scatter_start(g, p)

            scatter_wait(1)

        plsc.subcore_barrier()

        @pl.when(is_c0)
        def _():
            pltpu.sync_copy(meta_t, outm_hbm.at[sid])

        @pl.when(sid < ctiles)
        def _():
            pltpu.sync_copy(accf_sh.at[pl.ds(row0, rpt)],
                            outf_hbm.at[cid, pl.ds(row0, rpt)])

    return sc_kernel(neigh2, src, dst, attr, w)


def _combine_call(accf, accm, root, P5, e5):
    _, N, H = accf.shape
    D = 2 * H

    def body(accf_ref, accm_ref, root_ref, p_ref, e5_ref, out_ref):
        feat = jnp.concatenate([accf_ref[0], accf_ref[1]], axis=1)
        meta = jnp.sum(accm_ref[...], axis=0)
        term2 = jax.lax.dot_general(meta, p_ref[...], _DN0,
                                    preferred_element_type=jnp.float32)
        cnt = jax.lax.dot_general(meta, e5_ref[...], _DN0,
                                  preferred_element_type=jnp.float32)
        agg = (feat + term2) / jnp.maximum(cnt, 1.0)
        o = agg + root_ref[...]
        out_ref[...] = jnp.where(o >= 0, o, 0.01 * o)

    return pl.pallas_call(
        body,
        out_shape=jax.ShapeDtypeStruct((N, D), jnp.float32),
    )(accf, accm, root, P5, e5)


def kernel(x, edge_index, edge_attr, edge_weight,
           W_neigh, b_neigh, W_root, b_root, edge_emb):
    N, D = x.shape
    E = edge_index.shape[1]

    def _flatten(a):
        a2 = jax.lax.optimization_barrier(a.reshape(E // 128, 128))
        return a2.reshape(E)

    ei = jax.lax.optimization_barrier(
        edge_index.astype(jnp.int32).reshape(2, E // 128, 128))
    src = _flatten(ei[0])
    dst = _flatten(ei[1])
    attr = _flatten(edge_attr.astype(jnp.int32))
    w = _flatten(edge_weight.astype(jnp.float32))

    neigh_x, root = _matmul_call(x, W_neigh, b_neigh[None], W_root,
                                 b_root[None], blk=1000)
    neigh2 = neigh_x.reshape(2 * N, D // 2)

    accf, accm = _sc_call(neigh2, src, dst, attr, w)
    accm = accm.reshape(_NS, _NMETA, N)

    nb = edge_emb.shape[0]
    P5 = jnp.zeros((_NMETA, D), jnp.float32).at[1:1 + nb].set(edge_emb)
    e5 = jnp.zeros((_NMETA, 1), jnp.float32).at[0, 0].set(1.0)
    return _combine_call(accf, accm, root, P5, e5)

# --- scband reference (transcript-rebuilt; emitter-appended) ---
"""Pipeline reference for scband-task-relation-net-2954937500493 (READ-ONLY COPY).

The authoritative reference and input builder live on the scoring server;
editing this copy changes nothing except your own understanding.
"""

import jax, jax.numpy as jnp
import numpy as np

IN_DIM = 128
N_NODES = 10000
N_EDGES = 320000
NUM_BOND_TYPE = 4


def setup_inputs(seed: int = 0) -> dict:
    key = jax.random.key(seed)
    ks = jax.random.split(key, 10)
    x = jax.random.normal(ks[0], (N_NODES, IN_DIM), dtype=jnp.float32)
    edge_index = jax.random.randint(ks[1], (2, N_EDGES), 0, N_NODES, dtype=jnp.int64 if jax.config.jax_enable_x64 else jnp.int32)
    edge_attr = jax.random.randint(ks[2], (N_EDGES, 1), 0, NUM_BOND_TYPE, dtype=jnp.int32)
    edge_weight = jax.random.uniform(ks[3], (N_EDGES, 1), dtype=jnp.float32)
    # learned parameters (NodeUpdateNetwork with in_emb_dim=out_emb_dim=IN_DIM)
    scale = 1.0 / np.sqrt(IN_DIM)
    W_neigh = jax.random.uniform(ks[4], (IN_DIM, IN_DIM), minval=-scale, maxval=scale, dtype=jnp.float32)
    b_neigh = jax.random.uniform(ks[5], (IN_DIM,), minval=-scale, maxval=scale, dtype=jnp.float32)
    W_root = jax.random.uniform(ks[6], (IN_DIM, IN_DIM), minval=-scale, maxval=scale, dtype=jnp.float32)
    b_root = jax.random.uniform(ks[7], (IN_DIM,), minval=-scale, maxval=scale, dtype=jnp.float32)
    edge_emb = jax.random.normal(ks[8], (NUM_BOND_TYPE, IN_DIM), dtype=jnp.float32)  # xavier-like
    return {"x": x, "edge_index": edge_index, "edge_attr": edge_attr, "edge_weight": edge_weight,
            "W_neigh": W_neigh, "b_neigh": b_neigh, "W_root": W_root, "b_root": b_root, "edge_emb": edge_emb}


def reference(x, edge_index, edge_attr, edge_weight, W_neigh, b_neigh, W_root, b_root, edge_emb):
    # NodeUpdateNetwork.forward (aggr='mean', edge_type=True, norm=False, batch_norm=None, dropout=0, eval mode)
    src = edge_index[0]
    dst = edge_index[1]
    num_nodes = x.shape[0]
    # edge embedding lookup (gather)
    e_emb = jnp.take(edge_emb, edge_attr[:, 0], axis=0)                  # [E, d]
    # neigh_linear
    neigh_x = x @ W_neigh.T + b_neigh                                    # [N, d]
    # message: (x_j + edge_attr_emb) * edge_weight, x_j gathered at source nodes
    msg = (jnp.take(neigh_x, src, axis=0) + e_emb) * edge_weight         # [E, d]
    # mean aggregation at destination nodes (scatter-add + count)
    agg_sum = jax.ops.segment_sum(msg, dst, num_segments=num_nodes)     # [N, d]
    cnt = jax.ops.segment_sum(jnp.ones((dst.shape[0], 1), dtype=msg.dtype), dst, num_segments=num_nodes)
    agg = agg_sum / jnp.clip(cnt, 1.0, None)
    # add root transform
    out = agg + (x @ W_root.T + b_root)
    # LeakyReLU (torch default negative_slope=0.01); dropout is identity in eval
    out = jnp.where(out >= 0, out, 0.01 * out)
    return out


if False:  # reference __main__ guard neutralized (emitter)
    inp = setup_inputs()
    y = reference(**inp)
    print(y.shape, y.dtype)

if __name__ == "__main__":
    import jax
    _d = setup_inputs()
    print(jax.jit(kernel)(*tuple(_d.values())))

</pallas_src>

<mosaic_0001>
#map = affine_map<(d0, d1) -> (0, 0)>
#map1 = affine_map<(d0, d1) -> (0)>
#map2 = affine_map<(d0, d1) -> (0, 0, 0)>
module attributes {stable_mosaic.version = 14 : i64} {
  func.func @sc_kernel(%arg0: i32, %arg1: i32, %arg2: memref<20000x64xf32, #tpu.memory_space<hbm>>, %arg3: memref<320000xi32, #tpu.memory_space<hbm>>, %arg4: memref<320000xi32, #tpu.memory_space<hbm>>, %arg5: memref<320000xi32, #tpu.memory_space<hbm>>, %arg6: memref<320000xf32, #tpu.memory_space<hbm>>, %arg7: memref<2x10000x64xf32, #tpu.memory_space<hbm>>, %arg8: memref<16x50000xf32, #tpu.memory_space<hbm>>, %arg9: memref<4000xi32, #tpu.memory_space<vmem>>, %arg10: memref<4000xi32, #tpu.memory_space<vmem>>, %arg11: memref<4000xi32, #tpu.memory_space<vmem>>, %arg12: memref<4000xf32, #tpu.memory_space<vmem>>, %arg13: memref<80x64xf32, #tpu.memory_space<vmem>>, %arg14: memref<80x64xf32, #tpu.memory_space<vmem>>, %arg15: memref<125x64xf32, #tpu.memory_space<vmem>>, %arg16: memref<50000xf32, #tpu.memory_space<vmem>>, %arg17: memref<10000x64xf32, #tpu.memory_space<vmem_shared>>, %arg18: memref<!tpu.dma_semaphore, #tpu.memory_space<semaphore_mem>>, %arg19: memref<!tpu.dma_semaphore, #tpu.memory_space<semaphore_mem>>, %arg20: memref<!tpu.dma_semaphore, #tpu.memory_space<semaphore_mem>>, %arg21: memref<!tpu.dma_semaphore, #tpu.memory_space<semaphore_mem>>) attributes {dimension_semantics = [#tpu.dimension_semantics<core_parallel>, #tpu.dimension_semantics<subcore_parallel>], iteration_bounds = array<i64: 2, 16>, scalar_prefetch = 0 : i64, scratch_operands = 13 : i64, tpu.core_type = #tpu.core_type<sc_vector_subcore>, window_params = [{transform_indices = #map}, {transform_indices = #map1}, {transform_indices = #map1}, {transform_indices = #map1}, {transform_indices = #map1}, {transform_indices = #map2}, {transform_indices = #map}]} {
    %eq3A = arith.constant 0 : i32
    %eq3A_0 = arith.cmpi eq, %arg0, %eq3A : i32
    %broadcast_in_dim3A = arith.constant 0.000000e+00 : f32
    %broadcast_in_dim3A_1 = vector.broadcast %broadcast_in_dim3A : f32 to vector<16xf32>
    %broadcast_in_dim3A_2 = arith.constant 1.000000e+00 : f32
    %broadcast_in_dim3A_3 = vector.broadcast %broadcast_in_dim3A_2 : f32 to vector<16xf32>
    %mul3A = arith.constant 1000 : i32
    %mul3A_4 = arith.muli %arg1, %mul3A : i32
    %lt3A = arith.constant 10 : i32
    %lt3A_5 = arith.cmpi slt, %arg1, %lt3A : i32
    %convert_element_type3A = arith.extui %lt3A_5 : i1 to i32
    %cond3A = arith.constant 0 : i32
    %cond3A_6 = arith.cmpi ne, %convert_element_type3A, %cond3A : i32
    scf.if %cond3A_6 {
      %scan3A_25 = arith.constant 0 : i32
      %scan3A_26 = arith.constant 125 : i32
      %scan3A_27 = arith.addi %scan3A_25, %scan3A_26 : i32
      %scan3A_28 = arith.constant 1 : i32
      scf.for %scan3A_45 = %scan3A_25 to %scan3A_27 step %scan3A_28  : i32 {
        %mul3A_46 = arith.constant 1 : i32
        %mul3A_47 = arith.muli %scan3A_45, %mul3A_46 : i32
        %add3A_48 = arith.constant 0 : i32
        %add3A_49 = arith.addi %add3A_48, %mul3A_47 : i32
        %swap3A = arith.index_cast %add3A_49 : i32 to index
        %swap3A_50 = arith.constant 0 : index
        %swap3A_51 = tpu.vector_load %arg15[%swap3A, %swap3A_50] {strides = array<i32>} : memref<125x64xf32, #tpu.memory_space<vmem>>, vector<16xf32>,
        tpu.vector_store %arg15[%swap3A, %swap3A_50], %broadcast_in_dim3A_1 {strides = array<i32>} : memref<125x64xf32, #tpu.memory_space<vmem>>, vector<16xf32>,
        %swap3A_52 = arith.index_cast %add3A_49 : i32 to index
        %swap3A_53 = arith.constant 16 : index
        %swap3A_54 = tpu.vector_load %arg15[%swap3A_52, %swap3A_53] {strides = array<i32>} : memref<125x64xf32, #tpu.memory_space<vmem>>, vector<16xf32>,
        tpu.vector_store %arg15[%swap3A_52, %swap3A_53], %broadcast_in_dim3A_1 {strides = array<i32>} : memref<125x64xf32, #tpu.memory_space<vmem>>, vector<16xf32>,
        %swap3A_55 = arith.index_cast %add3A_49 : i32 to index
        %swap3A_56 = arith.constant 32 : index
        %swap3A_57 = tpu.vector_load %arg15[%swap3A_55, %swap3A_56] {strides = array<i32>} : memref<125x64xf32, #tpu.memory_space<vmem>>, vector<16xf32>,
        tpu.vector_store %arg15[%swap3A_55, %swap3A_56], %broadcast_in_dim3A_1 {strides = array<i32>} : memref<125x64xf32, #tpu.memory_space<vmem>>, vector<16xf32>,
        %swap3A_58 = arith.index_cast %add3A_49 : i32 to index
        %swap3A_59 = arith.constant 48 : index
        %swap3A_60 = tpu.vector_load %arg15[%swap3A_58, %swap3A_59] {strides = array<i32>} : memref<125x64xf32, #tpu.memory_space<vmem>>, vector<16xf32>,
        tpu.vector_store %arg15[%swap3A_58, %swap3A_59], %broadcast_in_dim3A_1 {strides = array<i32>} : memref<125x64xf32, #tpu.memory_space<vmem>>, vector<16xf32>,
      }
      %scan3A_29 = arith.constant 125 : i32
      %add3A = arith.constant 0 : i32
      %add3A_30 = arith.addi %mul3A_4, %add3A : i32
      "tpu.region"() ({
        %run_scoped3A = tpu.sem_alloc : memref<!tpu.dma_semaphore, #tpu.memory_space<semaphore_mem>>
        %dma_start3A = arith.constant 0 : i32
        %dma_start3A_45 = tpu.memref_slice %arg17[%add3A_30, %dma_start3A] : memref<10000x64xf32, #tpu.memory_space<vmem_shared>> -> memref<125x64xf32, #tpu.memory_space<vmem_shared>>
        %dma_start3A_46 = arith.constant 0 : i32
        %dma_start3A_47 = tpu.memref_slice %arg17[%add3A_30, %dma_start3A_46] : memref<10000x64xf32, #tpu.memory_space<vmem_shared>> -> memref<125x64xf32, #tpu.memory_space<vmem_shared>>
        tpu.enqueue_dma source(%arg15 : memref<125x64xf32, #tpu.memory_space<vmem>>) target(%dma_start3A_47 : memref<125x64xf32, #tpu.memory_space<vmem_shared>>) target_semaphore(%run_scoped3A : memref<!tpu.dma_semaphore, #tpu.memory_space<semaphore_mem>>)
        %dma_wait3A = arith.constant 0 : i32
        %dma_wait3A_48 = tpu.memref_slice %arg17[%add3A_30, %dma_wait3A] : memref<10000x64xf32, #tpu.memory_space<vmem_shared>> -> memref<125x64xf32, #tpu.memory_space<vmem_shared>>
        %dma_wait3A_49 = arith.constant 0 : i32
        %dma_wait3A_50 = tpu.memref_slice %arg17[%add3A_30, %dma_wait3A_49] : memref<10000x64xf32, #tpu.memory_space<vmem_shared>> -> memref<125x64xf32, #tpu.memory_space<vmem_shared>>
        tpu.wait_dma2 semaphore(%run_scoped3A : memref<!tpu.dma_semaphore, #tpu.memory_space<semaphore_mem>>) src(%arg15 : memref<125x64xf32, #tpu.memory_space<vmem>>) dst(%dma_wait3A_50 : memref<125x64xf32, #tpu.memory_space<vmem_shared>>)
        tpu.yield
      }) : () -> ()
      %add3A_31 = arith.constant 125 : i32
      %add3A_32 = arith.addi %mul3A_4, %add3A_31 : i32
      "tpu.region"() ({
        %run_scoped3A = tpu.sem_alloc : memref<!tpu.dma_semaphore, #tpu.memory_space<semaphore_mem>>
        %dma_start3A = arith.constant 0 : i32
        %dma_start3A_45 = tpu.memref_slice %arg17[%add3A_32, %dma_start3A] : memref<10000x64xf32, #tpu.memory_space<vmem_shared>> -> memref<125x64xf32, #tpu.memory_space<vmem_shared>>
        %dma_start3A_46 = arith.constant 0 : i32
        %dma_start3A_47 = tpu.memref_slice %arg17[%add3A_32, %dma_start3A_46] : memref<10000x64xf32, #tpu.memory_space<vmem_shared>> -> memref<125x64xf32, #tpu.memory_space<vmem_shared>>
        tpu.enqueue_dma source(%arg15 : memref<125x64xf32, #tpu.memory_space<vmem>>) target(%dma_start3A_47 : memref<125x64xf32, #tpu.memory_space<vmem_shared>>) target_semaphore(%run_scoped3A : memref<!tpu.dma_semaphore, #tpu.memory_space<semaphore_mem>>)
        %dma_wait3A = arith.constant 0 : i32
        %dma_wait3A_48 = tpu.memref_slice %arg17[%add3A_32, %dma_wait3A] : memref<10000x64xf32, #tpu.memory_space<vmem_shared>> -> memref<125x64xf32, #tpu.memory_space<vmem_shared>>
        %dma_wait3A_49 = arith.constant 0 : i32
        %dma_wait3A_50 = tpu.memref_slice %arg17[%add3A_32, %dma_wait3A_49] : memref<10000x64xf32, #tpu.memory_space<vmem_shared>> -> memref<125x64xf32, #tpu.memory_space<vmem_shared>>
        tpu.wait_dma2 semaphore(%run_scoped3A : memref<!tpu.dma_semaphore, #tpu.memory_space<semaphore_mem>>) src(%arg15 : memref<125x64xf32, #tpu.memory_space<vmem>>) dst(%dma_wait3A_50 : memref<125x64xf32, #tpu.memory_space<vmem_shared>>)
        tpu.yield
      }) : () -> ()
      %add3A_33 = arith.constant 250 : i32
      %add3A_34 = arith.addi %mul3A_4, %add3A_33 : i32
      "tpu.region"() ({
        %run_scoped3A = tpu.sem_alloc : memref<!tpu.dma_semaphore, #tpu.memory_space<semaphore_mem>>
        %dma_start3A = arith.constant 0 : i32
        %dma_start3A_45 = tpu.memref_slice %arg17[%add3A_34, %dma_start3A] : memref<10000x64xf32, #tpu.memory_space<vmem_shared>> -> memref<125x64xf32, #tpu.memory_space<vmem_shared>>
        %dma_start3A_46 = arith.constant 0 : i32
        %dma_start3A_47 = tpu.memref_slice %arg17[%add3A_34, %dma_start3A_46] : memref<10000x64xf32, #tpu.memory_space<vmem_shared>> -> memref<125x64xf32, #tpu.memory_space<vmem_shared>>
        tpu.enqueue_dma source(%arg15 : memref<125x64xf32, #tpu.memory_space<vmem>>) target(%dma_start3A_47 : memref<125x64xf32, #tpu.memory_space<vmem_shared>>) target_semaphore(%run_scoped3A : memref<!tpu.dma_semaphore, #tpu.memory_space<semaphore_mem>>)
        %dma_wait3A = arith.constant 0 : i32
        %dma_wait3A_48 = tpu.memref_slice %arg17[%add3A_34, %dma_wait3A] : memref<10000x64xf32, #tpu.memory_space<vmem_shared>> -> memref<125x64xf32, #tpu.memory_space<vmem_shared>>
        %dma_wait3A_49 = arith.constant 0 : i32
        %dma_wait3A_50 = tpu.memref_slice %arg17[%add3A_34, %dma_wait3A_49] : memref<10000x64xf32, #tpu.memory_space<vmem_shared>> -> memref<125x64xf32, #tpu.memory_space<vmem_shared>>
        tpu.wait_dma2 semaphore(%run_scoped3A : memref<!tpu.dma_semaphore, #tpu.memory_space<semaphore_mem>>) src(%arg15 : memref<125x64xf32, #tpu.memory_space<vmem>>) dst(%dma_wait3A_50 : memref<125x64xf32, #tpu.memory_space<vmem_shared>>)
        tpu.yield
      }) : () -> ()
      %add3A_35 = arith.constant 375 : i32
      %add3A_36 = arith.addi %mul3A_4, %add3A_35 : i32
      "tpu.region"() ({
        %run_scoped3A = tpu.sem_alloc : memref<!tpu.dma_semaphore, #tpu.memory_space<semaphore_mem>>
        %dma_start3A = arith.constant 0 : i32
        %dma_start3A_45 = tpu.memref_slice %arg17[%add3A_36, %dma_start3A] : memref<10000x64xf32, #tpu.memory_space<vmem_shared>> -> memref<125x64xf32, #tpu.memory_space<vmem_shared>>
        %dma_start3A_46 = arith.constant 0 : i32
        %dma_start3A_47 = tpu.memref_slice %arg17[%add3A_36, %dma_start3A_46] : memref<10000x64xf32, #tpu.memory_space<vmem_shared>> -> memref<125x64xf32, #tpu.memory_space<vmem_shared>>
        tpu.enqueue_dma source(%arg15 : memref<125x64xf32, #tpu.memory_space<vmem>>) target(%dma_start3A_47 : memref<125x64xf32, #tpu.memory_space<vmem_shared>>) target_semaphore(%run_scoped3A : memref<!tpu.dma_semaphore, #tpu.memory_space<semaphore_mem>>)
        %dma_wait3A = arith.constant 0 : i32
        %dma_wait3A_48 = tpu.memref_slice %arg17[%add3A_36, %dma_wait3A] : memref<10000x64xf32, #tpu.memory_space<vmem_shared>> -> memref<125x64xf32, #tpu.memory_space<vmem_shared>>
        %dma_wait3A_49 = arith.constant 0 : i32
        %dma_wait3A_50 = tpu.memref_slice %arg17[%add3A_36, %dma_wait3A_49] : memref<10000x64xf32, #tpu.memory_space<vmem_shared>> -> memref<125x64xf32, #tpu.memory_space<vmem_shared>>
        tpu.wait_dma2 semaphore(%run_scoped3A : memref<!tpu.dma_semaphore, #tpu.memory_space<semaphore_mem>>) src(%arg15 : memref<125x64xf32, #tpu.memory_space<vmem>>) dst(%dma_wait3A_50 : memref<125x64xf32, #tpu.memory_space<vmem_shared>>)
        tpu.yield
      }) : () -> ()
      %add3A_37 = arith.constant 500 : i32
      %add3A_38 = arith.addi %mul3A_4, %add3A_37 : i32
      "tpu.region"() ({
        %run_scoped3A = tpu.sem_alloc : memref<!tpu.dma_semaphore, #tpu.memory_space<semaphore_mem>>
        %dma_start3A = arith.constant 0 : i32
        %dma_start3A_45 = tpu.memref_slice %arg17[%add3A_38, %dma_start3A] : memref<10000x64xf32, #tpu.memory_space<vmem_shared>> -> memref<125x64xf32, #tpu.memory_space<vmem_shared>>
        %dma_start3A_46 = arith.constant 0 : i32
        %dma_start3A_47 = tpu.memref_slice %arg17[%add3A_38, %dma_start3A_46] : memref<10000x64xf32, #tpu.memory_space<vmem_shared>> -> memref<125x64xf32, #tpu.memory_space<vmem_shared>>
        tpu.enqueue_dma source(%arg15 : memref<125x64xf32, #tpu.memory_space<vmem>>) target(%dma_start3A_47 : memref<125x64xf32, #tpu.memory_space<vmem_shared>>) target_semaphore(%run_scoped3A : memref<!tpu.dma_semaphore, #tpu.memory_space<semaphore_mem>>)
        %dma_wait3A = arith.constant 0 : i32
        %dma_wait3A_48 = tpu.memref_slice %arg17[%add3A_38, %dma_wait3A] : memref<10000x64xf32, #tpu.memory_space<vmem_shared>> -> memref<125x64xf32, #tpu.memory_space<vmem_shared>>
        %dma_wait3A_49 = arith.constant 0 : i32
        %dma_wait3A_50 = tpu.memref_slice %arg17[%add3A_38, %dma_wait3A_49] : memref<10000x64xf32, #tpu.memory_space<vmem_shared>> -> memref<125x64xf32, #tpu.memory_space<vmem_shared>>
        tpu.wait_dma2 semaphore(%run_scoped3A : memref<!tpu.dma_semaphore, #tpu.memory_space<semaphore_mem>>) src(%arg15 : memref<125x64xf32, #tpu.memory_space<vmem>>) dst(%dma_wait3A_50 : memref<125x64xf32, #tpu.memory_space<vmem_shared>>)
        tpu.yield
      }) : () -> ()
      %add3A_39 = arith.constant 625 : i32
      %add3A_40 = arith.addi %mul3A_4, %add3A_39 : i32
      "tpu.region"() ({
        %run_scoped3A = tpu.sem_alloc : memref<!tpu.dma_semaphore, #tpu.memory_space<semaphore_mem>>
        %dma_start3A = arith.constant 0 : i32
        %dma_start3A_45 = tpu.memref_slice %arg17[%add3A_40, %dma_start3A] : memref<10000x64xf32, #tpu.memory_space<vmem_shared>> -> memref<125x64xf32, #tpu.memory_space<vmem_shared>>
        %dma_start3A_46 = arith.constant 0 : i32
        %dma_start3A_47 = tpu.memref_slice %arg17[%add3A_40, %dma_start3A_46] : memref<10000x64xf32, #tpu.memory_space<vmem_shared>> -> memref<125x64xf32, #tpu.memory_space<vmem_shared>>
        tpu.enqueue_dma source(%arg15 : memref<125x64xf32, #tpu.memory_space<vmem>>) target(%dma_start3A_47 : memref<125x64xf32, #tpu.memory_space<vmem_shared>>) target_semaphore(%run_scoped3A : memref<!tpu.dma_semaphore, #tpu.memory_space<semaphore_mem>>)
        %dma_wait3A = arith.constant 0 : i32
        %dma_wait3A_48 = tpu.memref_slice %arg17[%add3A_40, %dma_wait3A] : memref<10000x64xf32, #tpu.memory_space<vmem_shared>> -> memref<125x64xf32, #tpu.memory_space<vmem_shared>>
        %dma_wait3A_49 = arith.constant 0 : i32
        %dma_wait3A_50 = tpu.memref_slice %arg17[%add3A_40, %dma_wait3A_49] : memref<10000x64xf32, #tpu.memory_space<vmem_shared>> -> memref<125x64xf32, #tpu.memory_space<vmem_shared>>
        tpu.wait_dma2 semaphore(%run_scoped3A : memref<!tpu.dma_semaphore, #tpu.memory_space<semaphore_mem>>) src(%arg15 : memref<125x64xf32, #tpu.memory_space<vmem>>) dst(%dma_wait3A_50 : memref<125x64xf32, #tpu.memory_space<vmem_shared>>)
        tpu.yield
      }) : () -> ()
      %add3A_41 = arith.constant 750 : i32
      %add3A_42 = arith.addi %mul3A_4, %add3A_41 : i32
      "tpu.region"() ({
        %run_scoped3A = tpu.sem_alloc : memref<!tpu.dma_semaphore, #tpu.memory_space<semaphore_mem>>
        %dma_start3A = arith.constant 0 : i32
        %dma_start3A_45 = tpu.memref_slice %arg17[%add3A_42, %dma_start3A] : memref<10000x64xf32, #tpu.memory_space<vmem_shared>> -> memref<125x64xf32, #tpu.memory_space<vmem_shared>>
        %dma_start3A_46 = arith.constant 0 : i32
        %dma_start3A_47 = tpu.memref_slice %arg17[%add3A_42, %dma_start3A_46] : memref<10000x64xf32, #tpu.memory_space<vmem_shared>> -> memref<125x64xf32, #tpu.memory_space<vmem_shared>>
        tpu.enqueue_dma source(%arg15 : memref<125x64xf32, #tpu.memory_space<vmem>>) target(%dma_start3A_47 : memref<125x64xf32, #tpu.memory_space<vmem_shared>>) target_semaphore(%run_scoped3A : memref<!tpu.dma_semaphore, #tpu.memory_space<semaphore_mem>>)
        %dma_wait3A = arith.constant 0 : i32
        %dma_wait3A_48 = tpu.memref_slice %arg17[%add3A_42, %dma_wait3A] : memref<10000x64xf32, #tpu.memory_space<vmem_shared>> -> memref<125x64xf32, #tpu.memory_space<vmem_shared>>
        %dma_wait3A_49 = arith.constant 0 : i32
        %dma_wait3A_50 = tpu.memref_slice %arg17[%add3A_42, %dma_wait3A_49] : memref<10000x64xf32, #tpu.memory_space<vmem_shared>> -> memref<125x64xf32, #tpu.memory_space<vmem_shared>>
        tpu.wait_dma2 semaphore(%run_scoped3A : memref<!tpu.dma_semaphore, #tpu.memory_space<semaphore_mem>>) src(%arg15 : memref<125x64xf32, #tpu.memory_space<vmem>>) dst(%dma_wait3A_50 : memref<125x64xf32, #tpu.memory_space<vmem_shared>>)
        tpu.yield
      }) : () -> ()
      %add3A_43 = arith.constant 875 : i32
      %add3A_44 = arith.addi %mul3A_4, %add3A_43 : i32
      "tpu.region"() ({
        %run_scoped3A = tpu.sem_alloc : memref<!tpu.dma_semaphore, #tpu.memory_space<semaphore_mem>>
        %dma_start3A = arith.constant 0 : i32
        %dma_start3A_45 = tpu.memref_slice %arg17[%add3A_44, %dma_start3A] : memref<10000x64xf32, #tpu.memory_space<vmem_shared>> -> memref<125x64xf32, #tpu.memory_space<vmem_shared>>
        %dma_start3A_46 = arith.constant 0 : i32
        %dma_start3A_47 = tpu.memref_slice %arg17[%add3A_44, %dma_start3A_46] : memref<10000x64xf32, #tpu.memory_space<vmem_shared>> -> memref<125x64xf32, #tpu.memory_space<vmem_shared>>
        tpu.enqueue_dma source(%arg15 : memref<125x64xf32, #tpu.memory_space<vmem>>) target(%dma_start3A_47 : memref<125x64xf32, #tpu.memory_space<vmem_shared>>) target_semaphore(%run_scoped3A : memref<!tpu.dma_semaphore, #tpu.memory_space<semaphore_mem>>)
        %dma_wait3A = arith.constant 0 : i32
        %dma_wait3A_48 = tpu.memref_slice %arg17[%add3A_44, %dma_wait3A] : memref<10000x64xf32, #tpu.memory_space<vmem_shared>> -> memref<125x64xf32, #tpu.memory_space<vmem_shared>>
        %dma_wait3A_49 = arith.constant 0 : i32
        %dma_wait3A_50 = tpu.memref_slice %arg17[%add3A_44, %dma_wait3A_49] : memref<10000x64xf32, #tpu.memory_space<vmem_shared>> -> memref<125x64xf32, #tpu.memory_space<vmem_shared>>
        tpu.wait_dma2 semaphore(%run_scoped3A : memref<!tpu.dma_semaphore, #tpu.memory_space<semaphore_mem>>) src(%arg15 : memref<125x64xf32, #tpu.memory_space<vmem>>) dst(%dma_wait3A_50 : memref<125x64xf32, #tpu.memory_space<vmem_shared>>)
        tpu.yield
      }) : () -> ()
    } else {
    }
    %convert_element_type3A_7 = arith.extui %eq3A_0 : i1 to i32
    %cond3A_8 = arith.constant 0 : i32
    %cond3A_9 = arith.cmpi ne, %convert_element_type3A_7, %cond3A_8 : i32
    scf.if %cond3A_9 {
      %scan3A_25 = arith.constant 0 : i32
      %scan3A_26 = arith.constant 3120 : i32
      %scan3A_27 = arith.addi %scan3A_25, %scan3A_26 : i32
      %scan3A_28 = arith.constant 8 : i32
      scf.for %scan3A_78 = %scan3A_25 to %scan3A_27 step %scan3A_28  : i32 {
        %mul3A_79 = arith.constant 1 : i32
        %mul3A_80 = arith.muli %scan3A_78, %mul3A_79 : i32
        %add3A_81 = arith.constant 0 : i32
        %add3A_82 = arith.addi %add3A_81, %mul3A_80 : i32
        %mul3A_83 = arith.constant 16 : i32
        %mul3A_84 = arith.muli %add3A_82, %mul3A_83 : i32
        %swap3A_85 = arith.index_cast %mul3A_84 : i32 to index
        %swap3A_86 = tpu.vector_load %arg16[%swap3A_85] {strides = array<i32>} : memref<50000xf32, #tpu.memory_space<vmem>>, vector<16xf32>,
        tpu.vector_store %arg16[%swap3A_85], %broadcast_in_dim3A_1 {strides = array<i32>} : memref<50000xf32, #tpu.memory_space<vmem>>, vector<16xf32>,
        %scan3A_87 = arith.constant 1 : i32
        %scan3A_88 = arith.addi %scan3A_78, %scan3A_87 : i32
        %mul3A_89 = arith.constant 1 : i32
        %mul3A_90 = arith.muli %scan3A_88, %mul3A_89 : i32
        %add3A_91 = arith.constant 0 : i32
        %add3A_92 = arith.addi %add3A_91, %mul3A_90 : i32
        %mul3A_93 = arith.constant 16 : i32
        %mul3A_94 = arith.muli %add3A_92, %mul3A_93 : i32
        %swap3A_95 = arith.index_cast %mul3A_94 : i32 to index
        %swap3A_96 = tpu.vector_load %arg16[%swap3A_95] {strides = array<i32>} : memref<50000xf32, #tpu.memory_space<vmem>>, vector<16xf32>,
        tpu.vector_store %arg16[%swap3A_95], %broadcast_in_dim3A_1 {strides = array<i32>} : memref<50000xf32, #tpu.memory_space<vmem>>, vector<16xf32>,
        %scan3A_97 = arith.constant 2 : i32
        %scan3A_98 = arith.addi %scan3A_78, %scan3A_97 : i32
        %mul3A_99 = arith.constant 1 : i32
        %mul3A_100 = arith.muli %scan3A_98, %mul3A_99 : i32
        %add3A_101 = arith.constant 0 : i32
        %add3A_102 = arith.addi %add3A_101, %mul3A_100 : i32
        %mul3A_103 = arith.constant 16 : i32
        %mul3A_104 = arith.muli %add3A_102, %mul3A_103 : i32
        %swap3A_105 = arith.index_cast %mul3A_104 : i32 to index
        %swap3A_106 = tpu.vector_load %arg16[%swap3A_105] {strides = array<i32>} : memref<50000xf32, #tpu.memory_space<vmem>>, vector<16xf32>,
        tpu.vector_store %arg16[%swap3A_105], %broadcast_in_dim3A_1 {strides = array<i32>} : memref<50000xf32, #tpu.memory_space<vmem>>, vector<16xf32>,
        %scan3A_107 = arith.constant 3 : i32
        %scan3A_108 = arith.addi %scan3A_78, %scan3A_107 : i32
        %mul3A_109 = arith.constant 1 : i32
        %mul3A_110 = arith.muli %scan3A_108, %mul3A_109 : i32
        %add3A_111 = arith.constant 0 : i32
        %add3A_112 = arith.addi %add3A_111, %mul3A_110 : i32
        %mul3A_113 = arith.constant 16 : i32
        %mul3A_114 = arith.muli %add3A_112, %mul3A_113 : i32
        %swap3A_115 = arith.index_cast %mul3A_114 : i32 to index
        %swap3A_116 = tpu.vector_load %arg16[%swap3A_115] {strides = array<i32>} : memref<50000xf32, #tpu.memory_space<vmem>>, vector<16xf32>,
        tpu.vector_store %arg16[%swap3A_115], %broadcast_in_dim3A_1 {strides = array<i32>} : memref<50000xf32, #tpu.memory_space<vmem>>, vector<16xf32>,
        %scan3A_117 = arith.constant 4 : i32
        %scan3A_118 = arith.addi %scan3A_78, %scan3A_117 : i32
        %mul3A_119 = arith.constant 1 : i32
        %mul3A_120 = arith.muli %scan3A_118, %mul3A_119 : i32
        %add3A_121 = arith.constant 0 : i32
        %add3A_122 = arith.addi %add3A_121, %mul3A_120 : i32
        %mul3A_123 = arith.constant 16 : i32
        %mul3A_124 = arith.muli %add3A_122, %mul3A_123 : i32
        %swap3A_125 = arith.index_cast %mul3A_124 : i32 to index
        %swap3A_126 = tpu.vector_load %arg16[%swap3A_125] {strides = array<i32>} : memref<50000xf32, #tpu.memory_space<vmem>>, vector<16xf32>,
        tpu.vector_store %arg16[%swap3A_125], %broadcast_in_dim3A_1 {strides = array<i32>} : memref<50000xf32, #tpu.memory_space<vmem>>, vector<16xf32>,
        %scan3A_127 = arith.constant 5 : i32
        %scan3A_128 = arith.addi %scan3A_78, %scan3A_127 : i32
        %mul3A_129 = arith.constant 1 : i32
        %mul3A_130 = arith.muli %scan3A_128, %mul3A_129 : i32
        %add3A_131 = arith.constant 0 : i32
        %add3A_132 = arith.addi %add3A_131, %mul3A_130 : i32
        %mul3A_133 = arith.constant 16 : i32
        %mul3A_134 = arith.muli %add3A_132, %mul3A_133 : i32
        %swap3A_135 = arith.index_cast %mul3A_134 : i32 to index
        %swap3A_136 = tpu.vector_load %arg16[%swap3A_135] {strides = array<i32>} : memref<50000xf32, #tpu.memory_space<vmem>>, vector<16xf32>,
        tpu.vector_store %arg16[%swap3A_135], %broadcast_in_dim3A_1 {strides = array<i32>} : memref<50000xf32, #tpu.memory_space<vmem>>, vector<16xf32>,
        %scan3A_137 = arith.constant 6 : i32
        %scan3A_138 = arith.addi %scan3A_78, %scan3A_137 : i32
        %mul3A_139 = arith.constant 1 : i32
        %mul3A_140 = arith.muli %scan3A_138, %mul3A_139 : i32
        %add3A_141 = arith.constant 0 : i32
        %add3A_142 = arith.addi %add3A_141, %mul3A_140 : i32
        %mul3A_143 = arith.constant 16 : i32
        %mul3A_144 = arith.muli %add3A_142, %mul3A_143 : i32
        %swap3A_145 = arith.index_cast %mul3A_144 : i32 to index
        %swap3A_146 = tpu.vector_load %arg16[%swap3A_145] {strides = array<i32>} : memref<50000xf32, #tpu.memory_space<vmem>>, vector<16xf32>,
        tpu.vector_store %arg16[%swap3A_145], %broadcast_in_dim3A_1 {strides = array<i32>} : memref<50000xf32, #tpu.memory_space<vmem>>, vector<16xf32>,
        %scan3A_147 = arith.constant 7 : i32
        %scan3A_148 = arith.addi %scan3A_78, %scan3A_147 : i32
        %mul3A_149 = arith.constant 1 : i32
        %mul3A_150 = arith.muli %scan3A_148, %mul3A_149 : i32
        %add3A_151 = arith.constant 0 : i32
        %add3A_152 = arith.addi %add3A_151, %mul3A_150 : i32
        %mul3A_153 = arith.constant 16 : i32
        %mul3A_154 = arith.muli %add3A_152, %mul3A_153 : i32
        %swap3A_155 = arith.index_cast %mul3A_154 : i32 to index
        %swap3A_156 = tpu.vector_load %arg16[%swap3A_155] {strides = array<i32>} : memref<50000xf32, #tpu.memory_space<vmem>>, vector<16xf32>,
        tpu.vector_store %arg16[%swap3A_155], %broadcast_in_dim3A_1 {strides = array<i32>} : memref<50000xf32, #tpu.memory_space<vmem>>, vector<16xf32>,
      }
      %scan3A_29 = arith.constant 3120 : i32
      %scan3A_30 = arith.addi %scan3A_25, %scan3A_29 : i32
      %mul3A_31 = arith.constant 1 : i32
      %mul3A_32 = arith.muli %scan3A_30, %mul3A_31 : i32
      %add3A = arith.constant 0 : i32
      %add3A_33 = arith.addi %add3A, %mul3A_32 : i32
      %mul3A_34 = arith.constant 16 : i32
      %mul3A_35 = arith.muli %add3A_33, %mul3A_34 : i32
      %swap3A = arith.index_cast %mul3A_35 : i32 to index
      %swap3A_36 = tpu.vector_load %arg16[%swap3A] {strides = array<i32>} : memref<50000xf32, #tpu.memory_space<vmem>>, vector<16xf32>,
      tpu.vector_store %arg16[%swap3A], %broadcast_in_dim3A_1 {strides = array<i32>} : memref<50000xf32, #tpu.memory_space<vmem>>, vector<16xf32>,
      %scan3A_37 = arith.constant 3121 : i32
      %scan3A_38 = arith.addi %scan3A_25, %scan3A_37 : i32
      %mul3A_39 = arith.constant 1 : i32
      %mul3A_40 = arith.muli %scan3A_38, %mul3A_39 : i32
      %add3A_41 = arith.constant 0 : i32
      %add3A_42 = arith.addi %add3A_41, %mul3A_40 : i32
      %mul3A_43 = arith.constant 16 : i32
      %mul3A_44 = arith.muli %add3A_42, %mul3A_43 : i32
      %swap3A_45 = arith.index_cast %mul3A_44 : i32 to index
      %swap3A_46 = tpu.vector_load %arg16[%swap3A_45] {strides = array<i32>} : memref<50000xf32, #tpu.memory_space<vmem>>, vector<16xf32>,
      tpu.vector_store %arg16[%swap3A_45], %broadcast_in_dim3A_1 {strides = array<i32>} : memref<50000xf32, #tpu.memory_space<vmem>>, vector<16xf32>,
      %scan3A_47 = arith.constant 3122 : i32
      %scan3A_48 = arith.addi %scan3A_25, %scan3A_47 : i32
      %mul3A_49 = arith.constant 1 : i32
      %mul3A_50 = arith.muli %scan3A_48, %mul3A_49 : i32
      %add3A_51 = arith.constant 0 : i32
      %add3A_52 = arith.addi %add3A_51, %mul3A_50 : i32
      %mul3A_53 = arith.constant 16 : i32
      %mul3A_54 = arith.muli %add3A_52, %mul3A_53 : i32
      %swap3A_55 = arith.index_cast %mul3A_54 : i32 to index
      %swap3A_56 = tpu.vector_load %arg16[%swap3A_55] {strides = array<i32>} : memref<50000xf32, #tpu.memory_space<vmem>>, vector<16xf32>,
      tpu.vector_store %arg16[%swap3A_55], %broadcast_in_dim3A_1 {strides = array<i32>} : memref<50000xf32, #tpu.memory_space<vmem>>, vector<16xf32>,
      %scan3A_57 = arith.constant 3123 : i32
      %scan3A_58 = arith.addi %scan3A_25, %scan3A_57 : i32
      %mul3A_59 = arith.constant 1 : i32
      %mul3A_60 = arith.muli %scan3A_58, %mul3A_59 : i32
      %add3A_61 = arith.constant 0 : i32
      %add3A_62 = arith.addi %add3A_61, %mul3A_60 : i32
      %mul3A_63 = arith.constant 16 : i32
      %mul3A_64 = arith.muli %add3A_62, %mul3A_63 : i32
      %swap3A_65 = arith.index_cast %mul3A_64 : i32 to index
      %swap3A_66 = tpu.vector_load %arg16[%swap3A_65] {strides = array<i32>} : memref<50000xf32, #tpu.memory_space<vmem>>, vector<16xf32>,
      tpu.vector_store %arg16[%swap3A_65], %broadcast_in_dim3A_1 {strides = array<i32>} : memref<50000xf32, #tpu.memory_space<vmem>>, vector<16xf32>,
      %scan3A_67 = arith.constant 3124 : i32
      %scan3A_68 = arith.addi %scan3A_25, %scan3A_67 : i32
      %mul3A_69 = arith.constant 1 : i32
      %mul3A_70 = arith.muli %scan3A_68, %mul3A_69 : i32
      %add3A_71 = arith.constant 0 : i32
      %add3A_72 = arith.addi %add3A_71, %mul3A_70 : i32
      %mul3A_73 = arith.constant 16 : i32
      %mul3A_74 = arith.muli %add3A_72, %mul3A_73 : i32
      %swap3A_75 = arith.index_cast %mul3A_74 : i32 to index
      %swap3A_76 = tpu.vector_load %arg16[%swap3A_75] {strides = array<i32>} : memref<50000xf32, #tpu.memory_space<vmem>>, vector<16xf32>,
      tpu.vector_store %arg16[%swap3A_75], %broadcast_in_dim3A_1 {strides = array<i32>} : memref<50000xf32, #tpu.memory_space<vmem>>, vector<16xf32>,
      %scan3A_77 = arith.constant 3125 : i32
    } else {
    }
    %barrier3A = arith.constant 0 : index
    tpu.barrier barrier_id(%barrier3A)
    %mul3A_10 = arith.constant 20000 : i32
    %mul3A_11 = arith.muli %arg1, %mul3A_10 : i32
    %scan3A = arith.constant 0 : i32
    %scan3A_12 = arith.constant 5 : i32
    %scan3A_13 = arith.addi %scan3A, %scan3A_12 : i32
    %scan3A_14 = arith.constant 1 : i32
    scf.for %scan3A_25 = %scan3A to %scan3A_13 step %scan3A_14  : i32 {
      %mul3A_26 = arith.constant 1 : i32
      %mul3A_27 = arith.muli %scan3A_25, %mul3A_26 : i32
      %add3A = arith.constant 0 : i32
      %add3A_28 = arith.addi %add3A, %mul3A_27 : i32
      %mul3A_29 = arith.constant 4000 : i32
      %mul3A_30 = arith.muli %add3A_28, %mul3A_29 : i32
      %add3A_31 = arith.addi %mul3A_11, %mul3A_30 : i32
      %dma_start3A = tpu.memref_slice %arg3[%add3A_31] : memref<320000xi32, #tpu.memory_space<hbm>> -> memref<4000xi32, #tpu.memory_space<hbm>>
      %dma_start3A_32 = tpu.memref_slice %arg3[%add3A_31] : memref<320000xi32, #tpu.memory_space<hbm>> -> memref<4000xi32, #tpu.memory_space<hbm>>
      tpu.enqueue_dma source(%dma_start3A_32 : memref<4000xi32, #tpu.memory_space<hbm>>) target(%arg9 : memref<4000xi32, #tpu.memory_space<vmem>>) target_semaphore(%arg18 : memref<!tpu.dma_semaphore, #tpu.memory_space<semaphore_mem>>)
      %dma_start3A_33 = tpu.memref_slice %arg4[%add3A_31] : memref<320000xi32, #tpu.memory_space<hbm>> -> memref<4000xi32, #tpu.memory_space<hbm>>
      %dma_start3A_34 = tpu.memref_slice %arg4[%add3A_31] : memref<320000xi32, #tpu.memory_space<hbm>> -> memref<4000xi32, #tpu.memory_space<hbm>>
      tpu.enqueue_dma source(%dma_start3A_34 : memref<4000xi32, #tpu.memory_space<hbm>>) target(%arg10 : memref<4000xi32, #tpu.memory_space<vmem>>) target_semaphore(%arg19 : memref<!tpu.dma_semaphore, #tpu.memory_space<semaphore_mem>>)
      %dma_start3A_35 = tpu.memref_slice %arg5[%add3A_31] : memref<320000xi32, #tpu.memory_space<hbm>> -> memref<4000xi32, #tpu.memory_space<hbm>>
      %dma_start3A_36 = tpu.memref_slice %arg5[%add3A_31] : memref<320000xi32, #tpu.memory_space<hbm>> -> memref<4000xi32, #tpu.memory_space<hbm>>
      tpu.enqueue_dma source(%dma_start3A_36 : memref<4000xi32, #tpu.memory_space<hbm>>) target(%arg11 : memref<4000xi32, #tpu.memory_space<vmem>>) target_semaphore(%arg20 : memref<!tpu.dma_semaphore, #tpu.memory_space<semaphore_mem>>)
      %dma_start3A_37 = tpu.memref_slice %arg6[%add3A_31] : memref<320000xf32, #tpu.memory_space<hbm>> -> memref<4000xf32, #tpu.memory_space<hbm>>
      %dma_start3A_38 = tpu.memref_slice %arg6[%add3A_31] : memref<320000xf32, #tpu.memory_space<hbm>> -> memref<4000xf32, #tpu.memory_space<hbm>>
      tpu.enqueue_dma source(%dma_start3A_38 : memref<4000xf32, #tpu.memory_space<hbm>>) target(%arg12 : memref<4000xf32, #tpu.memory_space<vmem>>) target_semaphore(%arg21 : memref<!tpu.dma_semaphore, #tpu.memory_space<semaphore_mem>>)
      %dma_wait3A = tpu.memref_slice %arg3[%add3A_31] : memref<320000xi32, #tpu.memory_space<hbm>> -> memref<4000xi32, #tpu.memory_space<hbm>>
      %dma_wait3A_39 = tpu.memref_slice %arg3[%add3A_31] : memref<320000xi32, #tpu.memory_space<hbm>> -> memref<4000xi32, #tpu.memory_space<hbm>>
      tpu.wait_dma2 semaphore(%arg18 : memref<!tpu.dma_semaphore, #tpu.memory_space<semaphore_mem>>) src(%dma_wait3A_39 : memref<4000xi32, #tpu.memory_space<hbm>>) dst(%arg9 : memref<4000xi32, #tpu.memory_space<vmem>>)
      %dma_wait3A_40 = tpu.memref_slice %arg4[%add3A_31] : memref<320000xi32, #tpu.memory_space<hbm>> -> memref<4000xi32, #tpu.memory_space<hbm>>
      %dma_wait3A_41 = tpu.memref_slice %arg4[%add3A_31] : memref<320000xi32, #tpu.memory_space<hbm>> -> memref<4000xi32, #tpu.memory_space<hbm>>
      tpu.wait_dma2 semaphore(%arg19 : memref<!tpu.dma_semaphore, #tpu.memory_space<semaphore_mem>>) src(%dma_wait3A_41 : memref<4000xi32, #tpu.memory_space<hbm>>) dst(%arg10 : memref<4000xi32, #tpu.memory_space<vmem>>)
      %dma_wait3A_42 = tpu.memref_slice %arg5[%add3A_31] : memref<320000xi32, #tpu.memory_space<hbm>> -> memref<4000xi32, #tpu.memory_space<hbm>>
      %dma_wait3A_43 = tpu.memref_slice %arg5[%add3A_31] : memref<320000xi32, #tpu.memory_space<hbm>> -> memref<4000xi32, #tpu.memory_space<hbm>>
      tpu.wait_dma2 semaphore(%arg20 : memref<!tpu.dma_semaphore, #tpu.memory_space<semaphore_mem>>) src(%dma_wait3A_43 : memref<4000xi32, #tpu.memory_space<hbm>>) dst(%arg11 : memref<4000xi32, #tpu.memory_space<vmem>>)
      %dma_wait3A_44 = tpu.memref_slice %arg6[%add3A_31] : memref<320000xf32, #tpu.memory_space<hbm>> -> memref<4000xf32, #tpu.memory_space<hbm>>
      %dma_wait3A_45 = tpu.memref_slice %arg6[%add3A_31] : memref<320000xf32, #tpu.memory_space<hbm>> -> memref<4000xf32, #tpu.memory_space<hbm>>
      tpu.wait_dma2 semaphore(%arg21 : memref<!tpu.dma_semaphore, #tpu.memory_space<semaphore_mem>>) src(%dma_wait3A_45 : memref<4000xf32, #tpu.memory_space<hbm>>) dst(%arg12 : memref<4000xf32, #tpu.memory_space<vmem>>)
      %scan3A_46 = arith.constant 0 : i32
      %scan3A_47 = arith.constant 248 : i32
      %scan3A_48 = arith.addi %scan3A_46, %scan3A_47 : i32
      %scan3A_49 = arith.constant 8 : i32
      scf.for %scan3A_98 = %scan3A_46 to %scan3A_48 step %scan3A_49  : i32 {
        %mul3A_99 = arith.constant 1 : i32
        %mul3A_100 = arith.muli %scan3A_98, %mul3A_99 : i32
        %add3A_101 = arith.constant 0 : i32
        %add3A_102 = arith.addi %add3A_101, %mul3A_100 : i32
        %mul3A_103 = arith.constant 16 : i32
        %mul3A_104 = arith.muli %add3A_102, %mul3A_103 : i32
        %get3A_105 = arith.index_cast %mul3A_104 : i32 to index
        %get3A_106 = tpu.vector_load %arg9[%get3A_105] {strides = array<i32>} : memref<4000xi32, #tpu.memory_space<vmem>>, vector<16xi32>,
        %mul3A_107 = arith.constant 2 : i32
        %mul3A_108 = vector.broadcast %mul3A_107 : i32 to vector<16xi32>
        %mul3A_109 = arith.muli %get3A_106, %mul3A_108 : vector<16xi32>
        %add3A_110 = vector.broadcast %arg0 : i32 to vector<16xi32>
        %add3A_111 = arith.addi %mul3A_109, %add3A_110 : vector<16xi32>
        %swap3A_112 = arith.index_cast %mul3A_104 : i32 to index
        %swap3A_113 = tpu.vector_load %arg9[%swap3A_112] {strides = array<i32>} : memref<4000xi32, #tpu.memory_space<vmem>>, vector<16xi32>,
        tpu.vector_store %arg9[%swap3A_112], %add3A_111 {strides = array<i32>} : memref<4000xi32, #tpu.memory_space<vmem>>, vector<16xi32>,
        %scan3A_114 = arith.constant 1 : i32
        %scan3A_115 = arith.addi %scan3A_98, %scan3A_114 : i32
        %mul3A_116 = arith.constant 1 : i32
        %mul3A_117 = arith.muli %scan3A_115, %mul3A_116 : i32
        %add3A_118 = arith.constant 0 : i32
        %add3A_119 = arith.addi %add3A_118, %mul3A_117 : i32
        %mul3A_120 = arith.constant 16 : i32
        %mul3A_121 = arith.muli %add3A_119, %mul3A_120 : i32
        %get3A_122 = arith.index_cast %mul3A_121 : i32 to index
        %get3A_123 = tpu.vector_load %arg9[%get3A_122] {strides = array<i32>} : memref<4000xi32, #tpu.memory_space<vmem>>, vector<16xi32>,
        %mul3A_124 = arith.constant 2 : i32
        %mul3A_125 = vector.broadcast %mul3A_124 : i32 to vector<16xi32>
        %mul3A_126 = arith.muli %get3A_123, %mul3A_125 : vector<16xi32>
        %add3A_127 = vector.broadcast %arg0 : i32 to vector<16xi32>
        %add3A_128 = arith.addi %mul3A_126, %add3A_127 : vector<16xi32>
        %swap3A_129 = arith.index_cast %mul3A_121 : i32 to index
        %swap3A_130 = tpu.vector_load %arg9[%swap3A_129] {strides = array<i32>} : memref<4000xi32, #tpu.memory_space<vmem>>, vector<16xi32>,
        tpu.vector_store %arg9[%swap3A_129], %add3A_128 {strides = array<i32>} : memref<4000xi32, #tpu.memory_space<vmem>>, vector<16xi32>,
        %scan3A_131 = arith.constant 2 : i32
        %scan3A_132 = arith.addi %scan3A_98, %scan3A_131 : i32
        %mul3A_133 = arith.constant 1 : i32
        %mul3A_134 = arith.muli %scan3A_132, %mul3A_133 : i32
        %add3A_135 = arith.constant 0 : i32
        %add3A_136 = arith.addi %add3A_135, %mul3A_134 : i32
        %mul3A_137 = arith.constant 16 : i32
        %mul3A_138 = arith.muli %add3A_136, %mul3A_137 : i32
        %get3A_139 = arith.index_cast %mul3A_138 : i32 to index
        %get3A_140 = tpu.vector_load %arg9[%get3A_139] {strides = array<i32>} : memref<4000xi32, #tpu.memory_space<vmem>>, vector<16xi32>,
        %mul3A_141 = arith.constant 2 : i32
        %mul3A_142 = vector.broadcast %mul3A_141 : i32 to vector<16xi32>
        %mul3A_143 = arith.muli %get3A_140, %mul3A_142 : vector<16xi32>
        %add3A_144 = vector.broadcast %arg0 : i32 to vector<16xi32>
        %add3A_145 = arith.addi %mul3A_143, %add3A_144 : vector<16xi32>
        %swap3A_146 = arith.index_cast %mul3A_138 : i32 to index
        %swap3A_147 = tpu.vector_load %arg9[%swap3A_146] {strides = array<i32>} : memref<4000xi32, #tpu.memory_space<vmem>>, vector<16xi32>,
        tpu.vector_store %arg9[%swap3A_146], %add3A_145 {strides = array<i32>} : memref<4000xi32, #tpu.memory_space<vmem>>, vector<16xi32>,
        %scan3A_148 = arith.constant 3 : i32
        %scan3A_149 = arith.addi %scan3A_98, %scan3A_148 : i32
        %mul3A_150 = arith.constant 1 : i32
        %mul3A_151 = arith.muli %scan3A_149, %mul3A_150 : i32
        %add3A_152 = arith.constant 0 : i32
        %add3A_153 = arith.addi %add3A_152, %mul3A_151 : i32
        %mul3A_154 = arith.constant 16 : i32
        %mul3A_155 = arith.muli %add3A_153, %mul3A_154 : i32
        %get3A_156 = arith.index_cast %mul3A_155 : i32 to index
        %get3A_157 = tpu.vector_load %arg9[%get3A_156] {strides = array<i32>} : memref<4000xi32, #tpu.memory_space<vmem>>, vector<16xi32>,
        %mul3A_158 = arith.constant 2 : i32
        %mul3A_159 = vector.broadcast %mul3A_158 : i32 to vector<16xi32>
        %mul3A_160 = arith.muli %get3A_157, %mul3A_159 : vector<16xi32>
        %add3A_161 = vector.broadcast %arg0 : i32 to vector<16xi32>
        %add3A_162 = arith.addi %mul3A_160, %add3A_161 : vector<16xi32>
        %swap3A_163 = arith.index_cast %mul3A_155 : i32 to index
        %swap3A_164 = tpu.vector_load %arg9[%swap3A_163] {strides = array<i32>} : memref<4000xi32, #tpu.memory_space<vmem>>, vector<16xi32>,
        tpu.vector_store %arg9[%swap3A_163], %add3A_162 {strides = array<i32>} : memref<4000xi32, #tpu.memory_space<vmem>>, vector<16xi32>,
        %scan3A_165 = arith.constant 4 : i32
        %scan3A_166 = arith.addi %scan3A_98, %scan3A_165 : i32
        %mul3A_167 = arith.constant 1 : i32
        %mul3A_168 = arith.muli %scan3A_166, %mul3A_167 : i32
        %add3A_169 = arith.constant 0 : i32
        %add3A_170 = arith.addi %add3A_169, %mul3A_168 : i32
        %mul3A_171 = arith.constant 16 : i32
        %mul3A_172 = arith.muli %add3A_170, %mul3A_171 : i32
        %get3A_173 = arith.index_cast %mul3A_172 : i32 to index
        %get3A_174 = tpu.vector_load %arg9[%get3A_173] {strides = array<i32>} : memref<4000xi32, #tpu.memory_space<vmem>>, vector<16xi32>,
        %mul3A_175 = arith.constant 2 : i32
        %mul3A_176 = vector.broadcast %mul3A_175 : i32 to vector<16xi32>
        %mul3A_177 = arith.muli %get3A_174, %mul3A_176 : vector<16xi32>
        %add3A_178 = vector.broadcast %arg0 : i32 to vector<16xi32>
        %add3A_179 = arith.addi %mul3A_177, %add3A_178 : vector<16xi32>
        %swap3A_180 = arith.index_cast %mul3A_172 : i32 to index
        %swap3A_181 = tpu.vector_load %arg9[%swap3A_180] {strides = array<i32>} : memref<4000xi32, #tpu.memory_space<vmem>>, vector<16xi32>,
        tpu.vector_store %arg9[%swap3A_180], %add3A_179 {strides = array<i32>} : memref<4000xi32, #tpu.memory_space<vmem>>, vector<16xi32>,
        %scan3A_182 = arith.constant 5 : i32
        %scan3A_183 = arith.addi %scan3A_98, %scan3A_182 : i32
        %mul3A_184 = arith.constant 1 : i32
        %mul3A_185 = arith.muli %scan3A_183, %mul3A_184 : i32
        %add3A_186 = arith.constant 0 : i32
        %add3A_187 = arith.addi %add3A_186, %mul3A_185 : i32
        %mul3A_188 = arith.constant 16 : i32
        %mul3A_189 = arith.muli %add3A_187, %mul3A_188 : i32
        %get3A_190 = arith.index_cast %mul3A_189 : i32 to index
        %get3A_191 = tpu.vector_load %arg9[%get3A_190] {strides = array<i32>} : memref<4000xi32, #tpu.memory_space<vmem>>, vector<16xi32>,
        %mul3A_192 = arith.constant 2 : i32
        %mul3A_193 = vector.broadcast %mul3A_192 : i32 to vector<16xi32>
        %mul3A_194 = arith.muli %get3A_191, %mul3A_193 : vector<16xi32>
        %add3A_195 = vector.broadcast %arg0 : i32 to vector<16xi32>
        %add3A_196 = arith.addi %mul3A_194, %add3A_195 : vector<16xi32>
        %swap3A_197 = arith.index_cast %mul3A_189 : i32 to index
        %swap3A_198 = tpu.vector_load %arg9[%swap3A_197] {strides = array<i32>} : memref<4000xi32, #tpu.memory_space<vmem>>, vector<16xi32>,
        tpu.vector_store %arg9[%swap3A_197], %add3A_196 {strides = array<i32>} : memref<4000xi32, #tpu.memory_space<vmem>>, vector<16xi32>,
        %scan3A_199 = arith.constant 6 : i32
        %scan3A_200 = arith.addi %scan3A_98, %scan3A_199 : i32
        %mul3A_201 = arith.constant 1 : i32
        %mul3A_202 = arith.muli %scan3A_200, %mul3A_201 : i32
        %add3A_203 = arith.constant 0 : i32
        %add3A_204 = arith.addi %add3A_203, %mul3A_202 : i32
        %mul3A_205 = arith.constant 16 : i32
        %mul3A_206 = arith.muli %add3A_204, %mul3A_205 : i32
        %get3A_207 = arith.index_cast %mul3A_206 : i32 to index
        %get3A_208 = tpu.vector_load %arg9[%get3A_207] {strides = array<i32>} : memref<4000xi32, #tpu.memory_space<vmem>>, vector<16xi32>,
        %mul3A_209 = arith.constant 2 : i32
        %mul3A_210 = vector.broadcast %mul3A_209 : i32 to vector<16xi32>
        %mul3A_211 = arith.muli %get3A_208, %mul3A_210 : vector<16xi32>
        %add3A_212 = vector.broadcast %arg0 : i32 to vector<16xi32>
        %add3A_213 = arith.addi %mul3A_211, %add3A_212 : vector<16xi32>
        %swap3A_214 = arith.index_cast %mul3A_206 : i32 to index
        %swap3A_215 = tpu.vector_load %arg9[%swap3A_214] {strides = array<i32>} : memref<4000xi32, #tpu.memory_space<vmem>>, vector<16xi32>,
        tpu.vector_store %arg9[%swap3A_214], %add3A_213 {strides = array<i32>} : memref<4000xi32, #tpu.memory_space<vmem>>, vector<16xi32>,
        %scan3A_216 = arith.constant 7 : i32
        %scan3A_217 = arith.addi %scan3A_98, %scan3A_216 : i32
        %mul3A_218 = arith.constant 1 : i32
        %mul3A_219 = arith.muli %scan3A_217, %mul3A_218 : i32
        %add3A_220 = arith.constant 0 : i32
        %add3A_221 = arith.addi %add3A_220, %mul3A_219 : i32
        %mul3A_222 = arith.constant 16 : i32
        %mul3A_223 = arith.muli %add3A_221, %mul3A_222 : i32
        %get3A_224 = arith.index_cast %mul3A_223 : i32 to index
        %get3A_225 = tpu.vector_load %arg9[%get3A_224] {strides = array<i32>} : memref<4000xi32, #tpu.memory_space<vmem>>, vector<16xi32>,
        %mul3A_226 = arith.constant 2 : i32
        %mul3A_227 = vector.broadcast %mul3A_226 : i32 to vector<16xi32>
        %mul3A_228 = arith.muli %get3A_225, %mul3A_227 : vector<16xi32>
        %add3A_229 = vector.broadcast %arg0 : i32 to vector<16xi32>
        %add3A_230 = arith.addi %mul3A_228, %add3A_229 : vector<16xi32>
        %swap3A_231 = arith.index_cast %mul3A_223 : i32 to index
        %swap3A_232 = tpu.vector_load %arg9[%swap3A_231] {strides = array<i32>} : memref<4000xi32, #tpu.memory_space<vmem>>, vector<16xi32>,
        tpu.vector_store %arg9[%swap3A_231], %add3A_230 {strides = array<i32>} : memref<4000xi32, #tpu.memory_space<vmem>>, vector<16xi32>,
      }
      %scan3A_50 = arith.constant 248 : i32
      %scan3A_51 = arith.addi %scan3A_46, %scan3A_50 : i32
      %mul3A_52 = arith.constant 1 : i32
      %mul3A_53 = arith.muli %scan3A_51, %mul3A_52 : i32
      %add3A_54 = arith.constant 0 : i32
      %add3A_55 = arith.addi %add3A_54, %mul3A_53 : i32
      %mul3A_56 = arith.constant 16 : i32
      %mul3A_57 = arith.muli %add3A_55, %mul3A_56 : i32
      %get3A = arith.index_cast %mul3A_57 : i32 to index
      %get3A_58 = tpu.vector_load %arg9[%get3A] {strides = array<i32>} : memref<4000xi32, #tpu.memory_space<vmem>>, vector<16xi32>,
      %mul3A_59 = arith.constant 2 : i32
      %mul3A_60 = vector.broadcast %mul3A_59 : i32 to vector<16xi32>
      %mul3A_61 = arith.muli %get3A_58, %mul3A_60 : vector<16xi32>
      %add3A_62 = vector.broadcast %arg0 : i32 to vector<16xi32>
      %add3A_63 = arith.addi %mul3A_61, %add3A_62 : vector<16xi32>
      %swap3A = arith.index_cast %mul3A_57 : i32 to index
      %swap3A_64 = tpu.vector_load %arg9[%swap3A] {strides = array<i32>} : memref<4000xi32, #tpu.memory_space<vmem>>, vector<16xi32>,
      tpu.vector_store %arg9[%swap3A], %add3A_63 {strides = array<i32>} : memref<4000xi32, #tpu.memory_space<vmem>>, vector<16xi32>,
      %scan3A_65 = arith.constant 249 : i32
      %scan3A_66 = arith.addi %scan3A_46, %scan3A_65 : i32
      %mul3A_67 = arith.constant 1 : i32
      %mul3A_68 = arith.muli %scan3A_66, %mul3A_67 : i32
      %add3A_69 = arith.constant 0 : i32
      %add3A_70 = arith.addi %add3A_69, %mul3A_68 : i32
      %mul3A_71 = arith.constant 16 : i32
      %mul3A_72 = arith.muli %add3A_70, %mul3A_71 : i32
      %get3A_73 = arith.index_cast %mul3A_72 : i32 to index
      %get3A_74 = tpu.vector_load %arg9[%get3A_73] {strides = array<i32>} : memref<4000xi32, #tpu.memory_space<vmem>>, vector<16xi32>,
      %mul3A_75 = arith.constant 2 : i32
      %mul3A_76 = vector.broadcast %mul3A_75 : i32 to vector<16xi32>
      %mul3A_77 = arith.muli %get3A_74, %mul3A_76 : vector<16xi32>
      %add3A_78 = vector.broadcast %arg0 : i32 to vector<16xi32>
      %add3A_79 = arith.addi %mul3A_77, %add3A_78 : vector<16xi32>
      %swap3A_80 = arith.index_cast %mul3A_72 : i32 to index
      %swap3A_81 = tpu.vector_load %arg9[%swap3A_80] {strides = array<i32>} : memref<4000xi32, #tpu.memory_space<vmem>>, vector<16xi32>,
      tpu.vector_store %arg9[%swap3A_80], %add3A_79 {strides = array<i32>} : memref<4000xi32, #tpu.memory_space<vmem>>, vector<16xi32>,
      %scan3A_82 = arith.constant 250 : i32
      %dma_start3A_83 = arith.constant 0 : i32
      %dma_start3A_84 = tpu.memref_slice %arg9[%dma_start3A_83] : memref<4000xi32, #tpu.memory_space<vmem>> -> memref<80xi32, #tpu.memory_space<vmem>>
      %dma_start3A_85 = arith.constant 0 : i32
      %dma_start3A_86 = arith.constant 0 : i32
      %dma_start3A_87 = tpu.memref_slice %arg2[%dma_start3A_85, %dma_start3A_86] : memref<20000x64xf32, #tpu.memory_space<hbm>> -> memref<20000x64xf32, #tpu.memory_space<hbm>>
      tpu.enqueue_indirect_dma source(%dma_start3A_87 : memref<20000x64xf32, #tpu.memory_space<hbm>>) target(%arg13 : memref<80x64xf32, #tpu.memory_space<vmem>>) offsets(%dma_start3A_84 : memref<80xi32, #tpu.memory_space<vmem>>) semaphore(%arg18 : memref<!tpu.dma_semaphore, #tpu.memory_space<semaphore_mem>>)
      %scan3A_88 = arith.constant 0 : i32
      %scan3A_89 = arith.constant 25 : i32
      %scan3A_90 = arith.addi %scan3A_88, %scan3A_89 : i32
      %scan3A_91 = arith.constant 1 : i32
      scf.for %scan3A_98 = %scan3A_88 to %scan3A_90 step %scan3A_91  : i32 {
        %mul3A_99 = arith.constant 1 : i32
        %mul3A_100 = arith.muli %scan3A_98, %mul3A_99 : i32
        %add3A_101 = arith.constant 0 : i32
        %add3A_102 = arith.addi %add3A_101, %mul3A_100 : i32
        %mul3A_103 = arith.constant 2 : i32
        %mul3A_104 = arith.muli %add3A_102, %mul3A_103 : i32
        %add3A_105 = arith.constant 0 : i32
        %add3A_106 = arith.addi %mul3A_104, %add3A_105 : i32
        %dma_wait3A_107 = arith.constant 0 : i32
        %dma_wait3A_108 = tpu.memref_slice %arg9[%dma_wait3A_107] : memref<4000xi32, #tpu.memory_space<vmem>> -> memref<80xi32, #tpu.memory_space<vmem>>
        %dma_wait3A_109 = arith.constant 0 : i32
        %dma_wait3A_110 = arith.constant 0 : i32
        %dma_wait3A_111 = tpu.memref_slice %arg2[%dma_wait3A_109, %dma_wait3A_110] : memref<20000x64xf32, #tpu.memory_space<hbm>> -> memref<20000x64xf32, #tpu.memory_space<hbm>>
        tpu.wait_indirect_dma semaphore(%arg18 : memref<!tpu.dma_semaphore, #tpu.memory_space<semaphore_mem>>) src(%dma_wait3A_111 : memref<20000x64xf32, #tpu.memory_space<hbm>>) dst(%arg13 : memref<80x64xf32, #tpu.memory_space<vmem>>)
        %ge3A = arith.constant 1 : i32
        %ge3A_112 = arith.cmpi sge, %add3A_102, %ge3A : i32
        %convert_element_type3A_113 = arith.extui %ge3A_112 : i1 to i32
        %cond3A_114 = arith.constant 0 : i32
        %cond3A_115 = arith.cmpi ne, %convert_element_type3A_113, %cond3A_114 : i32
        scf.if %cond3A_115 {
          %dma_wait3A_175 = arith.constant 0 : i32
          %dma_wait3A_176 = tpu.memref_slice %arg10[%dma_wait3A_175] : memref<4000xi32, #tpu.memory_space<vmem>> -> memref<80xi32, #tpu.memory_space<vmem>>
          %dma_wait3A_177 = arith.constant 0 : i32
          %dma_wait3A_178 = arith.constant 0 : i32
          %dma_wait3A_179 = tpu.memref_slice %arg17[%dma_wait3A_177, %dma_wait3A_178] : memref<10000x64xf32, #tpu.memory_space<vmem_shared>> -> memref<10000x64xf32, #tpu.memory_space<vmem_shared>>
          tpu.wait_indirect_dma semaphore(%arg21 : memref<!tpu.dma_semaphore, #tpu.memory_space<semaphore_mem>>) src(%arg14 : memref<80x64xf32, #tpu.memory_space<vmem>>) dst(%dma_wait3A_179 : memref<10000x64xf32, #tpu.memory_space<vmem_shared>>)
        } else {
        }
        %add3A_116 = arith.constant 1 : i32
        %add3A_117 = arith.addi %add3A_106, %add3A_116 : i32
        %mul3A_118 = arith.constant 80 : i32
        %mul3A_119 = arith.muli %add3A_117, %mul3A_118 : i32
        %dma_start3A_120 = tpu.memref_slice %arg9[%mul3A_119] : memref<4000xi32, #tpu.memory_space<vmem>> -> memref<80xi32, #tpu.memory_space<vmem>>
        %dma_start3A_121 = arith.constant 0 : i32
        %dma_start3A_122 = arith.constant 0 : i32
        %dma_start3A_123 = tpu.memref_slice %arg2[%dma_start3A_121, %dma_start3A_122] : memref<20000x64xf32, #tpu.memory_space<hbm>> -> memref<20000x64xf32, #tpu.memory_space<hbm>>
        tpu.enqueue_indirect_dma source(%dma_start3A_123 : memref<20000x64xf32, #tpu.memory_space<hbm>>) target(%arg14 : memref<80x64xf32, #tpu.memory_space<vmem>>) offsets(%dma_start3A_120 : memref<80xi32, #tpu.memory_space<vmem>>) semaphore(%arg19 : memref<!tpu.dma_semaphore, #tpu.memory_space<semaphore_mem>>)
        %mul3A_124 = arith.constant 80 : i32
        %mul3A_125 = arith.muli %add3A_106, %mul3A_124 : i32
        %scan3A_126 = arith.constant 0 : i32
        %scan3A_127 = arith.constant 5 : i32
        %scan3A_128 = arith.addi %scan3A_126, %scan3A_127 : i32
        %scan3A_129 = arith.constant 1 : i32
        scf.for %scan3A_175 = %scan3A_126 to %scan3A_128 step %scan3A_129  : i32 {
          %mul3A_176 = arith.constant 1 : i32
          %mul3A_177 = arith.muli %scan3A_175, %mul3A_176 : i32
          %add3A_178 = arith.constant 0 : i32
          %add3A_179 = arith.addi %add3A_178, %mul3A_177 : i32
          %mul3A_180 = arith.constant 16 : i32
          %mul3A_181 = arith.muli %add3A_179, %mul3A_180 : i32
          %add3A_182 = arith.addi %mul3A_125, %mul3A_181 : i32
          %get3A_183 = arith.index_cast %add3A_182 : i32 to index
          %get3A_184 = tpu.vector_load %arg12[%get3A_183] {strides = array<i32>} : memref<4000xf32, #tpu.memory_space<vmem>>, vector<16xf32>,
          %slice3A = vector.extract_strided_slice %get3A_184 {offsets = [0], sizes = [1], strides = [1]} : vector<16xf32> to vector<1xf32>
          %squeeze3A = vector.extract %slice3A[0] : f32 from vector<1xf32>
          %mul3A_185 = arith.constant 16 : i32
          %mul3A_186 = arith.muli %add3A_179, %mul3A_185 : i32
          %add3A_187 = arith.constant 0 : i32
          %add3A_188 = arith.addi %mul3A_186, %add3A_187 : i32
          %get3A_189 = arith.index_cast %add3A_188 : i32 to index
          %get3A_190 = arith.constant 0 : index
          %get3A_191 = tpu.vector_load %arg13[%get3A_189, %get3A_190] {strides = array<i32>} : memref<80x64xf32, #tpu.memory_space<vmem>>, vector<16xf32>,
          %mul3A_192 = vector.broadcast %squeeze3A : f32 to vector<16xf32>
          %mul3A_193 = arith.mulf %get3A_191, %mul3A_192 : vector<16xf32>
          %swap3A_194 = arith.index_cast %add3A_188 : i32 to index
          %swap3A_195 = arith.constant 0 : index
          %swap3A_196 = tpu.vector_load %arg13[%swap3A_194, %swap3A_195] {strides = array<i32>} : memref<80x64xf32, #tpu.memory_space<vmem>>, vector<16xf32>,
          tpu.vector_store %arg13[%swap3A_194, %swap3A_195], %mul3A_193 {strides = array<i32>} : memref<80x64xf32, #tpu.memory_space<vmem>>, vector<16xf32>,
          %get3A_197 = arith.index_cast %add3A_188 : i32 to index
          %get3A_198 = arith.constant 16 : index
          %get3A_199 = tpu.vector_load %arg13[%get3A_197, %get3A_198] {strides = array<i32>} : memref<80x64xf32, #tpu.memory_space<vmem>>, vector<16xf32>,
          %mul3A_200 = vector.broadcast %squeeze3A : f32 to vector<16xf32>
          %mul3A_201 = arith.mulf %get3A_199, %mul3A_200 : vector<16xf32>
          %swap3A_202 = arith.index_cast %add3A_188 : i32 to index
          %swap3A_203 = arith.constant 16 : index
          %swap3A_204 = tpu.vector_load %arg13[%swap3A_202, %swap3A_203] {strides = array<i32>} : memref<80x64xf32, #tpu.memory_space<vmem>>, vector<16xf32>,
          tpu.vector_store %arg13[%swap3A_202, %swap3A_203], %mul3A_201 {strides = array<i32>} : memref<80x64xf32, #tpu.memory_space<vmem>>, vector<16xf32>,
          %get3A_205 = arith.index_cast %add3A_188 : i32 to index
          %get3A_206 = arith.constant 32 : index
          %get3A_207 = tpu.vector_load %arg13[%get3A_205, %get3A_206] {strides = array<i32>} : memref<80x64xf32, #tpu.memory_space<vmem>>, vector<16xf32>,
          %mul3A_208 = vector.broadcast %squeeze3A : f32 to vector<16xf32>
          %mul3A_209 = arith.mulf %get3A_207, %mul3A_208 : vector<16xf32>
          %swap3A_210 = arith.index_cast %add3A_188 : i32 to index
          %swap3A_211 = arith.constant 32 : index
          %swap3A_212 = tpu.vector_load %arg13[%swap3A_210, %swap3A_211] {strides = array<i32>} : memref<80x64xf32, #tpu.memory_space<vmem>>, vector<16xf32>,
          tpu.vector_store %arg13[%swap3A_210, %swap3A_211], %mul3A_209 {strides = array<i32>} : memref<80x64xf32, #tpu.memory_space<vmem>>, vector<16xf32>,
          %get3A_213 = arith.index_cast %add3A_188 : i32 to index
          %get3A_214 = arith.constant 48 : index
          %get3A_215 = tpu.vector_load %arg13[%get3A_213, %get3A_214] {strides = array<i32>} : memref<80x64xf32, #tpu.memory_space<vmem>>, vector<16xf32>,
          %mul3A_216 = vector.broadcast %squeeze3A : f32 to vector<16xf32>
          %mul3A_217 = arith.mulf %get3A_215, %mul3A_216 : vector<16xf32>
          %swap3A_218 = arith.index_cast %add3A_188 : i32 to index
          %swap3A_219 = arith.constant 48 : index
          %swap3A_220 = tpu.vector_load %arg13[%swap3A_218, %swap3A_219] {strides = array<i32>} : memref<80x64xf32, #tpu.memory_space<vmem>>, vector<16xf32>,
          tpu.vector_store %arg13[%swap3A_218, %swap3A_219], %mul3A_217 {strides = array<i32>} : memref<80x64xf32, #tpu.memory_space<vmem>>, vector<16xf32>,
          %slice3A_221 = vector.extract_strided_slice %get3A_184 {offsets = [1], sizes = [1], strides = [1]} : vector<16xf32> to vector<1xf32>
          %squeeze3A_222 = vector.extract %slice3A_221[0] : f32 from vector<1xf32>
          %mul3A_223 = arith.constant 16 : i32
          %mul3A_224 = arith.muli %add3A_179, %mul3A_223 : i32
          %add3A_225 = arith.constant 1 : i32
          %add3A_226 = arith.addi %mul3A_224, %add3A_225 : i32
          %get3A_227 = arith.index_cast %add3A_226 : i32 to index
          %get3A_228 = arith.constant 0 : index
          %get3A_229 = tpu.vector_load %arg13[%get3A_227, %get3A_228] {strides = array<i32>} : memref<80x64xf32, #tpu.memory_space<vmem>>, vector<16xf32>,
          %mul3A_230 = vector.broadcast %squeeze3A_222 : f32 to vector<16xf32>
          %mul3A_231 = arith.mulf %get3A_229, %mul3A_230 : vector<16xf32>
          %swap3A_232 = arith.index_cast %add3A_226 : i32 to index
          %swap3A_233 = arith.constant 0 : index
          %swap3A_234 = tpu.vector_load %arg13[%swap3A_232, %swap3A_233] {strides = array<i32>} : memref<80x64xf32, #tpu.memory_space<vmem>>, vector<16xf32>,
          tpu.vector_store %arg13[%swap3A_232, %swap3A_233], %mul3A_231 {strides = array<i32>} : memref<80x64xf32, #tpu.memory_space<vmem>>, vector<16xf32>,
          %get3A_235 = arith.index_cast %add3A_226 : i32 to index
          %get3A_236 = arith.constant 16 : index
          %get3A_237 = tpu.vector_load %arg13[%get3A_235, %get3A_236] {strides = array<i32>} : memref<80x64xf32, #tpu.memory_space<vmem>>, vector<16xf32>,
          %mul3A_238 = vector.broadcast %squeeze3A_222 : f32 to vector<16xf32>
          %mul3A_239 = arith.mulf %get3A_237, %mul3A_238 : vector<16xf32>
          %swap3A_240 = arith.index_cast %add3A_226 : i32 to index
          %swap3A_241 = arith.constant 16 : index
          %swap3A_242 = tpu.vector_load %arg13[%swap3A_240, %swap3A_241] {strides = array<i32>} : memref<80x64xf32, #tpu.memory_space<vmem>>, vector<16xf32>,
          tpu.vector_store %arg13[%swap3A_240, %swap3A_241], %mul3A_239 {strides = array<i32>} : memref<80x64xf32, #tpu.memory_space<vmem>>, vector<16xf32>,
          %get3A_243 = arith.index_cast %add3A_226 : i32 to index
          %get3A_244 = arith.constant 32 : index
          %get3A_245 = tpu.vector_load %arg13[%get3A_243, %get3A_244] {strides = array<i32>} : memref<80x64xf32, #tpu.memory_space<vmem>>, vector<16xf32>,
          %mul3A_246 = vector.broadcast %squeeze3A_222 : f32 to vector<16xf32>
          %mul3A_247 = arith.mulf %get3A_245, %mul3A_246 : vector<16xf32>
          %swap3A_248 = arith.index_cast %add3A_226 : i32 to index
          %swap3A_249 = arith.constant 32 : index
          %swap3A_250 = tpu.vector_load %arg13[%swap3A_248, %swap3A_249] {strides = array<i32>} : memref<80x64xf32, #tpu.memory_space<vmem>>, vector<16xf32>,
          tpu.vector_store %arg13[%swap3A_248, %swap3A_249], %mul3A_247 {strides = array<i32>} : memref<80x64xf32, #tpu.memory_space<vmem>>, vector<16xf32>,
          %get3A_251 = arith.index_cast %add3A_226 : i32 to index
          %get3A_252 = arith.constant 48 : index
          %get3A_253 = tpu.vector_load %arg13[%get3A_251, %get3A_252] {strides = array<i32>} : memref<80x64xf32, #tpu.memory_space<vmem>>, vector<16xf32>,
          %mul3A_254 = vector.broadcast %squeeze3A_222 : f32 to vector<16xf32>
          %mul3A_255 = arith.mulf %get3A_253, %mul3A_254 : vector<16xf32>
          %swap3A_256 = arith.index_cast %add3A_226 : i32 to index
          %swap3A_257 = arith.constant 48 : index
          %swap3A_258 = tpu.vector_load %arg13[%swap3A_256, %swap3A_257] {strides = array<i32>} : memref<80x64xf32, #tpu.memory_space<vmem>>, vector<16xf32>,
          tpu.vector_store %arg13[%swap3A_256, %swap3A_257], %mul3A_255 {strides = array<i32>} : memref<80x64xf32, #tpu.memory_space<vmem>>, vector<16xf32>,
          %slice3A_259 = vector.extract_strided_slice %get3A_184 {offsets = [2], sizes = [1], strides = [1]} : vector<16xf32> to vector<1xf32>
          %squeeze3A_260 = vector.extract %slice3A_259[0] : f32 from vector<1xf32>
          %mul3A_261 = arith.constant 16 : i32
          %mul3A_262 = arith.muli %add3A_179, %mul3A_261 : i32
          %add3A_263 = arith.constant 2 : i32
          %add3A_264 = arith.addi %mul3A_262, %add3A_263 : i32
          %get3A_265 = arith.index_cast %add3A_264 : i32 to index
          %get3A_266 = arith.constant 0 : index
          %get3A_267 = tpu.vector_load %arg13[%get3A_265, %get3A_266] {strides = array<i32>} : memref<80x64xf32, #tpu.memory_space<vmem>>, vector<16xf32>,
          %mul3A_268 = vector.broadcast %squeeze3A_260 : f32 to vector<16xf32>
          %mul3A_269 = arith.mulf %get3A_267, %mul3A_268 : vector<16xf32>
          %swap3A_270 = arith.index_cast %add3A_264 : i32 to index
          %swap3A_271 = arith.constant 0 : index
          %swap3A_272 = tpu.vector_load %arg13[%swap3A_270, %swap3A_271] {strides = array<i32>} : memref<80x64xf32, #tpu.memory_space<vmem>>, vector<16xf32>,
          tpu.vector_store %arg13[%swap3A_270, %swap3A_271], %mul3A_269 {strides = array<i32>} : memref<80x64xf32, #tpu.memory_space<vmem>>, vector<16xf32>,
          %get3A_273 = arith.index_cast %add3A_264 : i32 to index
          %get3A_274 = arith.constant 16 : index
          %get3A_275 = tpu.vector_load %arg13[%get3A_273, %get3A_274] {strides = array<i32>} : memref<80x64xf32, #tpu.memory_space<vmem>>, vector<16xf32>,
          %mul3A_276 = vector.broadcast %squeeze3A_260 : f32 to vector<16xf32>
          %mul3A_277 = arith.mulf %get3A_275, %mul3A_276 : vector<16xf32>
          %swap3A_278 = arith.index_cast %add3A_264 : i32 to index
          %swap3A_279 = arith.constant 16 : index
          %swap3A_280 = tpu.vector_load %arg13[%swap3A_278, %swap3A_279] {strides = array<i32>} : memref<80x64xf32, #tpu.memory_space<vmem>>, vector<16xf32>,
          tpu.vector_store %arg13[%swap3A_278, %swap3A_279], %mul3A_277 {strides = array<i32>} : memref<80x64xf32, #tpu.memory_space<vmem>>, vector<16xf32>,
          %get3A_281 = arith.index_cast %add3A_264 : i32 to index
          %get3A_282 = arith.constant 32 : index
          %get3A_283 = tpu.vector_load %arg13[%get3A_281, %get3A_282] {strides = array<i32>} : memref<80x64xf32, #tpu.memory_space<vmem>>, vector<16xf32>,
          %mul3A_284 = vector.broadcast %squeeze3A_260 : f32 to vector<16xf32>
          %mul3A_285 = arith.mulf %get3A_283, %mul3A_284 : vector<16xf32>
          %swap3A_286 = arith.index_cast %add3A_264 : i32 to index
          %swap3A_287 = arith.constant 32 : index
          %swap3A_288 = tpu.vector_load %arg13[%swap3A_286, %swap3A_287] {strides = array<i32>} : memref<80x64xf32, #tpu.memory_space<vmem>>, vector<16xf32>,
          tpu.vector_store %arg13[%swap3A_286, %swap3A_287], %mul3A_285 {strides = array<i32>} : memref<80x64xf32, #tpu.memory_space<vmem>>, vector<16xf32>,
          %get3A_289 = arith.index_cast %add3A_264 : i32 to index
          %get3A_290 = arith.constant 48 : index
          %get3A_291 = tpu.vector_load %arg13[%get3A_289, %get3A_290] {strides = array<i32>} : memref<80x64xf32, #tpu.memory_space<vmem>>, vector<16xf32>,
          %mul3A_292 = vector.broadcast %squeeze3A_260 : f32 to vector<16xf32>
          %mul3A_293 = arith.mulf %get3A_291, %mul3A_292 : vector<16xf32>
          %swap3A_294 = arith.index_cast %add3A_264 : i32 to index
          %swap3A_295 = arith.constant 48 : index
          %swap3A_296 = tpu.vector_load %arg13[%swap3A_294, %swap3A_295] {strides = array<i32>} : memref<80x64xf32, #tpu.memory_space<vmem>>, vector<16xf32>,
          tpu.vector_store %arg13[%swap3A_294, %swap3A_295], %mul3A_293 {strides = array<i32>} : memref<80x64xf32, #tpu.memory_space<vmem>>, vector<16xf32>,
          %slice3A_297 = vector.extract_strided_slice %get3A_184 {offsets = [3], sizes = [1], strides = [1]} : vector<16xf32> to vector<1xf32>
          %squeeze3A_298 = vector.extract %slice3A_297[0] : f32 from vector<1xf32>
          %mul3A_299 = arith.constant 16 : i32
          %mul3A_300 = arith.muli %add3A_179, %mul3A_299 : i32
          %add3A_301 = arith.constant 3 : i32
          %add3A_302 = arith.addi %mul3A_300, %add3A_301 : i32
          %get3A_303 = arith.index_cast %add3A_302 : i32 to index
          %get3A_304 = arith.constant 0 : index
          %get3A_305 = tpu.vector_load %arg13[%get3A_303, %get3A_304] {strides = array<i32>} : memref<80x64xf32, #tpu.memory_space<vmem>>, vector<16xf32>,
          %mul3A_306 = vector.broadcast %squeeze3A_298 : f32 to vector<16xf32>
          %mul3A_307 = arith.mulf %get3A_305, %mul3A_306 : vector<16xf32>
          %swap3A_308 = arith.index_cast %add3A_302 : i32 to index
          %swap3A_309 = arith.constant 0 : index
          %swap3A_310 = tpu.vector_load %arg13[%swap3A_308, %swap3A_309] {strides = array<i32>} : memref<80x64xf32, #tpu.memory_space<vmem>>, vector<16xf32>,
          tpu.vector_store %arg13[%swap3A_308, %swap3A_309], %mul3A_307 {strides = array<i32>} : memref<80x64xf32, #tpu.memory_space<vmem>>, vector<16xf32>,
          %get3A_311 = arith.index_cast %add3A_302 : i32 to index
          %get3A_312 = arith.constant 16 : index
          %get3A_313 = tpu.vector_load %arg13[%get3A_311, %get3A_312] {strides = array<i32>} : memref<80x64xf32, #tpu.memory_space<vmem>>, vector<16xf32>,
          %mul3A_314 = vector.broadcast %squeeze3A_298 : f32 to vector<16xf32>
          %mul3A_315 = arith.mulf %get3A_313, %mul3A_314 : vector<16xf32>
          %swap3A_316 = arith.index_cast %add3A_302 : i32 to index
          %swap3A_317 = arith.constant 16 : index
          %swap3A_318 = tpu.vector_load %arg13[%swap3A_316, %swap3A_317] {strides = array<i32>} : memref<80x64xf32, #tpu.memory_space<vmem>>, vector<16xf32>,
          tpu.vector_store %arg13[%swap3A_316, %swap3A_317], %mul3A_315 {strides = array<i32>} : memref<80x64xf32, #tpu.memory_space<vmem>>, vector<16xf32>,
          %get3A_319 = arith.index_cast %add3A_302 : i32 to index
          %get3A_320 = arith.constant 32 : index
          %get3A_321 = tpu.vector_load %arg13[%get3A_319, %get3A_320] {strides = array<i32>} : memref<80x64xf32, #tpu.memory_space<vmem>>, vector<16xf32>,
          %mul3A_322 = vector.broadcast %squeeze3A_298 : f32 to vector<16xf32>
          %mul3A_323 = arith.mulf %get3A_321, %mul3A_322 : vector<16xf32>
          %swap3A_324 = arith.index_cast %add3A_302 : i32 to index
          %swap3A_325 = arith.constant 32 : index
          %swap3A_326 = tpu.vector_load %arg13[%swap3A_324, %swap3A_325] {strides = array<i32>} : memref<80x64xf32, #tpu.memory_space<vmem>>, vector<16xf32>,
          tpu.vector_store %arg13[%swap3A_324, %swap3A_325], %mul3A_323 {strides = array<i32>} : memref<80x64xf32, #tpu.memory_space<vmem>>, vector<16xf32>,
          %get3A_327 = arith.index_cast %add3A_302 : i32 to index
          %get3A_328 = arith.constant 48 : index
          %get3A_329 = tpu.vector_load %arg13[%get3A_327, %get3A_328] {strides = array<i32>} : memref<80x64xf32, #tpu.memory_space<vmem>>, vector<16xf32>,
          %mul3A_330 = vector.broadcast %squeeze3A_298 : f32 to vector<16xf32>
          %mul3A_331 = arith.mulf %get3A_329, %mul3A_330 : vector<16xf32>
          %swap3A_332 = arith.index_cast %add3A_302 : i32 to index
          %swap3A_333 = arith.constant 48 : index
          %swap3A_334 = tpu.vector_load %arg13[%swap3A_332, %swap3A_333] {strides = array<i32>} : memref<80x64xf32, #tpu.memory_space<vmem>>, vector<16xf32>,
          tpu.vector_store %arg13[%swap3A_332, %swap3A_333], %mul3A_331 {strides = array<i32>} : memref<80x64xf32, #tpu.memory_space<vmem>>, vector<16xf32>,
          %slice3A_335 = vector.extract_strided_slice %get3A_184 {offsets = [4], sizes = [1], strides = [1]} : vector<16xf32> to vector<1xf32>
          %squeeze3A_336 = vector.extract %slice3A_335[0] : f32 from vector<1xf32>
          %mul3A_337 = arith.constant 16 : i32
          %mul3A_338 = arith.muli %add3A_179, %mul3A_337 : i32
          %add3A_339 = arith.constant 4 : i32
          %add3A_340 = arith.addi %mul3A_338, %add3A_339 : i32
          %get3A_341 = arith.index_cast %add3A_340 : i32 to index
          %get3A_342 = arith.constant 0 : index
          %get3A_343 = tpu.vector_load %arg13[%get3A_341, %get3A_342] {strides = array<i32>} : memref<80x64xf32, #tpu.memory_space<vmem>>, vector<16xf32>,
          %mul3A_344 = vector.broadcast %squeeze3A_336 : f32 to vector<16xf32>
          %mul3A_345 = arith.mulf %get3A_343, %mul3A_344 : vector<16xf32>
          %swap3A_346 = arith.index_cast %add3A_340 : i32 to index
          %swap3A_347 = arith.constant 0 : index
          %swap3A_348 = tpu.vector_load %arg13[%swap3A_346, %swap3A_347] {strides = array<i32>} : memref<80x64xf32, #tpu.memory_space<vmem>>, vector<16xf32>,
          tpu.vector_store %arg13[%swap3A_346, %swap3A_347], %mul3A_345 {strides = array<i32>} : memref<80x64xf32, #tpu.memory_space<vmem>>, vector<16xf32>,
          %get3A_349 = arith.index_cast %add3A_340 : i32 to index
          %get3A_350 = arith.constant 16 : index
          %get3A_351 = tpu.vector_load %arg13[%get3A_349, %get3A_350] {strides = array<i32>} : memref<80x64xf32, #tpu.memory_space<vmem>>, vector<16xf32>,
          %mul3A_352 = vector.broadcast %squeeze3A_336 : f32 to vector<16xf32>
          %mul3A_353 = arith.mulf %get3A_351, %mul3A_352 : vector<16xf32>
          %swap3A_354 = arith.index_cast %add3A_340 : i32 to index
          %swap3A_355 = arith.constant 16 : index
          %swap3A_356 = tpu.vector_load %arg13[%swap3A_354, %swap3A_355] {strides = array<i32>} : memref<80x64xf32, #tpu.memory_space<vmem>>, vector<16xf32>,
          tpu.vector_store %arg13[%swap3A_354, %swap3A_355], %mul3A_353 {strides = array<i32>} : memref<80x64xf32, #tpu.memory_space<vmem>>, vector<16xf32>,
          %get3A_357 = arith.index_cast %add3A_340 : i32 to index
          %get3A_358 = arith.constant 32 : index
          %get3A_359 = tpu.vector_load %arg13[%get3A_357, %get3A_358] {strides = array<i32>} : memref<80x64xf32, #tpu.memory_space<vmem>>, vector<16xf32>,
          %mul3A_360 = vector.broadcast %squeeze3A_336 : f32 to vector<16xf32>
          %mul3A_361 = arith.mulf %get3A_359, %mul3A_360 : vector<16xf32>
          %swap3A_362 = arith.index_cast %add3A_340 : i32 to index
          %swap3A_363 = arith.constant 32 : index
          %swap3A_364 = tpu.vector_load %arg13[%swap3A_362, %swap3A_363] {strides = array<i32>} : memref<80x64xf32, #tpu.memory_space<vmem>>, vector<16xf32>,
          tpu.vector_store %arg13[%swap3A_362, %swap3A_363], %mul3A_361 {strides = array<i32>} : memref<80x64xf32, #tpu.memory_space<vmem>>, vector<16xf32>,
          %get3A_365 = arith.index_cast %add3A_340 : i32 to index
          %get3A_366 = arith.constant 48 : index
          %get3A_367 = tpu.vector_load %arg13[%get3A_365, %get3A_366] {strides = array<i32>} : memref<80x64xf32, #tpu.memory_space<vmem>>, vector<16xf32>,
          %mul3A_368 = vector.broadcast %squeeze3A_336 : f32 to vector<16xf32>
          %mul3A_369 = arith.mulf %get3A_367, %mul3A_368 : vector<16xf32>
          %swap3A_370 = arith.index_cast %add3A_340 : i32 to index
          %swap3A_371 = arith.constant 48 : index
          %swap3A_372 = tpu.vector_load %arg13[%swap3A_370, %swap3A_371] {strides = array<i32>} : memref<80x64xf32, #tpu.memory_space<vmem>>, vector<16xf32>,
          tpu.vector_store %arg13[%swap3A_370, %swap3A_371], %mul3A_369 {strides = array<i32>} : memref<80x64xf32, #tpu.memory_space<vmem>>, vector<16xf32>,
          %slice3A_373 = vector.extract_strided_slice %get3A_184 {offsets = [5], sizes = [1], strides = [1]} : vector<16xf32> to vector<1xf32>
          %squeeze3A_374 = vector.extract %slice3A_373[0] : f32 from vector<1xf32>
          %mul3A_375 = arith.constant 16 : i32
          %mul3A_376 = arith.muli %add3A_179, %mul3A_375 : i32
          %add3A_377 = arith.constant 5 : i32
          %add3A_378 = arith.addi %mul3A_376, %add3A_377 : i32
          %get3A_379 = arith.index_cast %add3A_378 : i32 to index
          %get3A_380 = arith.constant 0 : index
          %get3A_381 = tpu.vector_load %arg13[%get3A_379, %get3A_380] {strides = array<i32>} : memref<80x64xf32, #tpu.memory_space<vmem>>, vector<16xf32>,
          %mul3A_382 = vector.broadcast %squeeze3A_374 : f32 to vector<16xf32>
          %mul3A_383 = arith.mulf %get3A_381, %mul3A_382 : vector<16xf32>
          %swap3A_384 = arith.index_cast %add3A_378 : i32 to index
          %swap3A_385 = arith.constant 0 : index
          %swap3A_386 = tpu.vector_load %arg13[%swap3A_384, %swap3A_385] {strides = array<i32>} : memref<80x64xf32, #tpu.memory_space<vmem>>, vector<16xf32>,
          tpu.vector_store %arg13[%swap3A_384, %swap3A_385], %mul3A_383 {strides = array<i32>} : memref<80x64xf32, #tpu.memory_space<vmem>>, vector<16xf32>,
          %get3A_387 = arith.index_cast %add3A_378 : i32 to index
          %get3A_388 = arith.constant 16 : index
          %get3A_389 = tpu.vector_load %arg13[%get3A_387, %get3A_388] {strides = array<i32>} : memref<80x64xf32, #tpu.memory_space<vmem>>, vector<16xf32>,
          %mul3A_390 = vector.broadcast %squeeze3A_374 : f32 to vector<16xf32>
          %mul3A_391 = arith.mulf %get3A_389, %mul3A_390 : vector<16xf32>
          %swap3A_392 = arith.index_cast %add3A_378 : i32 to index
          %swap3A_393 = arith.constant 16 : index
          %swap3A_394 = tpu.vector_load %arg13[%swap3A_392, %swap3A_393] {strides = array<i32>} : memref<80x64xf32, #tpu.memory_space<vmem>>, vector<16xf32>,
          tpu.vector_store %arg13[%swap3A_392, %swap3A_393], %mul3A_391 {strides = array<i32>} : memref<80x64xf32, #tpu.memory_space<vmem>>, vector<16xf32>,
          %get3A_395 = arith.index_cast %add3A_378 : i32 to index
          %get3A_396 = arith.constant 32 : index
          %get3A_397 = tpu.vector_load %arg13[%get3A_395, %get3A_396] {strides = array<i32>} : memref<80x64xf32, #tpu.memory_space<vmem>>, vector<16xf32>,
          %mul3A_398 = vector.broadcast %squeeze3A_374 : f32 to vector<16xf32>
          %mul3A_399 = arith.mulf %get3A_397, %mul3A_398 : vector<16xf32>
          %swap3A_400 = arith.index_cast %add3A_378 : i32 to index
          %swap3A_401 = arith.constant 32 : index
          %swap3A_402 = tpu.vector_load %arg13[%swap3A_400, %swap3A_401] {strides = array<i32>} : memref<80x64xf32, #tpu.memory_space<vmem>>, vector<16xf32>,
          tpu.vector_store %arg13[%swap3A_400, %swap3A_401], %mul3A_399 {strides = array<i32>} : memref<80x64xf32, #tpu.memory_space<vmem>>, vector<16xf32>,
          %get3A_403 = arith.index_cast %add3A_378 : i32 to index
          %get3A_404 = arith.constant 48 : index
          %get3A_405 = tpu.vector_load %arg13[%get3A_403, %get3A_404] {strides = array<i32>} : memref<80x64xf32, #tpu.memory_space<vmem>>, vector<16xf32>,
          %mul3A_406 = vector.broadcast %squeeze3A_374 : f32 to vector<16xf32>
          %mul3A_407 = arith.mulf %get3A_405, %mul3A_406 : vector<16xf32>
          %swap3A_408 = arith.index_cast %add3A_378 : i32 to index
          %swap3A_409 = arith.constant 48 : index
          %swap3A_410 = tpu.vector_load %arg13[%swap3A_408, %swap3A_409] {strides = array<i32>} : memref<80x64xf32, #tpu.memory_space<vmem>>, vector<16xf32>,
          tpu.vector_store %arg13[%swap3A_408, %swap3A_409], %mul3A_407 {strides = array<i32>} : memref<80x64xf32, #tpu.memory_space<vmem>>, vector<16xf32>,
          %slice3A_411 = vector.extract_strided_slice %get3A_184 {offsets = [6], sizes = [1], strides = [1]} : vector<16xf32> to vector<1xf32>
          %squeeze3A_412 = vector.extract %slice3A_411[0] : f32 from vector<1xf32>
          %mul3A_413 = arith.constant 16 : i32
          %mul3A_414 = arith.muli %add3A_179, %mul3A_413 : i32
          %add3A_415 = arith.constant 6 : i32
          %add3A_416 = arith.addi %mul3A_414, %add3A_415 : i32
          %get3A_417 = arith.index_cast %add3A_416 : i32 to index
          %get3A_418 = arith.constant 0 : index
          %get3A_419 = tpu.vector_load %arg13[%get3A_417, %get3A_418] {strides = array<i32>} : memref<80x64xf32, #tpu.memory_space<vmem>>, vector<16xf32>,
          %mul3A_420 = vector.broadcast %squeeze3A_412 : f32 to vector<16xf32>
          %mul3A_421 = arith.mulf %get3A_419, %mul3A_420 : vector<16xf32>
          %swap3A_422 = arith.index_cast %add3A_416 : i32 to index
          %swap3A_423 = arith.constant 0 : index
          %swap3A_424 = tpu.vector_load %arg13[%swap3A_422, %swap3A_423] {strides = array<i32>} : memref<80x64xf32, #tpu.memory_space<vmem>>, vector<16xf32>,
          tpu.vector_store %arg13[%swap3A_422, %swap3A_423], %mul3A_421 {strides = array<i32>} : memref<80x64xf32, #tpu.memory_space<vmem>>, vector<16xf32>,
          %get3A_425 = arith.index_cast %add3A_416 : i32 to index
          %get3A_426 = arith.constant 16 : index
          %get3A_427 = tpu.vector_load %arg13[%get3A_425, %get3A_426] {strides = array<i32>} : memref<80x64xf32, #tpu.memory_space<vmem>>, vector<16xf32>,
          %mul3A_428 = vector.broadcast %squeeze3A_412 : f32 to vector<16xf32>
          %mul3A_429 = arith.mulf %get3A_427, %mul3A_428 : vector<16xf32>
          %swap3A_430 = arith.index_cast %add3A_416 : i32 to index
          %swap3A_431 = arith.constant 16 : index
          %swap3A_432 = tpu.vector_load %arg13[%swap3A_430, %swap3A_431] {strides = array<i32>} : memref<80x64xf32, #tpu.memory_space<vmem>>, vector<16xf32>,
          tpu.vector_store %arg13[%swap3A_430, %swap3A_431], %mul3A_429 {strides = array<i32>} : memref<80x64xf32, #tpu.memory_space<vmem>>, vector<16xf32>,
          %get3A_433 = arith.index_cast %add3A_416 : i32 to index
          %get3A_434 = arith.constant 32 : index
          %get3A_435 = tpu.vector_load %arg13[%get3A_433, %get3A_434] {strides = array<i32>} : memref<80x64xf32, #tpu.memory_space<vmem>>, vector<16xf32>,
          %mul3A_436 = vector.broadcast %squeeze3A_412 : f32 to vector<16xf32>
          %mul3A_437 = arith.mulf %get3A_435, %mul3A_436 : vector<16xf32>
          %swap3A_438 = arith.index_cast %add3A_416 : i32 to index
          %swap3A_439 = arith.constant 32 : index
          %swap3A_440 = tpu.vector_load %arg13[%swap3A_438, %swap3A_439] {strides = array<i32>} : memref<80x64xf32, #tpu.memory_space<vmem>>, vector<16xf32>,
          tpu.vector_store %arg13[%swap3A_438, %swap3A_439], %mul3A_437 {strides = array<i32>} : memref<80x64xf32, #tpu.memory_space<vmem>>, vector<16xf32>,
          %get3A_441 = arith.index_cast %add3A_416 : i32 to index
          %get3A_442 = arith.constant 48 : index
          %get3A_443 = tpu.vector_load %arg13[%get3A_441, %get3A_442] {strides = array<i32>} : memref<80x64xf32, #tpu.memory_space<vmem>>, vector<16xf32>,
          %mul3A_444 = vector.broadcast %squeeze3A_412 : f32 to vector<16xf32>
          %mul3A_445 = arith.mulf %get3A_443, %mul3A_444 : vector<16xf32>
          %swap3A_446 = arith.index_cast %add3A_416 : i32 to index
          %swap3A_447 = arith.constant 48 : index
          %swap3A_448 = tpu.vector_load %arg13[%swap3A_446, %swap3A_447] {strides = array<i32>} : memref<80x64xf32, #tpu.memory_space<vmem>>, vector<16xf32>,
          tpu.vector_store %arg13[%swap3A_446, %swap3A_447], %mul3A_445 {strides = array<i32>} : memref<80x64xf32, #tpu.memory_space<vmem>>, vector<16xf32>,
          %slice3A_449 = vector.extract_strided_slice %get3A_184 {offsets = [7], sizes = [1], strides = [1]} : vector<16xf32> to vector<1xf32>
          %squeeze3A_450 = vector.extract %slice3A_449[0] : f32 from vector<1xf32>
          %mul3A_451 = arith.constant 16 : i32
          %mul3A_452 = arith.muli %add3A_179, %mul3A_451 : i32
          %add3A_453 = arith.constant 7 : i32
          %add3A_454 = arith.addi %mul3A_452, %add3A_453 : i32
          %get3A_455 = arith.index_cast %add3A_454 : i32 to index
          %get3A_456 = arith.constant 0 : index
          %get3A_457 = tpu.vector_load %arg13[%get3A_455, %get3A_456] {strides = array<i32>} : memref<80x64xf32, #tpu.memory_space<vmem>>, vector<16xf32>,
          %mul3A_458 = vector.broadcast %squeeze3A_450 : f32 to vector<16xf32>
          %mul3A_459 = arith.mulf %get3A_457, %mul3A_458 : vector<16xf32>
          %swap3A_460 = arith.index_cast %add3A_454 : i32 to index
          %swap3A_461 = arith.constant 0 : index
          %swap3A_462 = tpu.vector_load %arg13[%swap3A_460, %swap3A_461] {strides = array<i32>} : memref<80x64xf32, #tpu.memory_space<vmem>>, vector<16xf32>,
          tpu.vector_store %arg13[%swap3A_460, %swap3A_461], %mul3A_459 {strides = array<i32>} : memref<80x64xf32, #tpu.memory_space<vmem>>, vector<16xf32>,
          %get3A_463 = arith.index_cast %add3A_454 : i32 to index
          %get3A_464 = arith.constant 16 : index
          %get3A_465 = tpu.vector_load %arg13[%get3A_463, %get3A_464] {strides = array<i32>} : memref<80x64xf32, #tpu.memory_space<vmem>>, vector<16xf32>,
          %mul3A_466 = vector.broadcast %squeeze3A_450 : f32 to vector<16xf32>
          %mul3A_467 = arith.mulf %get3A_465, %mul3A_466 : vector<16xf32>
          %swap3A_468 = arith.index_cast %add3A_454 : i32 to index
          %swap3A_469 = arith.constant 16 : index
          %swap3A_470 = tpu.vector_load %arg13[%swap3A_468, %swap3A_469] {strides = array<i32>} : memref<80x64xf32, #tpu.memory_space<vmem>>, vector<16xf32>,
          tpu.vector_store %arg13[%swap3A_468, %swap3A_469], %mul3A_467 {strides = array<i32>} : memref<80x64xf32, #tpu.memory_space<vmem>>, vector<16xf32>,
          %get3A_471 = arith.index_cast %add3A_454 : i32 to index
          %get3A_472 = arith.constant 32 : index
          %get3A_473 = tpu.vector_load %arg13[%get3A_471, %get3A_472] {strides = array<i32>} : memref<80x64xf32, #tpu.memory_space<vmem>>, vector<16xf32>,
          %mul3A_474 = vector.broadcast %squeeze3A_450 : f32 to vector<16xf32>
          %mul3A_475 = arith.mulf %get3A_473, %mul3A_474 : vector<16xf32>
          %swap3A_476 = arith.index_cast %add3A_454 : i32 to index
          %swap3A_477 = arith.constant 32 : index
          %swap3A_478 = tpu.vector_load %arg13[%swap3A_476, %swap3A_477] {strides = array<i32>} : memref<80x64xf32, #tpu.memory_space<vmem>>, vector<16xf32>,
          tpu.vector_store %arg13[%swap3A_476, %swap3A_477], %mul3A_475 {strides = array<i32>} : memref<80x64xf32, #tpu.memory_space<vmem>>, vector<16xf32>,
          %get3A_479 = arith.index_cast %add3A_454 : i32 to index
          %get3A_480 = arith.constant 48 : index
          %get3A_481 = tpu.vector_load %arg13[%get3A_479, %get3A_480] {strides = array<i32>} : memref<80x64xf32, #tpu.memory_space<vmem>>, vector<16xf32>,
          %mul3A_482 = vector.broadcast %squeeze3A_450 : f32 to vector<16xf32>
          %mul3A_483 = arith.mulf %get3A_481, %mul3A_482 : vector<16xf32>
          %swap3A_484 = arith.index_cast %add3A_454 : i32 to index
          %swap3A_485 = arith.constant 48 : index
          %swap3A_486 = tpu.vector_load %arg13[%swap3A_484, %swap3A_485] {strides = array<i32>} : memref<80x64xf32, #tpu.memory_space<vmem>>, vector<16xf32>,
          tpu.vector_store %arg13[%swap3A_484, %swap3A_485], %mul3A_483 {strides = array<i32>} : memref<80x64xf32, #tpu.memory_space<vmem>>, vector<16xf32>,
          %slice3A_487 = vector.extract_strided_slice %get3A_184 {offsets = [8], sizes = [1], strides = [1]} : vector<16xf32> to vector<1xf32>
          %squeeze3A_488 = vector.extract %slice3A_487[0] : f32 from vector<1xf32>
          %mul3A_489 = arith.constant 16 : i32
          %mul3A_490 = arith.muli %add3A_179, %mul3A_489 : i32
          %add3A_491 = arith.constant 8 : i32
          %add3A_492 = arith.addi %mul3A_490, %add3A_491 : i32
          %get3A_493 = arith.index_cast %add3A_492 : i32 to index
          %get3A_494 = arith.constant 0 : index
          %get3A_495 = tpu.vector_load %arg13[%get3A_493, %get3A_494] {strides = array<i32>} : memref<80x64xf32, #tpu.memory_space<vmem>>, vector<16xf32>,
          %mul3A_496 = vector.broadcast %squeeze3A_488 : f32 to vector<16xf32>
          %mul3A_497 = arith.mulf %get3A_495, %mul3A_496 : vector<16xf32>
          %swap3A_498 = arith.index_cast %add3A_492 : i32 to index
          %swap3A_499 = arith.constant 0 : index
          %swap3A_500 = tpu.vector_load %arg13[%swap3A_498, %swap3A_499] {strides = array<i32>} : memref<80x64xf32, #tpu.memory_space<vmem>>, vector<16xf32>,
          tpu.vector_store %arg13[%swap3A_498, %swap3A_499], %mul3A_497 {strides = array<i32>} : memref<80x64xf32, #tpu.memory_space<vmem>>, vector<16xf32>,
          %get3A_501 = arith.index_cast %add3A_492 : i32 to index
          %get3A_502 = arith.constant 16 : index
          %get3A_503 = tpu.vector_load %arg13[%get3A_501, %get3A_502] {strides = array<i32>} : memref<80x64xf32, #tpu.memory_space<vmem>>, vector<16xf32>,
          %mul3A_504 = vector.broadcast %squeeze3A_488 : f32 to vector<16xf32>
          %mul3A_505 = arith.mulf %get3A_503, %mul3A_504 : vector<16xf32>
          %swap3A_506 = arith.index_cast %add3A_492 : i32 to index
          %swap3A_507 = arith.constant 16 : index
          %swap3A_508 = tpu.vector_load %arg13[%swap3A_506, %swap3A_507] {strides = array<i32>} : memref<80x64xf32, #tpu.memory_space<vmem>>, vector<16xf32>,
          tpu.vector_store %arg13[%swap3A_506, %swap3A_507], %mul3A_505 {strides = array<i32>} : memref<80x64xf32, #tpu.memory_space<vmem>>, vector<16xf32>,
          %get3A_509 = arith.index_cast %add3A_492 : i32 to index
          %get3A_510 = arith.constant 32 : index
          %get3A_511 = tpu.vector_load %arg13[%get3A_509, %get3A_510] {strides = array<i32>} : memref<80x64xf32, #tpu.memory_space<vmem>>, vector<16xf32>,
          %mul3A_512 = vector.broadcast %squeeze3A_488 : f32 to vector<16xf32>
          %mul3A_513 = arith.mulf %get3A_511, %mul3A_512 : vector<16xf32>
          %swap3A_514 = arith.index_cast %add3A_492 : i32 to index
          %swap3A_515 = arith.constant 32 : index
          %swap3A_516 = tpu.vector_load %arg13[%swap3A_514, %swap3A_515] {strides = array<i32>} : memref<80x64xf32, #tpu.memory_space<vmem>>, vector<16xf32>,
          tpu.vector_store %arg13[%swap3A_514, %swap3A_515], %mul3A_513 {strides = array<i32>} : memref<80x64xf32, #tpu.memory_space<vmem>>, vector<16xf32>,
          %get3A_517 = arith.index_cast %add3A_492 : i32 to index
          %get3A_518 = arith.constant 48 : index
          %get3A_519 = tpu.vector_load %arg13[%get3A_517, %get3A_518] {strides = array<i32>} : memref<80x64xf32, #tpu.memory_space<vmem>>, vector<16xf32>,
          %mul3A_520 = vector.broadcast %squeeze3A_488 : f32 to vector<16xf32>
          %mul3A_521 = arith.mulf %get3A_519, %mul3A_520 : vector<16xf32>
          %swap3A_522 = arith.index_cast %add3A_492 : i32 to index
          %swap3A_523 = arith.constant 48 : index
          %swap3A_524 = tpu.vector_load %arg13[%swap3A_522, %swap3A_523] {strides = array<i32>} : memref<80x64xf32, #tpu.memory_space<vmem>>, vector<16xf32>,
          tpu.vector_store %arg13[%swap3A_522, %swap3A_523], %mul3A_521 {strides = array<i32>} : memref<80x64xf32, #tpu.memory_space<vmem>>, vector<16xf32>,
          %slice3A_525 = vector.extract_strided_slice %get3A_184 {offsets = [9], sizes = [1], strides = [1]} : vector<16xf32> to vector<1xf32>
          %squeeze3A_526 = vector.extract %slice3A_525[0] : f32 from vector<1xf32>
          %mul3A_527 = arith.constant 16 : i32
          %mul3A_528 = arith.muli %add3A_179, %mul3A_527 : i32
          %add3A_529 = arith.constant 9 : i32
          %add3A_530 = arith.addi %mul3A_528, %add3A_529 : i32
          %get3A_531 = arith.index_cast %add3A_530 : i32 to index
          %get3A_532 = arith.constant 0 : index
          %get3A_533 = tpu.vector_load %arg13[%get3A_531, %get3A_532] {strides = array<i32>} : memref<80x64xf32, #tpu.memory_space<vmem>>, vector<16xf32>,
          %mul3A_534 = vector.broadcast %squeeze3A_526 : f32 to vector<16xf32>
          %mul3A_535 = arith.mulf %get3A_533, %mul3A_534 : vector<16xf32>
          %swap3A_536 = arith.index_cast %add3A_530 : i32 to index
          %swap3A_537 = arith.constant 0 : index
          %swap3A_538 = tpu.vector_load %arg13[%swap3A_536, %swap3A_537] {strides = array<i32>} : memref<80x64xf32, #tpu.memory_space<vmem>>, vector<16xf32>,
          tpu.vector_store %arg13[%swap3A_536, %swap3A_537], %mul3A_535 {strides = array<i32>} : memref<80x64xf32, #tpu.memory_space<vmem>>, vector<16xf32>,
          %get3A_539 = arith.index_cast %add3A_530 : i32 to index
          %get3A_540 = arith.constant 16 : index
          %get3A_541 = tpu.vector_load %arg13[%get3A_539, %get3A_540] {strides = array<i32>} : memref<80x64xf32, #tpu.memory_space<vmem>>, vector<16xf32>,
          %mul3A_542 = vector.broadcast %squeeze3A_526 : f32 to vector<16xf32>
          %mul3A_543 = arith.mulf %get3A_541, %mul3A_542 : vector<16xf32>
          %swap3A_544 = arith.index_cast %add3A_530 : i32 to index
          %swap3A_545 = arith.constant 16 : index
          %swap3A_546 = tpu.vector_load %arg13[%swap3A_544, %swap3A_545] {strides = array<i32>} : memref<80x64xf32, #tpu.memory_space<vmem>>, vector<16xf32>,
          tpu.vector_store %arg13[%swap3A_544, %swap3A_545], %mul3A_543 {strides = array<i32>} : memref<80x64xf32, #tpu.memory_space<vmem>>, vector<16xf32>,
          %get3A_547 = arith.index_cast %add3A_530 : i32 to index
          %get3A_548 = arith.constant 32 : index
          %get3A_549 = tpu.vector_load %arg13[%get3A_547, %get3A_548] {strides = array<i32>} : memref<80x64xf32, #tpu.memory_space<vmem>>, vector<16xf32>,
          %mul3A_550 = vector.broadcast %squeeze3A_526 : f32 to vector<16xf32>
          %mul3A_551 = arith.mulf %get3A_549, %mul3A_550 : vector<16xf32>
          %swap3A_552 = arith.index_cast %add3A_530 : i32 to index
          %swap3A_553 = arith.constant 32 : index
          %swap3A_554 = tpu.vector_load %arg13[%swap3A_552, %swap3A_553] {strides = array<i32>} : memref<80x64xf32, #tpu.memory_space<vmem>>, vector<16xf32>,
          tpu.vector_store %arg13[%swap3A_552, %swap3A_553], %mul3A_551 {strides = array<i32>} : memref<80x64xf32, #tpu.memory_space<vmem>>, vector<16xf32>,
          %get3A_555 = arith.index_cast %add3A_530 : i32 to index
          %get3A_556 = arith.constant 48 : index
          %get3A_557 = tpu.vector_load %arg13[%get3A_555, %get3A_556] {strides = array<i32>} : memref<80x64xf32, #tpu.memory_space<vmem>>, vector<16xf32>,
          %mul3A_558 = vector.broadcast %squeeze3A_526 : f32 to vector<16xf32>
          %mul3A_559 = arith.mulf %get3A_557, %mul3A_558 : vector<16xf32>
          %swap3A_560 = arith.index_cast %add3A_530 : i32 to index
          %swap3A_561 = arith.constant 48 : index
          %swap3A_562 = tpu.vector_load %arg13[%swap3A_560, %swap3A_561] {strides = array<i32>} : memref<80x64xf32, #tpu.memory_space<vmem>>, vector<16xf32>,
          tpu.vector_store %arg13[%swap3A_560, %swap3A_561], %mul3A_559 {strides = array<i32>} : memref<80x64xf32, #tpu.memory_space<vmem>>, vector<16xf32>,
          %slice3A_563 = vector.extract_strided_slice %get3A_184 {offsets = [10], sizes = [1], strides = [1]} : vector<16xf32> to vector<1xf32>
          %squeeze3A_564 = vector.extract %slice3A_563[0] : f32 from vector<1xf32>
          %mul3A_565 = arith.constant 16 : i32
          %mul3A_566 = arith.muli %add3A_179, %mul3A_565 : i32
          %add3A_567 = arith.constant 10 : i32
          %add3A_568 = arith.addi %mul3A_566, %add3A_567 : i32
          %get3A_569 = arith.index_cast %add3A_568 : i32 to index
          %get3A_570 = arith.constant 0 : index
          %get3A_571 = tpu.vector_load %arg13[%get3A_569, %get3A_570] {strides = array<i32>} : memref<80x64xf32, #tpu.memory_space<vmem>>, vector<16xf32>,
          %mul3A_572 = vector.broadcast %squeeze3A_564 : f32 to vector<16xf32>
          %mul3A_573 = arith.mulf %get3A_571, %mul3A_572 : vector<16xf32>
          %swap3A_574 = arith.index_cast %add3A_568 : i32 to index
          %swap3A_575 = arith.constant 0 : index
          %swap3A_576 = tpu.vector_load %arg13[%swap3A_574, %swap3A_575] {strides = array<i32>} : memref<80x64xf32, #tpu.memory_space<vmem>>, vector<16xf32>,
          tpu.vector_store %arg13[%swap3A_574, %swap3A_575], %mul3A_573 {strides = array<i32>} : memref<80x64xf32, #tpu.memory_space<vmem>>, vector<16xf32>,
          %get3A_577 = arith.index_cast %add3A_568 : i32 to index
          %get3A_578 = arith.constant 16 : index
          %get3A_579 = tpu.vector_load %arg13[%get3A_577, %get3A_578] {strides = array<i32>} : memref<80x64xf32, #tpu.memory_space<vmem>>, vector<16xf32>,
          %mul3A_580 = vector.broadcast %squeeze3A_564 : f32 to vector<16xf32>
          %mul3A_581 = arith.mulf %get3A_579, %mul3A_580 : vector<16xf32>
          %swap3A_582 = arith.index_cast %add3A_568 : i32 to index
          %swap3A_583 = arith.constant 16 : index
          %swap3A_584 = tpu.vector_load %arg13[%swap3A_582, %swap3A_583] {strides = array<i32>} : memref<80x64xf32, #tpu.memory_space<vmem>>, vector<16xf32>,
          tpu.vector_store %arg13[%swap3A_582, %swap3A_583], %mul3A_581 {strides = array<i32>} : memref<80x64xf32, #tpu.memory_space<vmem>>, vector<16xf32>,
          %get3A_585 = arith.index_cast %add3A_568 : i32 to index
          %get3A_586 = arith.constant 32 : index
          %get3A_587 = tpu.vector_load %arg13[%get3A_585, %get3A_586] {strides = array<i32>} : memref<80x64xf32, #tpu.memory_space<vmem>>, vector<16xf32>,
          %mul3A_588 = vector.broadcast %squeeze3A_564 : f32 to vector<16xf32>
          %mul3A_589 = arith.mulf %get3A_587, %mul3A_588 : vector<16xf32>
          %swap3A_590 = arith.index_cast %add3A_568 : i32 to index
          %swap3A_591 = arith.constant 32 : index
          %swap3A_592 = tpu.vector_load %arg13[%swap3A_590, %swap3A_591] {strides = array<i32>} : memref<80x64xf32, #tpu.memory_space<vmem>>, vector<16xf32>,
          tpu.vector_store %arg13[%swap3A_590, %swap3A_591], %mul3A_589 {strides = array<i32>} : memref<80x64xf32, #tpu.memory_space<vmem>>, vector<16xf32>,
          %get3A_593 = arith.index_cast %add3A_568 : i32 to index
          %get3A_594 = arith.constant 48 : index
          %get3A_595 = tpu.vector_load %arg13[%get3A_593, %get3A_594] {strides = array<i32>} : memref<80x64xf32, #tpu.memory_space<vmem>>, vector<16xf32>,
          %mul3A_596 = vector.broadcast %squeeze3A_564 : f32 to vector<16xf32>
          %mul3A_597 = arith.mulf %get3A_595, %mul3A_596 : vector<16xf32>
          %swap3A_598 = arith.index_cast %add3A_568 : i32 to index
          %swap3A_599 = arith.constant 48 : index
          %swap3A_600 = tpu.vector_load %arg13[%swap3A_598, %swap3A_599] {strides = array<i32>} : memref<80x64xf32, #tpu.memory_space<vmem>>, vector<16xf32>,
          tpu.vector_store %arg13[%swap3A_598, %swap3A_599], %mul3A_597 {strides = array<i32>} : memref<80x64xf32, #tpu.memory_space<vmem>>, vector<16xf32>,
          %slice3A_601 = vector.extract_strided_slice %get3A_184 {offsets = [11], sizes = [1], strides = [1]} : vector<16xf32> to vector<1xf32>
          %squeeze3A_602 = vector.extract %slice3A_601[0] : f32 from vector<1xf32>
          %mul3A_603 = arith.constant 16 : i32
          %mul3A_604 = arith.muli %add3A_179, %mul3A_603 : i32
          %add3A_605 = arith.constant 11 : i32
          %add3A_606 = arith.addi %mul3A_604, %add3A_605 : i32
          %get3A_607 = arith.index_cast %add3A_606 : i32 to index
          %get3A_608 = arith.constant 0 : index
          %get3A_609 = tpu.vector_load %arg13[%get3A_607, %get3A_608] {strides = array<i32>} : memref<80x64xf32, #tpu.memory_space<vmem>>, vector<16xf32>,
          %mul3A_610 = vector.broadcast %squeeze3A_602 : f32 to vector<16xf32>
          %mul3A_611 = arith.mulf %get3A_609, %mul3A_610 : vector<16xf32>
          %swap3A_612 = arith.index_cast %add3A_606 : i32 to index
          %swap3A_613 = arith.constant 0 : index
          %swap3A_614 = tpu.vector_load %arg13[%swap3A_612, %swap3A_613] {strides = array<i32>} : memref<80x64xf32, #tpu.memory_space<vmem>>, vector<16xf32>,
          tpu.vector_store %arg13[%swap3A_612, %swap3A_613], %mul3A_611 {strides = array<i32>} : memref<80x64xf32, #tpu.memory_space<vmem>>, vector<16xf32>,
          %get3A_615 = arith.index_cast %add3A_606 : i32 to index
          %get3A_616 = arith.constant 16 : index
          %get3A_617 = tpu.vector_load %arg13[%get3A_615, %get3A_616] {strides = array<i32>} : memref<80x64xf32, #tpu.memory_space<vmem>>, vector<16xf32>,
          %mul3A_618 = vector.broadcast %squeeze3A_602 : f32 to vector<16xf32>
          %mul3A_619 = arith.mulf %get3A_617, %mul3A_618 : vector<16xf32>
          %swap3A_620 = arith.index_cast %add3A_606 : i32 to index
          %swap3A_621 = arith.constant 16 : index
          %swap3A_622 = tpu.vector_load %arg13[%swap3A_620, %swap3A_621] {strides = array<i32>} : memref<80x64xf32, #tpu.memory_space<vmem>>, vector<16xf32>,
          tpu.vector_store %arg13[%swap3A_620, %swap3A_621], %mul3A_619 {strides = array<i32>} : memref<80x64xf32, #tpu.memory_space<vmem>>, vector<16xf32>,
          %get3A_623 = arith.index_cast %add3A_606 : i32 to index
          %get3A_624 = arith.constant 32 : index
          %get3A_625 = tpu.vector_load %arg13[%get3A_623, %get3A_624] {strides = array<i32>} : memref<80x64xf32, #tpu.memory_space<vmem>>, vector<16xf32>,
          %mul3A_626 = vector.broadcast %squeeze3A_602 : f32 to vector<16xf32>
          %mul3A_627 = arith.mulf %get3A_625, %mul3A_626 : vector<16xf32>
          %swap3A_628 = arith.index_cast %add3A_606 : i32 to index
          %swap3A_629 = arith.constant 32 : index
          %swap3A_630 = tpu.vector_load %arg13[%swap3A_628, %swap3A_629] {strides = array<i32>} : memref<80x64xf32, #tpu.memory_space<vmem>>, vector<16xf32>,
          tpu.vector_store %arg13[%swap3A_628, %swap3A_629], %mul3A_627 {strides = array<i32>} : memref<80x64xf32, #tpu.memory_space<vmem>>, vector<16xf32>,
          %get3A_631 = arith.index_cast %add3A_606 : i32 to index
          %get3A_632 = arith.constant 48 : index
          %get3A_633 = tpu.vector_load %arg13[%get3A_631, %get3A_632] {strides = array<i32>} : memref<80x64xf32, #tpu.memory_space<vmem>>, vector<16xf32>,
          %mul3A_634 = vector.broadcast %squeeze3A_602 : f32 to vector<16xf32>
          %mul3A_635 = arith.mulf %get3A_633, %mul3A_634 : vector<16xf32>
          %swap3A_636 = arith.index_cast %add3A_606 : i32 to index
          %swap3A_637 = arith.constant 48 : index
          %swap3A_638 = tpu.vector_load %arg13[%swap3A_636, %swap3A_637] {strides = array<i32>} : memref<80x64xf32, #tpu.memory_space<vmem>>, vector<16xf32>,
          tpu.vector_store %arg13[%swap3A_636, %swap3A_637], %mul3A_635 {strides = array<i32>} : memref<80x64xf32, #tpu.memory_space<vmem>>, vector<16xf32>,
          %slice3A_639 = vector.extract_strided_slice %get3A_184 {offsets = [12], sizes = [1], strides = [1]} : vector<16xf32> to vector<1xf32>
          %squeeze3A_640 = vector.extract %slice3A_639[0] : f32 from vector<1xf32>
          %mul3A_641 = arith.constant 16 : i32
          %mul3A_642 = arith.muli %add3A_179, %mul3A_641 : i32
          %add3A_643 = arith.constant 12 : i32
          %add3A_644 = arith.addi %mul3A_642, %add3A_643 : i32
          %get3A_645 = arith.index_cast %add3A_644 : i32 to index
          %get3A_646 = arith.constant 0 : index
          %get3A_647 = tpu.vector_load %arg13[%get3A_645, %get3A_646] {strides = array<i32>} : memref<80x64xf32, #tpu.memory_space<vmem>>, vector<16xf32>,
          %mul3A_648 = vector.broadcast %squeeze3A_640 : f32 to vector<16xf32>
          %mul3A_649 = arith.mulf %get3A_647, %mul3A_648 : vector<16xf32>
          %swap3A_650 = arith.index_cast %add3A_644 : i32 to index
          %swap3A_651 = arith.constant 0 : index
          %swap3A_652 = tpu.vector_load %arg13[%swap3A_650, %swap3A_651] {strides = array<i32>} : memref<80x64xf32, #tpu.memory_space<vmem>>, vector<16xf32>,
          tpu.vector_store %arg13[%swap3A_650, %swap3A_651], %mul3A_649 {strides = array<i32>} : memref<80x64xf32, #tpu.memory_space<vmem>>, vector<16xf32>,
          %get3A_653 = arith.index_cast %add3A_644 : i32 to index
          %get3A_654 = arith.constant 16 : index
          %get3A_655 = tpu.vector_load %arg13[%get3A_653, %get3A_654] {strides = array<i32>} : memref<80x64xf32, #tpu.memory_space<vmem>>, vector<16xf32>,
          %mul3A_656 = vector.broadcast %squeeze3A_640 : f32 to vector<16xf32>
          %mul3A_657 = arith.mulf %get3A_655, %mul3A_656 : vector<16xf32>
          %swap3A_658 = arith.index_cast %add3A_644 : i32 to index
          %swap3A_659 = arith.constant 16 : index
          %swap3A_660 = tpu.vector_load %arg13[%swap3A_658, %swap3A_659] {strides = array<i32>} : memref<80x64xf32, #tpu.memory_space<vmem>>, vector<16xf32>,
          tpu.vector_store %arg13[%swap3A_658, %swap3A_659], %mul3A_657 {strides = array<i32>} : memref<80x64xf32, #tpu.memory_space<vmem>>, vector<16xf32>,
          %get3A_661 = arith.index_cast %add3A_644 : i32 to index
          %get3A_662 = arith.constant 32 : index
          %get3A_663 = tpu.vector_load %arg13[%get3A_661, %get3A_662] {strides = array<i32>} : memref<80x64xf32, #tpu.memory_space<vmem>>, vector<16xf32>,
          %mul3A_664 = vector.broadcast %squeeze3A_640 : f32 to vector<16xf32>
          %mul3A_665 = arith.mulf %get3A_663, %mul3A_664 : vector<16xf32>
          %swap3A_666 = arith.index_cast %add3A_644 : i32 to index
          %swap3A_667 = arith.constant 32 : index
          %swap3A_668 = tpu.vector_load %arg13[%swap3A_666, %swap3A_667] {strides = array<i32>} : memref<80x64xf32, #tpu.memory_space<vmem>>, vector<16xf32>,
          tpu.vector_store %arg13[%swap3A_666, %swap3A_667], %mul3A_665 {strides = array<i32>} : memref<80x64xf32, #tpu.memory_space<vmem>>, vector<16xf32>,
          %get3A_669 = arith.index_cast %add3A_644 : i32 to index
          %get3A_670 = arith.constant 48 : index
          %get3A_671 = tpu.vector_load %arg13[%get3A_669, %get3A_670] {strides = array<i32>} : memref<80x64xf32, #tpu.memory_space<vmem>>, vector<16xf32>,
          %mul3A_672 = vector.broadcast %squeeze3A_640 : f32 to vector<16xf32>
          %mul3A_673 = arith.mulf %get3A_671, %mul3A_672 : vector<16xf32>
          %swap3A_674 = arith.index_cast %add3A_644 : i32 to index
          %swap3A_675 = arith.constant 48 : index
          %swap3A_676 = tpu.vector_load %arg13[%swap3A_674, %swap3A_675] {strides = array<i32>} : memref<80x64xf32, #tpu.memory_space<vmem>>, vector<16xf32>,
          tpu.vector_store %arg13[%swap3A_674, %swap3A_675], %mul3A_673 {strides = array<i32>} : memref<80x64xf32, #tpu.memory_space<vmem>>, vector<16xf32>,
          %slice3A_677 = vector.extract_strided_slice %get3A_184 {offsets = [13], sizes = [1], strides = [1]} : vector<16xf32> to vector<1xf32>
          %squeeze3A_678 = vector.extract %slice3A_677[0] : f32 from vector<1xf32>
          %mul3A_679 = arith.constant 16 : i32
          %mul3A_680 = arith.muli %add3A_179, %mul3A_679 : i32
          %add3A_681 = arith.constant 13 : i32
          %add3A_682 = arith.addi %mul3A_680, %add3A_681 : i32
          %get3A_683 = arith.index_cast %add3A_682 : i32 to index
          %get3A_684 = arith.constant 0 : index
          %get3A_685 = tpu.vector_load %arg13[%get3A_683, %get3A_684] {strides = array<i32>} : memref<80x64xf32, #tpu.memory_space<vmem>>, vector<16xf32>,
          %mul3A_686 = vector.broadcast %squeeze3A_678 : f32 to vector<16xf32>
          %mul3A_687 = arith.mulf %get3A_685, %mul3A_686 : vector<16xf32>
          %swap3A_688 = arith.index_cast %add3A_682 : i32 to index
          %swap3A_689 = arith.constant 0 : index
          %swap3A_690 = tpu.vector_load %arg13[%swap3A_688, %swap3A_689] {strides = array<i32>} : memref<80x64xf32, #tpu.memory_space<vmem>>, vector<16xf32>,
          tpu.vector_store %arg13[%swap3A_688, %swap3A_689], %mul3A_687 {strides = array<i32>} : memref<80x64xf32, #tpu.memory_space<vmem>>, vector<16xf32>,
          %get3A_691 = arith.index_cast %add3A_682 : i32 to index
          %get3A_692 = arith.constant 16 : index
          %get3A_693 = tpu.vector_load %arg13[%get3A_691, %get3A_692] {strides = array<i32>} : memref<80x64xf32, #tpu.memory_space<vmem>>, vector<16xf32>,
          %mul3A_694 = vector.broadcast %squeeze3A_678 : f32 to vector<16xf32>
          %mul3A_695 = arith.mulf %get3A_693, %mul3A_694 : vector<16xf32>
          %swap3A_696 = arith.index_cast %add3A_682 : i32 to index
          %swap3A_697 = arith.constant 16 : index
          %swap3A_698 = tpu.vector_load %arg13[%swap3A_696, %swap3A_697] {strides = array<i32>} : memref<80x64xf32, #tpu.memory_space<vmem>>, vector<16xf32>,
          tpu.vector_store %arg13[%swap3A_696, %swap3A_697], %mul3A_695 {strides = array<i32>} : memref<80x64xf32, #tpu.memory_space<vmem>>, vector<16xf32>,
          %get3A_699 = arith.index_cast %add3A_682 : i32 to index
          %get3A_700 = arith.constant 32 : index
          %get3A_701 = tpu.vector_load %arg13[%get3A_699, %get3A_700] {strides = array<i32>} : memref<80x64xf32, #tpu.memory_space<vmem>>, vector<16xf32>,
          %mul3A_702 = vector.broadcast %squeeze3A_678 : f32 to vector<16xf32>
          %mul3A_703 = arith.mulf %get3A_701, %mul3A_702 : vector<16xf32>
          %swap3A_704 = arith.index_cast %add3A_682 : i32 to index
          %swap3A_705 = arith.constant 32 : index
          %swap3A_706 = tpu.vector_load %arg13[%swap3A_704, %swap3A_705] {strides = array<i32>} : memref<80x64xf32, #tpu.memory_space<vmem>>, vector<16xf32>,
          tpu.vector_store %arg13[%swap3A_704, %swap3A_705], %mul3A_703 {strides = array<i32>} : memref<80x64xf32, #tpu.memory_space<vmem>>, vector<16xf32>,
          %get3A_707 = arith.index_cast %add3A_682 : i32 to index
          %get3A_708 = arith.constant 48 : index
          %get3A_709 = tpu.vector_load %arg13[%get3A_707, %get3A_708] {strides = array<i32>} : memref<80x64xf32, #tpu.memory_space<vmem>>, vector<16xf32>,
          %mul3A_710 = vector.broadcast %squeeze3A_678 : f32 to vector<16xf32>
          %mul3A_711 = arith.mulf %get3A_709, %mul3A_710 : vector<16xf32>
          %swap3A_712 = arith.index_cast %add3A_682 : i32 to index
          %swap3A_713 = arith.constant 48 : index
          %swap3A_714 = tpu.vector_load %arg13[%swap3A_712, %swap3A_713] {strides = array<i32>} : memref<80x64xf32, #tpu.memory_space<vmem>>, vector<16xf32>,
          tpu.vector_store %arg13[%swap3A_712, %swap3A_713], %mul3A_711 {strides = array<i32>} : memref<80x64xf32, #tpu.memory_space<vmem>>, vector<16xf32>,
          %slice3A_715 = vector.extract_strided_slice %get3A_184 {offsets = [14], sizes = [1], strides = [1]} : vector<16xf32> to vector<1xf32>
          %squeeze3A_716 = vector.extract %slice3A_715[0] : f32 from vector<1xf32>
          %mul3A_717 = arith.constant 16 : i32
          %mul3A_718 = arith.muli %add3A_179, %mul3A_717 : i32
          %add3A_719 = arith.constant 14 : i32
          %add3A_720 = arith.addi %mul3A_718, %add3A_719 : i32
          %get3A_721 = arith.index_cast %add3A_720 : i32 to index
          %get3A_722 = arith.constant 0 : index
          %get3A_723 = tpu.vector_load %arg13[%get3A_721, %get3A_722] {strides = array<i32>} : memref<80x64xf32, #tpu.memory_space<vmem>>, vector<16xf32>,
          %mul3A_724 = vector.broadcast %squeeze3A_716 : f32 to vector<16xf32>
          %mul3A_725 = arith.mulf %get3A_723, %mul3A_724 : vector<16xf32>
          %swap3A_726 = arith.index_cast %add3A_720 : i32 to index
          %swap3A_727 = arith.constant 0 : index
          %swap3A_728 = tpu.vector_load %arg13[%swap3A_726, %swap3A_727] {strides = array<i32>} : memref<80x64xf32, #tpu.memory_space<vmem>>, vector<16xf32>,
          tpu.vector_store %arg13[%swap3A_726, %swap3A_727], %mul3A_725 {strides = array<i32>} : memref<80x64xf32, #tpu.memory_space<vmem>>, vector<16xf32>,
          %get3A_729 = arith.index_cast %add3A_720 : i32 to index
          %get3A_730 = arith.constant 16 : index
          %get3A_731 = tpu.vector_load %arg13[%get3A_729, %get3A_730] {strides = array<i32>} : memref<80x64xf32, #tpu.memory_space<vmem>>, vector<16xf32>,
          %mul3A_732 = vector.broadcast %squeeze3A_716 : f32 to vector<16xf32>
          %mul3A_733 = arith.mulf %get3A_731, %mul3A_732 : vector<16xf32>
          %swap3A_734 = arith.index_cast %add3A_720 : i32 to index
          %swap3A_735 = arith.constant 16 : index
          %swap3A_736 = tpu.vector_load %arg13[%swap3A_734, %swap3A_735] {strides = array<i32>} : memref<80x64xf32, #tpu.memory_space<vmem>>, vector<16xf32>,
          tpu.vector_store %arg13[%swap3A_734, %swap3A_735], %mul3A_733 {strides = array<i32>} : memref<80x64xf32, #tpu.memory_space<vmem>>, vector<16xf32>,
          %get3A_737 = arith.index_cast %add3A_720 : i32 to index
          %get3A_738 = arith.constant 32 : index
          %get3A_739 = tpu.vector_load %arg13[%get3A_737, %get3A_738] {strides = array<i32>} : memref<80x64xf32, #tpu.memory_space<vmem>>, vector<16xf32>,
          %mul3A_740 = vector.broadcast %squeeze3A_716 : f32 to vector<16xf32>
          %mul3A_741 = arith.mulf %get3A_739, %mul3A_740 : vector<16xf32>
          %swap3A_742 = arith.index_cast %add3A_720 : i32 to index
          %swap3A_743 = arith.constant 32 : index
          %swap3A_744 = tpu.vector_load %arg13[%swap3A_742, %swap3A_743] {strides = array<i32>} : memref<80x64xf32, #tpu.memory_space<vmem>>, vector<16xf32>,
          tpu.vector_store %arg13[%swap3A_742, %swap3A_743], %mul3A_741 {strides = array<i32>} : memref<80x64xf32, #tpu.memory_space<vmem>>, vector<16xf32>,
          %get3A_745 = arith.index_cast %add3A_720 : i32 to index
          %get3A_746 = arith.constant 48 : index
          %get3A_747 = tpu.vector_load %arg13[%get3A_745, %get3A_746] {strides = array<i32>} : memref<80x64xf32, #tpu.memory_space<vmem>>, vector<16xf32>,
          %mul3A_748 = vector.broadcast %squeeze3A_716 : f32 to vector<16xf32>
          %mul3A_749 = arith.mulf %get3A_747, %mul3A_748 : vector<16xf32>
          %swap3A_750 = arith.index_cast %add3A_720 : i32 to index
          %swap3A_751 = arith.constant 48 : index
          %swap3A_752 = tpu.vector_load %arg13[%swap3A_750, %swap3A_751] {strides = array<i32>} : memref<80x64xf32, #tpu.memory_space<vmem>>, vector<16xf32>,
          tpu.vector_store %arg13[%swap3A_750, %swap3A_751], %mul3A_749 {strides = array<i32>} : memref<80x64xf32, #tpu.memory_space<vmem>>, vector<16xf32>,
          %slice3A_753 = vector.extract_strided_slice %get3A_184 {offsets = [15], sizes = [1], strides = [1]} : vector<16xf32> to vector<1xf32>
          %squeeze3A_754 = vector.extract %slice3A_753[0] : f32 from vector<1xf32>
          %mul3A_755 = arith.constant 16 : i32
          %mul3A_756 = arith.muli %add3A_179, %mul3A_755 : i32
          %add3A_757 = arith.constant 15 : i32
          %add3A_758 = arith.addi %mul3A_756, %add3A_757 : i32
          %get3A_759 = arith.index_cast %add3A_758 : i32 to index
          %get3A_760 = arith.constant 0 : index
          %get3A_761 = tpu.vector_load %arg13[%get3A_759, %get3A_760] {strides = array<i32>} : memref<80x64xf32, #tpu.memory_space<vmem>>, vector<16xf32>,
          %mul3A_762 = vector.broadcast %squeeze3A_754 : f32 to vector<16xf32>
          %mul3A_763 = arith.mulf %get3A_761, %mul3A_762 : vector<16xf32>
          %swap3A_764 = arith.index_cast %add3A_758 : i32 to index
          %swap3A_765 = arith.constant 0 : index
          %swap3A_766 = tpu.vector_load %arg13[%swap3A_764, %swap3A_765] {strides = array<i32>} : memref<80x64xf32, #tpu.memory_space<vmem>>, vector<16xf32>,
          tpu.vector_store %arg13[%swap3A_764, %swap3A_765], %mul3A_763 {strides = array<i32>} : memref<80x64xf32, #tpu.memory_space<vmem>>, vector<16xf32>,
          %get3A_767 = arith.index_cast %add3A_758 : i32 to index
          %get3A_768 = arith.constant 16 : index
          %get3A_769 = tpu.vector_load %arg13[%get3A_767, %get3A_768] {strides = array<i32>} : memref<80x64xf32, #tpu.memory_space<vmem>>, vector<16xf32>,
          %mul3A_770 = vector.broadcast %squeeze3A_754 : f32 to vector<16xf32>
          %mul3A_771 = arith.mulf %get3A_769, %mul3A_770 : vector<16xf32>
          %swap3A_772 = arith.index_cast %add3A_758 : i32 to index
          %swap3A_773 = arith.constant 16 : index
          %swap3A_774 = tpu.vector_load %arg13[%swap3A_772, %swap3A_773] {strides = array<i32>} : memref<80x64xf32, #tpu.memory_space<vmem>>, vector<16xf32>,
          tpu.vector_store %arg13[%swap3A_772, %swap3A_773], %mul3A_771 {strides = array<i32>} : memref<80x64xf32, #tpu.memory_space<vmem>>, vector<16xf32>,
          %get3A_775 = arith.index_cast %add3A_758 : i32 to index
          %get3A_776 = arith.constant 32 : index
          %get3A_777 = tpu.vector_load %arg13[%get3A_775, %get3A_776] {strides = array<i32>} : memref<80x64xf32, #tpu.memory_space<vmem>>, vector<16xf32>,
          %mul3A_778 = vector.broadcast %squeeze3A_754 : f32 to vector<16xf32>
          %mul3A_779 = arith.mulf %get3A_777, %mul3A_778 : vector<16xf32>
          %swap3A_780 = arith.index_cast %add3A_758 : i32 to index
          %swap3A_781 = arith.constant 32 : index
          %swap3A_782 = tpu.vector_load %arg13[%swap3A_780, %swap3A_781] {strides = array<i32>} : memref<80x64xf32, #tpu.memory_space<vmem>>, vector<16xf32>,
          tpu.vector_store %arg13[%swap3A_780, %swap3A_781], %mul3A_779 {strides = array<i32>} : memref<80x64xf32, #tpu.memory_space<vmem>>, vector<16xf32>,
          %get3A_783 = arith.index_cast %add3A_758 : i32 to index
          %get3A_784 = arith.constant 48 : index
          %get3A_785 = tpu.vector_load %arg13[%get3A_783, %get3A_784] {strides = array<i32>} : memref<80x64xf32, #tpu.memory_space<vmem>>, vector<16xf32>,
          %mul3A_786 = vector.broadcast %squeeze3A_754 : f32 to vector<16xf32>
          %mul3A_787 = arith.mulf %get3A_785, %mul3A_786 : vector<16xf32>
          %swap3A_788 = arith.index_cast %add3A_758 : i32 to index
          %swap3A_789 = arith.constant 48 : index
          %swap3A_790 = tpu.vector_load %arg13[%swap3A_788, %swap3A_789] {strides = array<i32>} : memref<80x64xf32, #tpu.memory_space<vmem>>, vector<16xf32>,
          tpu.vector_store %arg13[%swap3A_788, %swap3A_789], %mul3A_787 {strides = array<i32>} : memref<80x64xf32, #tpu.memory_space<vmem>>, vector<16xf32>,
        }
        %scan3A_130 = arith.constant 5 : i32
        %convert_element_type3A_131 = arith.extui %eq3A_0 : i1 to i32
        %cond3A_132 = arith.constant 0 : i32
        %cond3A_133 = arith.cmpi ne, %convert_element_type3A_131, %cond3A_132 : i32
        scf.if %cond3A_133 {
          %add3A_175 = arith.constant 0 : i32
          %add3A_176 = arith.addi %mul3A_125, %add3A_175 : i32
          %get3A_177 = arith.index_cast %add3A_176 : i32 to index
          %get3A_178 = tpu.vector_load %arg10[%get3A_177] {strides = array<i32>} : memref<4000xi32, #tpu.memory_space<vmem>>, vector<16xi32>,
          %get3A_179 = arith.index_cast %add3A_176 : i32 to index
          %get3A_180 = tpu.vector_load %arg11[%get3A_179] {strides = array<i32>} : memref<4000xi32, #tpu.memory_space<vmem>>, vector<16xi32>,
          %get3A_181 = arith.index_cast %add3A_176 : i32 to index
          %get3A_182 = tpu.vector_load %arg12[%get3A_181] {strides = array<i32>} : memref<4000xf32, #tpu.memory_space<vmem>>, vector<16xf32>,
          tpu.vector_store_idx %arg16[%get3A_178], %broadcast_in_dim3A_3 {add = true} : memref<50000xf32, #tpu.memory_space<vmem>>[vector<16xi32>], vector<16xf32>,
          %add3A_183 = arith.constant 1 : i32
          %add3A_184 = vector.broadcast %add3A_183 : i32 to vector<16xi32>
          %add3A_185 = arith.addi %get3A_180, %add3A_184 : vector<16xi32>
          %mul3A_186 = arith.constant 10000 : i32
          %mul3A_187 = vector.broadcast %mul3A_186 : i32 to vector<16xi32>
          %mul3A_188 = arith.muli %add3A_185, %mul3A_187 : vector<16xi32>
          %add3A_189 = arith.addi %mul3A_188, %get3A_178 : vector<16xi32>
          tpu.vector_store_idx %arg16[%add3A_189], %get3A_182 {add = true} : memref<50000xf32, #tpu.memory_space<vmem>>[vector<16xi32>], vector<16xf32>,
          %add3A_190 = arith.constant 16 : i32
          %add3A_191 = arith.addi %mul3A_125, %add3A_190 : i32
          %get3A_192 = arith.index_cast %add3A_191 : i32 to index
          %get3A_193 = tpu.vector_load %arg10[%get3A_192] {strides = array<i32>} : memref<4000xi32, #tpu.memory_space<vmem>>, vector<16xi32>,
          %get3A_194 = arith.index_cast %add3A_191 : i32 to index
          %get3A_195 = tpu.vector_load %arg11[%get3A_194] {strides = array<i32>} : memref<4000xi32, #tpu.memory_space<vmem>>, vector<16xi32>,
          %get3A_196 = arith.index_cast %add3A_191 : i32 to index
          %get3A_197 = tpu.vector_load %arg12[%get3A_196] {strides = array<i32>} : memref<4000xf32, #tpu.memory_space<vmem>>, vector<16xf32>,
          tpu.vector_store_idx %arg16[%get3A_193], %broadcast_in_dim3A_3 {add = true} : memref<50000xf32, #tpu.memory_space<vmem>>[vector<16xi32>], vector<16xf32>,
          %add3A_198 = arith.constant 1 : i32
          %add3A_199 = vector.broadcast %add3A_198 : i32 to vector<16xi32>
          %add3A_200 = arith.addi %get3A_195, %add3A_199 : vector<16xi32>
          %mul3A_201 = arith.constant 10000 : i32
          %mul3A_202 = vector.broadcast %mul3A_201 : i32 to vector<16xi32>
          %mul3A_203 = arith.muli %add3A_200, %mul3A_202 : vector<16xi32>
          %add3A_204 = arith.addi %mul3A_203, %get3A_193 : vector<16xi32>
          tpu.vector_store_idx %arg16[%add3A_204], %get3A_197 {add = true} : memref<50000xf32, #tpu.memory_space<vmem>>[vector<16xi32>], vector<16xf32>,
          %add3A_205 = arith.constant 32 : i32
          %add3A_206 = arith.addi %mul3A_125, %add3A_205 : i32
          %get3A_207 = arith.index_cast %add3A_206 : i32 to index
          %get3A_208 = tpu.vector_load %arg10[%get3A_207] {strides = array<i32>} : memref<4000xi32, #tpu.memory_space<vmem>>, vector<16xi32>,
          %get3A_209 = arith.index_cast %add3A_206 : i32 to index
          %get3A_210 = tpu.vector_load %arg11[%get3A_209] {strides = array<i32>} : memref<4000xi32, #tpu.memory_space<vmem>>, vector<16xi32>,
          %get3A_211 = arith.index_cast %add3A_206 : i32 to index
          %get3A_212 = tpu.vector_load %arg12[%get3A_211] {strides = array<i32>} : memref<4000xf32, #tpu.memory_space<vmem>>, vector<16xf32>,
          tpu.vector_store_idx %arg16[%get3A_208], %broadcast_in_dim3A_3 {add = true} : memref<50000xf32, #tpu.memory_space<vmem>>[vector<16xi32>], vector<16xf32>,
          %add3A_213 = arith.constant 1 : i32
          %add3A_214 = vector.broadcast %add3A_213 : i32 to vector<16xi32>
          %add3A_215 = arith.addi %get3A_210, %add3A_214 : vector<16xi32>
          %mul3A_216 = arith.constant 10000 : i32
          %mul3A_217 = vector.broadcast %mul3A_216 : i32 to vector<16xi32>
          %mul3A_218 = arith.muli %add3A_215, %mul3A_217 : vector<16xi32>
          %add3A_219 = arith.addi %mul3A_218, %get3A_208 : vector<16xi32>
          tpu.vector_store_idx %arg16[%add3A_219], %get3A_212 {add = true} : memref<50000xf32, #tpu.memory_space<vmem>>[vector<16xi32>], vector<16xf32>,
          %add3A_220 = arith.constant 48 : i32
          %add3A_221 = arith.addi %mul3A_125, %add3A_220 : i32
          %get3A_222 = arith.index_cast %add3A_221 : i32 to index
          %get3A_223 = tpu.vector_load %arg10[%get3A_222] {strides = array<i32>} : memref<4000xi32, #tpu.memory_space<vmem>>, vector<16xi32>,
          %get3A_224 = arith.index_cast %add3A_221 : i32 to index
          %get3A_225 = tpu.vector_load %arg11[%get3A_224] {strides = array<i32>} : memref<4000xi32, #tpu.memory_space<vmem>>, vector<16xi32>,
          %get3A_226 = arith.index_cast %add3A_221 : i32 to index
          %get3A_227 = tpu.vector_load %arg12[%get3A_226] {strides = array<i32>} : memref<4000xf32, #tpu.memory_space<vmem>>, vector<16xf32>,
          tpu.vector_store_idx %arg16[%get3A_223], %broadcast_in_dim3A_3 {add = true} : memref<50000xf32, #tpu.memory_space<vmem>>[vector<16xi32>], vector<16xf32>,
          %add3A_228 = arith.constant 1 : i32
          %add3A_229 = vector.broadcast %add3A_228 : i32 to vector<16xi32>
          %add3A_230 = arith.addi %get3A_225, %add3A_229 : vector<16xi32>
          %mul3A_231 = arith.constant 10000 : i32
          %mul3A_232 = vector.broadcast %mul3A_231 : i32 to vector<16xi32>
          %mul3A_233 = arith.muli %add3A_230, %mul3A_232 : vector<16xi32>
          %add3A_234 = arith.addi %mul3A_233, %get3A_223 : vector<16xi32>
          tpu.vector_store_idx %arg16[%add3A_234], %get3A_227 {add = true} : memref<50000xf32, #tpu.memory_space<vmem>>[vector<16xi32>], vector<16xf32>,
          %add3A_235 = arith.constant 64 : i32
          %add3A_236 = arith.addi %mul3A_125, %add3A_235 : i32
          %get3A_237 = arith.index_cast %add3A_236 : i32 to index
          %get3A_238 = tpu.vector_load %arg10[%get3A_237] {strides = array<i32>} : memref<4000xi32, #tpu.memory_space<vmem>>, vector<16xi32>,
          %get3A_239 = arith.index_cast %add3A_236 : i32 to index
          %get3A_240 = tpu.vector_load %arg11[%get3A_239] {strides = array<i32>} : memref<4000xi32, #tpu.memory_space<vmem>>, vector<16xi32>,
          %get3A_241 = arith.index_cast %add3A_236 : i32 to index
          %get3A_242 = tpu.vector_load %arg12[%get3A_241] {strides = array<i32>} : memref<4000xf32, #tpu.memory_space<vmem>>, vector<16xf32>,
          tpu.vector_store_idx %arg16[%get3A_238], %broadcast_in_dim3A_3 {add = true} : memref<50000xf32, #tpu.memory_space<vmem>>[vector<16xi32>], vector<16xf32>,
          %add3A_243 = arith.constant 1 : i32
          %add3A_244 = vector.broadcast %add3A_243 : i32 to vector<16xi32>
          %add3A_245 = arith.addi %get3A_240, %add3A_244 : vector<16xi32>
          %mul3A_246 = arith.constant 10000 : i32
          %mul3A_247 = vector.broadcast %mul3A_246 : i32 to vector<16xi32>
          %mul3A_248 = arith.muli %add3A_245, %mul3A_247 : vector<16xi32>
          %add3A_249 = arith.addi %mul3A_248, %get3A_238 : vector<16xi32>
          tpu.vector_store_idx %arg16[%add3A_249], %get3A_242 {add = true} : memref<50000xf32, #tpu.memory_space<vmem>>[vector<16xi32>], vector<16xf32>,
        } else {
        }
        %mul3A_134 = arith.constant 80 : i32
        %mul3A_135 = arith.muli %add3A_106, %mul3A_134 : i32
        %dma_start3A_136 = tpu.memref_slice %arg10[%mul3A_135] : memref<4000xi32, #tpu.memory_space<vmem>> -> memref<80xi32, #tpu.memory_space<vmem>>
        %dma_start3A_137 = arith.constant 0 : i32
        %dma_start3A_138 = arith.constant 0 : i32
        %dma_start3A_139 = tpu.memref_slice %arg17[%dma_start3A_137, %dma_start3A_138] : memref<10000x64xf32, #tpu.memory_space<vmem_shared>> -> memref<10000x64xf32, #tpu.memory_space<vmem_shared>>
        tpu.enqueue_indirect_dma source(%arg13 : memref<80x64xf32, #tpu.memory_space<vmem>>) target(%dma_start3A_139 : memref<10000x64xf32, #tpu.memory_space<vmem_shared>>) offsets(%dma_start3A_136 : memref<80xi32, #tpu.memory_space<vmem>>) semaphore(%arg20 : memref<!tpu.dma_semaphore, #tpu.memory_space<semaphore_mem>>) {add = true}
        %mul3A_140 = arith.constant 2 : i32
        %mul3A_141 = arith.muli %add3A_102, %mul3A_140 : i32
        %add3A_142 = arith.constant 1 : i32
        %add3A_143 = arith.addi %mul3A_141, %add3A_142 : i32
        %dma_wait3A_144 = arith.constant 0 : i32
        %dma_wait3A_145 = tpu.memref_slice %arg9[%dma_wait3A_144] : memref<4000xi32, #tpu.memory_space<vmem>> -> memref<80xi32, #tpu.memory_space<vmem>>
        %dma_wait3A_146 = arith.constant 0 : i32
        %dma_wait3A_147 = arith.constant 0 : i32
        %dma_wait3A_148 = tpu.memref_slice %arg2[%dma_wait3A_146, %dma_wait3A_147] : memref<20000x64xf32, #tpu.memory_space<hbm>> -> memref<20000x64xf32, #tpu.memory_space<hbm>>
        tpu.wait_indirect_dma semaphore(%arg19 : memref<!tpu.dma_semaphore, #tpu.memory_space<semaphore_mem>>) src(%dma_wait3A_148 : memref<20000x64xf32, #tpu.memory_space<hbm>>) dst(%arg14 : memref<80x64xf32, #tpu.memory_space<vmem>>)
        %dma_wait3A_149 = arith.constant 0 : i32
        %dma_wait3A_150 = tpu.memref_slice %arg10[%dma_wait3A_149] : memref<4000xi32, #tpu.memory_space<vmem>> -> memref<80xi32, #tpu.memory_space<vmem>>
        %dma_wait3A_151 = arith.constant 0 : i32
        %dma_wait3A_152 = arith.constant 0 : i32
        %dma_wait3A_153 = tpu.memref_slice %arg17[%dma_wait3A_151, %dma_wait3A_152] : memref<10000x64xf32, #tpu.memory_space<vmem_shared>> -> memref<10000x64xf32, #tpu.memory_space<vmem_shared>>
        tpu.wait_indirect_dma semaphore(%arg20 : memref<!tpu.dma_semaphore, #tpu.memory_space<semaphore_mem>>) src(%arg13 : memref<80x64xf32, #tpu.memory_space<vmem>>) dst(%dma_wait3A_153 : memref<10000x64xf32, #tpu.memory_space<vmem_shared>>)
        %lt3A_154 = arith.constant 24 : i32
        %lt3A_155 = arith.cmpi slt, %add3A_102, %lt3A_154 : i32
        %convert_element_type3A_156 = arith.extui %lt3A_155 : i1 to i32
        %cond3A_157 = arith.constant 0 : i32
        %cond3A_158 = arith.cmpi ne, %convert_element_type3A_156, %cond3A_157 : i32
        scf.if %cond3A_158 {
          %add3A_175 = arith.constant 1 : i32
          %add3A_176 = arith.addi %add3A_143, %add3A_175 : i32
          %mul3A_177 = arith.constant 80 : i32
          %mul3A_178 = arith.muli %add3A_176, %mul3A_177 : i32
          %dma_start3A_179 = tpu.memref_slice %arg9[%mul3A_178] : memref<4000xi32, #tpu.memory_space<vmem>> -> memref<80xi32, #tpu.memory_space<vmem>>
          %dma_start3A_180 = arith.constant 0 : i32
          %dma_start3A_181 = arith.constant 0 : i32
          %dma_start3A_182 = tpu.memref_slice %arg2[%dma_start3A_180, %dma_start3A_181] : memref<20000x64xf32, #tpu.memory_space<hbm>> -> memref<20000x64xf32, #tpu.memory_space<hbm>>
          tpu.enqueue_indirect_dma source(%dma_start3A_182 : memref<20000x64xf32, #tpu.memory_space<hbm>>) target(%arg13 : memref<80x64xf32, #tpu.memory_space<vmem>>) offsets(%dma_start3A_179 : memref<80xi32, #tpu.memory_space<vmem>>) semaphore(%arg18 : memref<!tpu.dma_semaphore, #tpu.memory_space<semaphore_mem>>)
        } else {
        }
        %mul3A_159 = arith.constant 80 : i32
        %mul3A_160 = arith.muli %add3A_143, %mul3A_159 : i32
        %scan3A_161 = arith.constant 0 : i32
        %scan3A_162 = arith.constant 5 : i32
        %scan3A_163 = arith.addi %scan3A_161, %scan3A_162 : i32
        %scan3A_164 = arith.constant 1 : i32
        scf.for %scan3A_175 = %scan3A_161 to %scan3A_163 step %scan3A_164  : i32 {
          %mul3A_176 = arith.constant 1 : i32
          %mul3A_177 = arith.muli %scan3A_175, %mul3A_176 : i32
          %add3A_178 = arith.constant 0 : i32
          %add3A_179 = arith.addi %add3A_178, %mul3A_177 : i32
          %mul3A_180 = arith.constant 16 : i32
          %mul3A_181 = arith.muli %add3A_179, %mul3A_180 : i32
          %add3A_182 = arith.addi %mul3A_160, %mul3A_181 : i32
          %get3A_183 = arith.index_cast %add3A_182 : i32 to index
          %get3A_184 = tpu.vector_load %arg12[%get3A_183] {strides = array<i32>} : memref<4000xf32, #tpu.memory_space<vmem>>, vector<16xf32>,
          %slice3A = vector.extract_strided_slice %get3A_184 {offsets = [0], sizes = [1], strides = [1]} : vector<16xf32> to vector<1xf32>
          %squeeze3A = vector.extract %slice3A[0] : f32 from vector<1xf32>
          %mul3A_185 = arith.constant 16 : i32
          %mul3A_186 = arith.muli %add3A_179, %mul3A_185 : i32
          %add3A_187 = arith.constant 0 : i32
          %add3A_188 = arith.addi %mul3A_186, %add3A_187 : i32
          %get3A_189 = arith.index_cast %add3A_188 : i32 to index
          %get3A_190 = arith.constant 0 : index
          %get3A_191 = tpu.vector_load %arg14[%get3A_189, %get3A_190] {strides = array<i32>} : memref<80x64xf32, #tpu.memory_space<vmem>>, vector<16xf32>,
          %mul3A_192 = vector.broadcast %squeeze3A : f32 to vector<16xf32>
          %mul3A_193 = arith.mulf %get3A_191, %mul3A_192 : vector<16xf32>
          %swap3A_194 = arith.index_cast %add3A_188 : i32 to index
          %swap3A_195 = arith.constant 0 : index
          %swap3A_196 = tpu.vector_load %arg14[%swap3A_194, %swap3A_195] {strides = array<i32>} : memref<80x64xf32, #tpu.memory_space<vmem>>, vector<16xf32>,
          tpu.vector_store %arg14[%swap3A_194, %swap3A_195], %mul3A_193 {strides = array<i32>} : memref<80x64xf32, #tpu.memory_space<vmem>>, vector<16xf32>,
          %get3A_197 = arith.index_cast %add3A_188 : i32 to index
          %get3A_198 = arith.constant 16 : index
          %get3A_199 = tpu.vector_load %arg14[%get3A_197, %get3A_198] {strides = array<i32>} : memref<80x64xf32, #tpu.memory_space<vmem>>, vector<16xf32>,
          %mul3A_200 = vector.broadcast %squeeze3A : f32 to vector<16xf32>
          %mul3A_201 = arith.mulf %get3A_199, %mul3A_200 : vector<16xf32>
          %swap3A_202 = arith.index_cast %add3A_188 : i32 to index
          %swap3A_203 = arith.constant 16 : index
          %swap3A_204 = tpu.vector_load %arg14[%swap3A_202, %swap3A_203] {strides = array<i32>} : memref<80x64xf32, #tpu.memory_space<vmem>>, vector<16xf32>,
          tpu.vector_store %arg14[%swap3A_202, %swap3A_203], %mul3A_201 {strides = array<i32>} : memref<80x64xf32, #tpu.memory_space<vmem>>, vector<16xf32>,
          %get3A_205 = arith.index_cast %add3A_188 : i32 to index
          %get3A_206 = arith.constant 32 : index
          %get3A_207 = tpu.vector_load %arg14[%get3A_205, %get3A_206] {strides = array<i32>} : memref<80x64xf32, #tpu.memory_space<vmem>>, vector<16xf32>,
          %mul3A_208 = vector.broadcast %squeeze3A : f32 to vector<16xf32>
          %mul3A_209 = arith.mulf %get3A_207, %mul3A_208 : vector<16xf32>
          %swap3A_210 = arith.index_cast %add3A_188 : i32 to index
          %swap3A_211 = arith.constant 32 : index
          %swap3A_212 = tpu.vector_load %arg14[%swap3A_210, %swap3A_211] {strides = array<i32>} : memref<80x64xf32, #tpu.memory_space<vmem>>, vector<16xf32>,
          tpu.vector_store %arg14[%swap3A_210, %swap3A_211], %mul3A_209 {strides = array<i32>} : memref<80x64xf32, #tpu.memory_space<vmem>>, vector<16xf32>,
          %get3A_213 = arith.index_cast %add3A_188 : i32 to index
          %get3A_214 = arith.constant 48 : index
          %get3A_215 = tpu.vector_load %arg14[%get3A_213, %get3A_214] {strides = array<i32>} : memref<80x64xf32, #tpu.memory_space<vmem>>, vector<16xf32>,
          %mul3A_216 = vector.broadcast %squeeze3A : f32 to vector<16xf32>
          %mul3A_217 = arith.mulf %get3A_215, %mul3A_216 : vector<16xf32>
          %swap3A_218 = arith.index_cast %add3A_188 : i32 to index
          %swap3A_219 = arith.constant 48 : index
          %swap3A_220 = tpu.vector_load %arg14[%swap3A_218, %swap3A_219] {strides = array<i32>} : memref<80x64xf32, #tpu.memory_space<vmem>>, vector<16xf32>,
          tpu.vector_store %arg14[%swap3A_218, %swap3A_219], %mul3A_217 {strides = array<i32>} : memref<80x64xf32, #tpu.memory_space<vmem>>, vector<16xf32>,
          %slice3A_221 = vector.extract_strided_slice %get3A_184 {offsets = [1], sizes = [1], strides = [1]} : vector<16xf32> to vector<1xf32>
          %squeeze3A_222 = vector.extract %slice3A_221[0] : f32 from vector<1xf32>
          %mul3A_223 = arith.constant 16 : i32
          %mul3A_224 = arith.muli %add3A_179, %mul3A_223 : i32
          %add3A_225 = arith.constant 1 : i32
          %add3A_226 = arith.addi %mul3A_224, %add3A_225 : i32
          %get3A_227 = arith.index_cast %add3A_226 : i32 to index
          %get3A_228 = arith.constant 0 : index
          %get3A_229 = tpu.vector_load %arg14[%get3A_227, %get3A_228] {strides = array<i32>} : memref<80x64xf32, #tpu.memory_space<vmem>>, vector<16xf32>,
          %mul3A_230 = vector.broadcast %squeeze3A_222 : f32 to vector<16xf32>
          %mul3A_231 = arith.mulf %get3A_229, %mul3A_230 : vector<16xf32>
          %swap3A_232 = arith.index_cast %add3A_226 : i32 to index
          %swap3A_233 = arith.constant 0 : index
          %swap3A_234 = tpu.vector_load %arg14[%swap3A_232, %swap3A_233] {strides = array<i32>} : memref<80x64xf32, #tpu.memory_space<vmem>>, vector<16xf32>,
          tpu.vector_store %arg14[%swap3A_232, %swap3A_233], %mul3A_231 {strides = array<i32>} : memref<80x64xf32, #tpu.memory_space<vmem>>, vector<16xf32>,
          %get3A_235 = arith.index_cast %add3A_226 : i32 to index
          %get3A_236 = arith.constant 16 : index
          %get3A_237 = tpu.vector_load %arg14[%get3A_235, %get3A_236] {strides = array<i32>} : memref<80x64xf32, #tpu.memory_space<vmem>>, vector<16xf32>,
          %mul3A_238 = vector.broadcast %squeeze3A_222 : f32 to vector<16xf32>
          %mul3A_239 = arith.mulf %get3A_237, %mul3A_238 : vector<16xf32>
          %swap3A_240 = arith.index_cast %add3A_226 : i32 to index
          %swap3A_241 = arith.constant 16 : index
          %swap3A_242 = tpu.vector_load %arg14[%swap3A_240, %swap3A_241] {strides = array<i32>} : memref<80x64xf32, #tpu.memory_space<vmem>>, vector<16xf32>,
          tpu.vector_store %arg14[%swap3A_240, %swap3A_241], %mul3A_239 {strides = array<i32>} : memref<80x64xf32, #tpu.memory_space<vmem>>, vector<16xf32>,
          %get3A_243 = arith.index_cast %add3A_226 : i32 to index
          %get3A_244 = arith.constant 32 : index
          %get3A_245 = tpu.vector_load %arg14[%get3A_243, %get3A_244] {strides = array<i32>} : memref<80x64xf32, #tpu.memory_space<vmem>>, vector<16xf32>,
          %mul3A_246 = vector.broadcast %squeeze3A_222 : f32 to vector<16xf32>
          %mul3A_247 = arith.mulf %get3A_245, %mul3A_246 : vector<16xf32>
          %swap3A_248 = arith.index_cast %add3A_226 : i32 to index
          %swap3A_249 = arith.constant 32 : index
          %swap3A_250 = tpu.vector_load %arg14[%swap3A_248, %swap3A_249] {strides = array<i32>} : memref<80x64xf32, #tpu.memory_space<vmem>>, vector<16xf32>,
          tpu.vector_store %arg14[%swap3A_248, %swap3A_249], %mul3A_247 {strides = array<i32>} : memref<80x64xf32, #tpu.memory_space<vmem>>, vector<16xf32>,
          %get3A_251 = arith.index_cast %add3A_226 : i32 to index
          %get3A_252 = arith.constant 48 : index
          %get3A_253 = tpu.vector_load %arg14[%get3A_251, %get3A_252] {strides = array<i32>} : memref<80x64xf32, #tpu.memory_space<vmem>>, vector<16xf32>,
          %mul3A_254 = vector.broadcast %squeeze3A_222 : f32 to vector<16xf32>
          %mul3A_255 = arith.mulf %get3A_253, %mul3A_254 : vector<16xf32>
          %swap3A_256 = arith.index_cast %add3A_226 : i32 to index
          %swap3A_257 = arith.constant 48 : index
          %swap3A_258 = tpu.vector_load %arg14[%swap3A_256, %swap3A_257] {strides = array<i32>} : memref<80x64xf32, #tpu.memory_space<vmem>>, vector<16xf32>,
          tpu.vector_store %arg14[%swap3A_256, %swap3A_257], %mul3A_255 {strides = array<i32>} : memref<80x64xf32, #tpu.memory_space<vmem>>, vector<16xf32>,
          %slice3A_259 = vector.extract_strided_slice %get3A_184 {offsets = [2], sizes = [1], strides = [1]} : vector<16xf32> to vector<1xf32>
          %squeeze3A_260 = vector.extract %slice3A_259[0] : f32 from vector<1xf32>
          %mul3A_261 = arith.constant 16 : i32
          %mul3A_262 = arith.muli %add3A_179, %mul3A_261 : i32
          %add3A_263 = arith.constant 2 : i32
          %add3A_264 = arith.addi %mul3A_262, %add3A_263 : i32
          %get3A_265 = arith.index_cast %add3A_264 : i32 to index
          %get3A_266 = arith.constant 0 : index
          %get3A_267 = tpu.vector_load %arg14[%get3A_265, %get3A_266] {strides = array<i32>} : memref<80x64xf32, #tpu.memory_space<vmem>>, vector<16xf32>,
          %mul3A_268 = vector.broadcast %squeeze3A_260 : f32 to vector<16xf32>
          %mul3A_269 = arith.mulf %get3A_267, %mul3A_268 : vector<16xf32>
          %swap3A_270 = arith.index_cast %add3A_264 : i32 to index
          %swap3A_271 = arith.constant 0 : index
          %swap3A_272 = tpu.vector_load %arg14[%swap3A_270, %swap3A_271] {strides = array<i32>} : memref<80x64xf32, #tpu.memory_space<vmem>>, vector<16xf32>,
          tpu.vector_store %arg14[%swap3A_270, %swap3A_271], %mul3A_269 {strides = array<i32>} : memref<80x64xf32, #tpu.memory_space<vmem>>, vector<16xf32>,
          %get3A_273 = arith.index_cast %add3A_264 : i32 to index
          %get3A_274 = arith.constant 16 : index
          %get3A_275 = tpu.vector_load %arg14[%get3A_273, %get3A_274] {strides = array<i32>} : memref<80x64xf32, #tpu.memory_space<vmem>>, vector<16xf32>,
          %mul3A_276 = vector.broadcast %squeeze3A_260 : f32 to vector<16xf32>
          %mul3A_277 = arith.mulf %get3A_275, %mul3A_276 : vector<16xf32>
          %swap3A_278 = arith.index_cast %add3A_264 : i32 to index
          %swap3A_279 = arith.constant 16 : index
          %swap3A_280 = tpu.vector_load %arg14[%swap3A_278, %swap3A_279] {strides = array<i32>} : memref<80x64xf32, #tpu.memory_space<vmem>>, vector<16xf32>,
          tpu.vector_store %arg14[%swap3A_278, %swap3A_279], %mul3A_277 {strides = array<i32>} : memref<80x64xf32, #tpu.memory_space<vmem>>, vector<16xf32>,
          %get3A_281 = arith.index_cast %add3A_264 : i32 to index
          %get3A_282 = arith.constant 32 : index
          %get3A_283 = tpu.vector_load %arg14[%get3A_281, %get3A_282] {strides = array<i32>} : memref<80x64xf32, #tpu.memory_space<vmem>>, vector<16xf32>,
          %mul3A_284 = vector.broadcast %squeeze3A_260 : f32 to vector<16xf32>
          %mul3A_285 = arith.mulf %get3A_283, %mul3A_284 : vector<16xf32>
          %swap3A_286 = arith.index_cast %add3A_264 : i32 to index
          %swap3A_287 = arith.constant 32 : index
          %swap3A_288 = tpu.vector_load %arg14[%swap3A_286, %swap3A_287] {strides = array<i32>} : memref<80x64xf32, #tpu.memory_space<vmem>>, vector<16xf32>,
          tpu.vector_store %arg14[%swap3A_286, %swap3A_287], %mul3A_285 {strides = array<i32>} : memref<80x64xf32, #tpu.memory_space<vmem>>, vector<16xf32>,
          %get3A_289 = arith.index_cast %add3A_264 : i32 to index
          %get3A_290 = arith.constant 48 : index
          %get3A_291 = tpu.vector_load %arg14[%get3A_289, %get3A_290] {strides = array<i32>} : memref<80x64xf32, #tpu.memory_space<vmem>>, vector<16xf32>,
          %mul3A_292 = vector.broadcast %squeeze3A_260 : f32 to vector<16xf32>
          %mul3A_293 = arith.mulf %get3A_291, %mul3A_292 : vector<16xf32>
          %swap3A_294 = arith.index_cast %add3A_264 : i32 to index
          %swap3A_295 = arith.constant 48 : index
          %swap3A_296 = tpu.vector_load %arg14[%swap3A_294, %swap3A_295] {strides = array<i32>} : memref<80x64xf32, #tpu.memory_space<vmem>>, vector<16xf32>,
          tpu.vector_store %arg14[%swap3A_294, %swap3A_295], %mul3A_293 {strides = array<i32>} : memref<80x64xf32, #tpu.memory_space<vmem>>, vector<16xf32>,
          %slice3A_297 = vector.extract_strided_slice %get3A_184 {offsets = [3], sizes = [1], strides = [1]} : vector<16xf32> to vector<1xf32>
          %squeeze3A_298 = vector.extract %slice3A_297[0] : f32 from vector<1xf32>
          %mul3A_299 = arith.constant 16 : i32
          %mul3A_300 = arith.muli %add3A_179, %mul3A_299 : i32
          %add3A_301 = arith.constant 3 : i32
          %add3A_302 = arith.addi %mul3A_300, %add3A_301 : i32
          %get3A_303 = arith.index_cast %add3A_302 : i32 to index
          %get3A_304 = arith.constant 0 : index
          %get3A_305 = tpu.vector_load %arg14[%get3A_303, %get3A_304] {strides = array<i32>} : memref<80x64xf32, #tpu.memory_space<vmem>>, vector<16xf32>,
          %mul3A_306 = vector.broadcast %squeeze3A_298 : f32 to vector<16xf32>
          %mul3A_307 = arith.mulf %get3A_305, %mul3A_306 : vector<16xf32>
          %swap3A_308 = arith.index_cast %add3A_302 : i32 to index
          %swap3A_309 = arith.constant 0 : index
          %swap3A_310 = tpu.vector_load %arg14[%swap3A_308, %swap3A_309] {strides = array<i32>} : memref<80x64xf32, #tpu.memory_space<vmem>>, vector<16xf32>,
          tpu.vector_store %arg14[%swap3A_308, %swap3A_309], %mul3A_307 {strides = array<i32>} : memref<80x64xf32, #tpu.memory_space<vmem>>, vector<16xf32>,
          %get3A_311 = arith.index_cast %add3A_302 : i32 to index
          %get3A_312 = arith.constant 16 : index
          %get3A_313 = tpu.vector_load %arg14[%get3A_311, %get3A_312] {strides = array<i32>} : memref<80x64xf32, #tpu.memory_space<vmem>>, vector<16xf32>,
          %mul3A_314 = vector.broadcast %squeeze3A_298 : f32 to vector<16xf32>
          %mul3A_315 = arith.mulf %get3A_313, %mul3A_314 : vector<16xf32>
          %swap3A_316 = arith.index_cast %add3A_302 : i32 to index
          %swap3A_317 = arith.constant 16 : index
          %swap3A_318 = tpu.vector_load %arg14[%swap3A_316, %swap3A_317] {strides = array<i32>} : memref<80x64xf32, #tpu.memory_space<vmem>>, vector<16xf32>,
          tpu.vector_store %arg14[%swap3A_316, %swap3A_317], %mul3A_315 {strides = array<i32>} : memref<80x64xf32, #tpu.memory_space<vmem>>, vector<16xf32>,
          %get3A_319 = arith.index_cast %add3A_302 : i32 to index
          %get3A_320 = arith.constant 32 : index
          %get3A_321 = tpu.vector_load %arg14[%get3A_319, %get3A_320] {strides = array<i32>} : memref<80x64xf32, #tpu.memory_space<vmem>>, vector<16xf32>,
          %mul3A_322 = vector.broadcast %squeeze3A_298 : f32 to vector<16xf32>
          %mul3A_323 = arith.mulf %get3A_321, %mul3A_322 : vector<16xf32>
          %swap3A_324 = arith.index_cast %add3A_302 : i32 to index
          %swap3A_325 = arith.constant 32 : index
          %swap3A_326 = tpu.vector_load %arg14[%swap3A_324, %swap3A_325] {strides = array<i32>} : memref<80x64xf32, #tpu.memory_space<vmem>>, vector<16xf32>,
          tpu.vector_store %arg14[%swap3A_324, %swap3A_325], %mul3A_323 {strides = array<i32>} : memref<80x64xf32, #tpu.memory_space<vmem>>, vector<16xf32>,
          %get3A_327 = arith.index_cast %add3A_302 : i32 to index
          %get3A_328 = arith.constant 48 : index
          %get3A_329 = tpu.vector_load %arg14[%get3A_327, %get3A_328] {strides = array<i32>} : memref<80x64xf32, #tpu.memory_space<vmem>>, vector<16xf32>,
          %mul3A_330 = vector.broadcast %squeeze3A_298 : f32 to vector<16xf32>
          %mul3A_331 = arith.mulf %get3A_329, %mul3A_330 : vector<16xf32>
          %swap3A_332 = arith.index_cast %add3A_302 : i32 to index
          %swap3A_333 = arith.constant 48 : index
          %swap3A_334 = tpu.vector_load %arg14[%swap3A_332, %swap3A_333] {strides = array<i32>} : memref<80x64xf32, #tpu.memory_space<vmem>>, vector<16xf32>,
          tpu.vector_store %arg14[%swap3A_332, %swap3A_333], %mul3A_331 {strides = array<i32>} : memref<80x64xf32, #tpu.memory_space<vmem>>, vector<16xf32>,
          %slice3A_335 = vector.extract_strided_slice %get3A_184 {offsets = [4], sizes = [1], strides = [1]} : vector<16xf32> to vector<1xf32>
          %squeeze3A_336 = vector.extract %slice3A_335[0] : f32 from vector<1xf32>
          %mul3A_337 = arith.constant 16 : i32
          %mul3A_338 = arith.muli %add3A_179, %mul3A_337 : i32
          %add3A_339 = arith.constant 4 : i32
          %add3A_340 = arith.addi %mul3A_338, %add3A_339 : i32
          %get3A_341 = arith.index_cast %add3A_340 : i32 to index
          %get3A_342 = arith.constant 0 : index
          %get3A_343 = tpu.vector_load %arg14[%get3A_341, %get3A_342] {strides = array<i32>} : memref<80x64xf32, #tpu.memory_space<vmem>>, vector<16xf32>,
          %mul3A_344 = vector.broadcast %squeeze3A_336 : f32 to vector<16xf32>
          %mul3A_345 = arith.mulf %get3A_343, %mul3A_344 : vector<16xf32>
          %swap3A_346 = arith.index_cast %add3A_340 : i32 to index
          %swap3A_347 = arith.constant 0 : index
          %swap3A_348 = tpu.vector_load %arg14[%swap3A_346, %swap3A_347] {strides = array<i32>} : memref<80x64xf32, #tpu.memory_space<vmem>>, vector<16xf32>,
          tpu.vector_store %arg14[%swap3A_346, %swap3A_347], %mul3A_345 {strides = array<i32>} : memref<80x64xf32, #tpu.memory_space<vmem>>, vector<16xf32>,
          %get3A_349 = arith.index_cast %add3A_340 : i32 to index
          %get3A_350 = arith.constant 16 : index
          %get3A_351 = tpu.vector_load %arg14[%get3A_349, %get3A_350] {strides = array<i32>} : memref<80x64xf32, #tpu.memory_space<vmem>>, vector<16xf32>,
          %mul3A_352 = vector.broadcast %squeeze3A_336 : f32 to vector<16xf32>
          %mul3A_353 = arith.mulf %get3A_351, %mul3A_352 : vector<16xf32>
          %swap3A_354 = arith.index_cast %add3A_340 : i32 to index
          %swap3A_355 = arith.constant 16 : index
          %swap3A_356 = tpu.vector_load %arg14[%swap3A_354, %swap3A_355] {strides = array<i32>} : memref<80x64xf32, #tpu.memory_space<vmem>>, vector<16xf32>,
          tpu.vector_store %arg14[%swap3A_354, %swap3A_355], %mul3A_353 {strides = array<i32>} : memref<80x64xf32, #tpu.memory_space<vmem>>, vector<16xf32>,
          %get3A_357 = arith.index_cast %add3A_340 : i32 to index
          %get3A_358 = arith.constant 32 : index
          %get3A_359 = tpu.vector_load %arg14[%get3A_357, %get3A_358] {strides = array<i32>} : memref<80x64xf32, #tpu.memory_space<vmem>>, vector<16xf32>,
          %mul3A_360 = vector.broadcast %squeeze3A_336 : f32 to vector<16xf32>
          %mul3A_361 = arith.mulf %get3A_359, %mul3A_360 : vector<16xf32>
          %swap3A_362 = arith.index_cast %add3A_340 : i32 to index
          %swap3A_363 = arith.constant 32 : index
          %swap3A_364 = tpu.vector_load %arg14[%swap3A_362, %swap3A_363] {strides = array<i32>} : memref<80x64xf32, #tpu.memory_space<vmem>>, vector<16xf32>,
          tpu.vector_store %arg14[%swap3A_362, %swap3A_363], %mul3A_361 {strides = array<i32>} : memref<80x64xf32, #tpu.memory_space<vmem>>, vector<16xf32>,
          %get3A_365 = arith.index_cast %add3A_340 : i32 to index
          %get3A_366 = arith.constant 48 : index
          %get3A_367 = tpu.vector_load %arg14[%get3A_365, %get3A_366] {strides = array<i32>} : memref<80x64xf32, #tpu.memory_space<vmem>>, vector<16xf32>,
          %mul3A_368 = vector.broadcast %squeeze3A_336 : f32 to vector<16xf32>
          %mul3A_369 = arith.mulf %get3A_367, %mul3A_368 : vector<16xf32>
          %swap3A_370 = arith.index_cast %add3A_340 : i32 to index
          %swap3A_371 = arith.constant 48 : index
          %swap3A_372 = tpu.vector_load %arg14[%swap3A_370, %swap3A_371] {strides = array<i32>} : memref<80x64xf32, #tpu.memory_space<vmem>>, vector<16xf32>,
          tpu.vector_store %arg14[%swap3A_370, %swap3A_371], %mul3A_369 {strides = array<i32>} : memref<80x64xf32, #tpu.memory_space<vmem>>, vector<16xf32>,
          %slice3A_373 = vector.extract_strided_slice %get3A_184 {offsets = [5], sizes = [1], strides = [1]} : vector<16xf32> to vector<1xf32>
          %squeeze3A_374 = vector.extract %slice3A_373[0] : f32 from vector<1xf32>
          %mul3A_375 = arith.constant 16 : i32
          %mul3A_376 = arith.muli %add3A_179, %mul3A_375 : i32
          %add3A_377 = arith.constant 5 : i32
          %add3A_378 = arith.addi %mul3A_376, %add3A_377 : i32
          %get3A_379 = arith.index_cast %add3A_378 : i32 to index
          %get3A_380 = arith.constant 0 : index
          %get3A_381 = tpu.vector_load %arg14[%get3A_379, %get3A_380] {strides = array<i32>} : memref<80x64xf32, #tpu.memory_space<vmem>>, vector<16xf32>,
          %mul3A_382 = vector.broadcast %squeeze3A_374 : f32 to vector<16xf32>
          %mul3A_383 = arith.mulf %get3A_381, %mul3A_382 : vector<16xf32>
          %swap3A_384 = arith.index_cast %add3A_378 : i32 to index
          %swap3A_385 = arith.constant 0 : index
          %swap3A_386 = tpu.vector_load %arg14[%swap3A_384, %swap3A_385] {strides = array<i32>} : memref<80x64xf32, #tpu.memory_space<vmem>>, vector<16xf32>,
          tpu.vector_store %arg14[%swap3A_384, %swap3A_385], %mul3A_383 {strides = array<i32>} : memref<80x64xf32, #tpu.memory_space<vmem>>, vector<16xf32>,
          %get3A_387 = arith.index_cast %add3A_378 : i32 to index
          %get3A_388 = arith.constant 16 : index
          %get3A_389 = tpu.vector_load %arg14[%get3A_387, %get3A_388] {strides = array<i32>} : memref<80x64xf32, #tpu.memory_space<vmem>>, vector<16xf32>,
          %mul3A_390 = vector.broadcast %squeeze3A_374 : f32 to vector<16xf32>
          %mul3A_391 = arith.mulf %get3A_389, %mul3A_390 : vector<16xf32>
          %swap3A_392 = arith.index_cast %add3A_378 : i32 to index
          %swap3A_393 = arith.constant 16 : index
          %swap3A_394 = tpu.vector_load %arg14[%swap3A_392, %swap3A_393] {strides = array<i32>} : memref<80x64xf32, #tpu.memory_space<vmem>>, vector<16xf32>,
          tpu.vector_store %arg14[%swap3A_392, %swap3A_393], %mul3A_391 {strides = array<i32>} : memref<80x64xf32, #tpu.memory_space<vmem>>, vector<16xf32>,
          %get3A_395 = arith.index_cast %add3A_378 : i32 to index
          %get3A_396 = arith.constant 32 : index
          %get3A_397 = tpu.vector_load %arg14[%get3A_395, %get3A_396] {strides = array<i32>} : memref<80x64xf32, #tpu.memory_space<vmem>>, vector<16xf32>,
          %mul3A_398 = vector.broadcast %squeeze3A_374 : f32 to vector<16xf32>
          %mul3A_399 = arith.mulf %get3A_397, %mul3A_398 : vector<16xf32>
          %swap3A_400 = arith.index_cast %add3A_378 : i32 to index
          %swap3A_401 = arith.constant 32 : index
          %swap3A_402 = tpu.vector_load %arg14[%swap3A_400, %swap3A_401] {strides = array<i32>} : memref<80x64xf32, #tpu.memory_space<vmem>>, vector<16xf32>,
          tpu.vector_store %arg14[%swap3A_400, %swap3A_401], %mul3A_399 {strides = array<i32>} : memref<80x64xf32, #tpu.memory_space<vmem>>, vector<16xf32>,
          %get3A_403 = arith.index_cast %add3A_378 : i32 to index
          %get3A_404 = arith.constant 48 : index
          %get3A_405 = tpu.vector_load %arg14[%get3A_403, %get3A_404] {strides = array<i32>} : memref<80x64xf32, #tpu.memory_space<vmem>>, vector<16xf32>,
          %mul3A_406 = vector.broadcast %squeeze3A_374 : f32 to vector<16xf32>
          %mul3A_407 = arith.mulf %get3A_405, %mul3A_406 : vector<16xf32>
          %swap3A_408 = arith.index_cast %add3A_378 : i32 to index
          %swap3A_409 = arith.constant 48 : index
          %swap3A_410 = tpu.vector_load %arg14[%swap3A_408, %swap3A_409] {strides = array<i32>} : memref<80x64xf32, #tpu.memory_space<vmem>>, vector<16xf32>,
          tpu.vector_store %arg14[%swap3A_408, %swap3A_409], %mul3A_407 {strides = array<i32>} : memref<80x64xf32, #tpu.memory_space<vmem>>, vector<16xf32>,
          %slice3A_411 = vector.extract_strided_slice %get3A_184 {offsets = [6], sizes = [1], strides = [1]} : vector<16xf32> to vector<1xf32>
          %squeeze3A_412 = vector.extract %slice3A_411[0] : f32 from vector<1xf32>
          %mul3A_413 = arith.constant 16 : i32
          %mul3A_414 = arith.muli %add3A_179, %mul3A_413 : i32
          %add3A_415 = arith.constant 6 : i32
          %add3A_416 = arith.addi %mul3A_414, %add3A_415 : i32
          %get3A_417 = arith.index_cast %add3A_416 : i32 to index
          %get3A_418 = arith.constant 0 : index
          %get3A_419 = tpu.vector_load %arg14[%get3A_417, %get3A_418] {strides = array<i32>} : memref<80x64xf32, #tpu.memory_space<vmem>>, vector<16xf32>,
          %mul3A_420 = vector.broadcast %squeeze3A_412 : f32 to vector<16xf32>
          %mul3A_421 = arith.mulf %get3A_419, %mul3A_420 : vector<16xf32>
          %swap3A_422 = arith.index_cast %add3A_416 : i32 to index
          %swap3A_423 = arith.constant 0 : index
          %swap3A_424 = tpu.vector_load %arg14[%swap3A_422, %swap3A_423] {strides = array<i32>} : memref<80x64xf32, #tpu.memory_space<vmem>>, vector<16xf32>,
          tpu.vector_store %arg14[%swap3A_422, %swap3A_423], %mul3A_421 {strides = array<i32>} : memref<80x64xf32, #tpu.memory_space<vmem>>, vector<16xf32>,
          %get3A_425 = arith.index_cast %add3A_416 : i32 to index
          %get3A_426 = arith.constant 16 : index
          %get3A_427 = tpu.vector_load %arg14[%get3A_425, %get3A_426] {strides = array<i32>} : memref<80x64xf32, #tpu.memory_space<vmem>>, vector<16xf32>,
          %mul3A_428 = vector.broadcast %squeeze3A_412 : f32 to vector<16xf32>
          %mul3A_429 = arith.mulf %get3A_427, %mul3A_428 : vector<16xf32>
          %swap3A_430 = arith.index_cast %add3A_416 : i32 to index
          %swap3A_431 = arith.constant 16 : index
          %swap3A_432 = tpu.vector_load %arg14[%swap3A_430, %swap3A_431] {strides = array<i32>} : memref<80x64xf32, #tpu.memory_space<vmem>>, vector<16xf32>,
          tpu.vector_store %arg14[%swap3A_430, %swap3A_431], %mul3A_429 {strides = array<i32>} : memref<80x64xf32, #tpu.memory_space<vmem>>, vector<16xf32>,
          %get3A_433 = arith.index_cast %add3A_416 : i32 to index
          %get3A_434 = arith.constant 32 : index
          %get3A_435 = tpu.vector_load %arg14[%get3A_433, %get3A_434] {strides = array<i32>} : memref<80x64xf32, #tpu.memory_space<vmem>>, vector<16xf32>,
          %mul3A_436 = vector.broadcast %squeeze3A_412 : f32 to vector<16xf32>
          %mul3A_437 = arith.mulf %get3A_435, %mul3A_436 : vector<16xf32>
          %swap3A_438 = arith.index_cast %add3A_416 : i32 to index
          %swap3A_439 = arith.constant 32 : index
          %swap3A_440 = tpu.vector_load %arg14[%swap3A_438, %swap3A_439] {strides = array<i32>} : memref<80x64xf32, #tpu.memory_space<vmem>>, vector<16xf32>,
          tpu.vector_store %arg14[%swap3A_438, %swap3A_439], %mul3A_437 {strides = array<i32>} : memref<80x64xf32, #tpu.memory_space<vmem>>, vector<16xf32>,
          %get3A_441 = arith.index_cast %add3A_416 : i32 to index
          %get3A_442 = arith.constant 48 : index
          %get3A_443 = tpu.vector_load %arg14[%get3A_441, %get3A_442] {strides = array<i32>} : memref<80x64xf32, #tpu.memory_space<vmem>>, vector<16xf32>,
          %mul3A_444 = vector.broadcast %squeeze3A_412 : f32 to vector<16xf32>
          %mul3A_445 = arith.mulf %get3A_443, %mul3A_444 : vector<16xf32>
          %swap3A_446 = arith.index_cast %add3A_416 : i32 to index
          %swap3A_447 = arith.constant 48 : index
          %swap3A_448 = tpu.vector_load %arg14[%swap3A_446, %swap3A_447] {strides = array<i32>} : memref<80x64xf32, #tpu.memory_space<vmem>>, vector<16xf32>,
          tpu.vector_store %arg14[%swap3A_446, %swap3A_447], %mul3A_445 {strides = array<i32>} : memref<80x64xf32, #tpu.memory_space<vmem>>, vector<16xf32>,
          %slice3A_449 = vector.extract_strided_slice %get3A_184 {offsets = [7], sizes = [1], strides = [1]} : vector<16xf32> to vector<1xf32>
          %squeeze3A_450 = vector.extract %slice3A_449[0] : f32 from vector<1xf32>
          %mul3A_451 = arith.constant 16 : i32
          %mul3A_452 = arith.muli %add3A_179, %mul3A_451 : i32
          %add3A_453 = arith.constant 7 : i32
          %add3A_454 = arith.addi %mul3A_452, %add3A_453 : i32
          %get3A_455 = arith.index_cast %add3A_454 : i32 to index
          %get3A_456 = arith.constant 0 : index
          %get3A_457 = tpu.vector_load %arg14[%get3A_455, %get3A_456] {strides = array<i32>} : memref<80x64xf32, #tpu.memory_space<vmem>>, vector<16xf32>,
          %mul3A_458 = vector.broadcast %squeeze3A_450 : f32 to vector<16xf32>
          %mul3A_459 = arith.mulf %get3A_457, %mul3A_458 : vector<16xf32>
          %swap3A_460 = arith.index_cast %add3A_454 : i32 to index
          %swap3A_461 = arith.constant 0 : index
          %swap3A_462 = tpu.vector_load %arg14[%swap3A_460, %swap3A_461] {strides = array<i32>} : memref<80x64xf32, #tpu.memory_space<vmem>>, vector<16xf32>,
          tpu.vector_store %arg14[%swap3A_460, %swap3A_461], %mul3A_459 {strides = array<i32>} : memref<80x64xf32, #tpu.memory_space<vmem>>, vector<16xf32>,
          %get3A_463 = arith.index_cast %add3A_454 : i32 to index
          %get3A_464 = arith.constant 16 : index
          %get3A_465 = tpu.vector_load %arg14[%get3A_463, %get3A_464] {strides = array<i32>} : memref<80x64xf32, #tpu.memory_space<vmem>>, vector<16xf32>,
          %mul3A_466 = vector.broadcast %squeeze3A_450 : f32 to vector<16xf32>
          %mul3A_467 = arith.mulf %get3A_465, %mul3A_466 : vector<16xf32>
          %swap3A_468 = arith.index_cast %add3A_454 : i32 to index
          %swap3A_469 = arith.constant 16 : index
          %swap3A_470 = tpu.vector_load %arg14[%swap3A_468, %swap3A_469] {strides = array<i32>} : memref<80x64xf32, #tpu.memory_space<vmem>>, vector<16xf32>,
          tpu.vector_store %arg14[%swap3A_468, %swap3A_469], %mul3A_467 {strides = array<i32>} : memref<80x64xf32, #tpu.memory_space<vmem>>, vector<16xf32>,
          %get3A_471 = arith.index_cast %add3A_454 : i32 to index
          %get3A_472 = arith.constant 32 : index
          %get3A_473 = tpu.vector_load %arg14[%get3A_471, %get3A_472] {strides = array<i32>} : memref<80x64xf32, #tpu.memory_space<vmem>>, vector<16xf32>,
          %mul3A_474 = vector.broadcast %squeeze3A_450 : f32 to vector<16xf32>
          %mul3A_475 = arith.mulf %get3A_473, %mul3A_474 : vector<16xf32>
          %swap3A_476 = arith.index_cast %add3A_454 : i32 to index
          %swap3A_477 = arith.constant 32 : index
          %swap3A_478 = tpu.vector_load %arg14[%swap3A_476, %swap3A_477] {strides = array<i32>} : memref<80x64xf32, #tpu.memory_space<vmem>>, vector<16xf32>,
          tpu.vector_store %arg14[%swap3A_476, %swap3A_477], %mul3A_475 {strides = array<i32>} : memref<80x64xf32, #tpu.memory_space<vmem>>, vector<16xf32>,
          %get3A_479 = arith.index_cast %add3A_454 : i32 to index
          %get3A_480 = arith.constant 48 : index
          %get3A_481 = tpu.vector_load %arg14[%get3A_479, %get3A_480] {strides = array<i32>} : memref<80x64xf32, #tpu.memory_space<vmem>>, vector<16xf32>,
          %mul3A_482 = vector.broadcast %squeeze3A_450 : f32 to vector<16xf32>
          %mul3A_483 = arith.mulf %get3A_481, %mul3A_482 : vector<16xf32>
          %swap3A_484 = arith.index_cast %add3A_454 : i32 to index
          %swap3A_485 = arith.constant 48 : index
          %swap3A_486 = tpu.vector_load %arg14[%swap3A_484, %swap3A_485] {strides = array<i32>} : memref<80x64xf32, #tpu.memory_space<vmem>>, vector<16xf32>,
          tpu.vector_store %arg14[%swap3A_484, %swap3A_485], %mul3A_483 {strides = array<i32>} : memref<80x64xf32, #tpu.memory_space<vmem>>, vector<16xf32>,
          %slice3A_487 = vector.extract_strided_slice %get3A_184 {offsets = [8], sizes = [1], strides = [1]} : vector<16xf32> to vector<1xf32>
          %squeeze3A_488 = vector.extract %slice3A_487[0] : f32 from vector<1xf32>
          %mul3A_489 = arith.constant 16 : i32
          %mul3A_490 = arith.muli %add3A_179, %mul3A_489 : i32
          %add3A_491 = arith.constant 8 : i32
          %add3A_492 = arith.addi %mul3A_490, %add3A_491 : i32
          %get3A_493 = arith.index_cast %add3A_492 : i32 to index
          %get3A_494 = arith.constant 0 : index
          %get3A_495 = tpu.vector_load %arg14[%get3A_493, %get3A_494] {strides = array<i32>} : memref<80x64xf32, #tpu.memory_space<vmem>>, vector<16xf32>,
          %mul3A_496 = vector.broadcast %squeeze3A_488 : f32 to vector<16xf32>
          %mul3A_497 = arith.mulf %get3A_495, %mul3A_496 : vector<16xf32>
          %swap3A_498 = arith.index_cast %add3A_492 : i32 to index
          %swap3A_499 = arith.constant 0 : index
          %swap3A_500 = tpu.vector_load %arg14[%swap3A_498, %swap3A_499] {strides = array<i32>} : memref<80x64xf32, #tpu.memory_space<vmem>>, vector<16xf32>,
          tpu.vector_store %arg14[%swap3A_498, %swap3A_499], %mul3A_497 {strides = array<i32>} : memref<80x64xf32, #tpu.memory_space<vmem>>, vector<16xf32>,
          %get3A_501 = arith.index_cast %add3A_492 : i32 to index
          %get3A_502 = arith.constant 16 : index
          %get3A_503 = tpu.vector_load %arg14[%get3A_501, %get3A_502] {strides = array<i32>} : memref<80x64xf32, #tpu.memory_space<vmem>>, vector<16xf32>,
          %mul3A_504 = vector.broadcast %squeeze3A_488 : f32 to vector<16xf32>
          %mul3A_505 = arith.mulf %get3A_503, %mul3A_504 : vector<16xf32>
          %swap3A_506 = arith.index_cast %add3A_492 : i32 to index
          %swap3A_507 = arith.constant 16 : index
          %swap3A_508 = tpu.vector_load %arg14[%swap3A_506, %swap3A_507] {strides = array<i32>} : memref<80x64xf32, #tpu.memory_space<vmem>>, vector<16xf32>,
          tpu.vector_store %arg14[%swap3A_506, %swap3A_507], %mul3A_505 {strides = array<i32>} : memref<80x64xf32, #tpu.memory_space<vmem>>, vector<16xf32>,
          %get3A_509 = arith.index_cast %add3A_492 : i32 to index
          %get3A_510 = arith.constant 32 : index
          %get3A_511 = tpu.vector_load %arg14[%get3A_509, %get3A_510] {strides = array<i32>} : memref<80x64xf32, #tpu.memory_space<vmem>>, vector<16xf32>,
          %mul3A_512 = vector.broadcast %squeeze3A_488 : f32 to vector<16xf32>
          %mul3A_513 = arith.mulf %get3A_511, %mul3A_512 : vector<16xf32>
          %swap3A_514 = arith.index_cast %add3A_492 : i32 to index
          %swap3A_515 = arith.constant 32 : index
          %swap3A_516 = tpu.vector_load %arg14[%swap3A_514, %swap3A_515] {strides = array<i32>} : memref<80x64xf32, #tpu.memory_space<vmem>>, vector<16xf32>,
          tpu.vector_store %arg14[%swap3A_514, %swap3A_515], %mul3A_513 {strides = array<i32>} : memref<80x64xf32, #tpu.memory_space<vmem>>, vector<16xf32>,
          %get3A_517 = arith.index_cast %add3A_492 : i32 to index
          %get3A_518 = arith.constant 48 : index
          %get3A_519 = tpu.vector_load %arg14[%get3A_517, %get3A_518] {strides = array<i32>} : memref<80x64xf32, #tpu.memory_space<vmem>>, vector<16xf32>,
          %mul3A_520 = vector.broadcast %squeeze3A_488 : f32 to vector<16xf32>
          %mul3A_521 = arith.mulf %get3A_519, %mul3A_520 : vector<16xf32>
          %swap3A_522 = arith.index_cast %add3A_492 : i32 to index
          %swap3A_523 = arith.constant 48 : index
          %swap3A_524 = tpu.vector_load %arg14[%swap3A_522, %swap3A_523] {strides = array<i32>} : memref<80x64xf32, #tpu.memory_space<vmem>>, vector<16xf32>,
          tpu.vector_store %arg14[%swap3A_522, %swap3A_523], %mul3A_521 {strides = array<i32>} : memref<80x64xf32, #tpu.memory_space<vmem>>, vector<16xf32>,
          %slice3A_525 = vector.extract_strided_slice %get3A_184 {offsets = [9], sizes = [1], strides = [1]} : vector<16xf32> to vector<1xf32>
          %squeeze3A_526 = vector.extract %slice3A_525[0] : f32 from vector<1xf32>
          %mul3A_527 = arith.constant 16 : i32
          %mul3A_528 = arith.muli %add3A_179, %mul3A_527 : i32
          %add3A_529 = arith.constant 9 : i32
          %add3A_530 = arith.addi %mul3A_528, %add3A_529 : i32
          %get3A_531 = arith.index_cast %add3A_530 : i32 to index
          %get3A_532 = arith.constant 0 : index
          %get3A_533 = tpu.vector_load %arg14[%get3A_531, %get3A_532] {strides = array<i32>} : memref<80x64xf32, #tpu.memory_space<vmem>>, vector<16xf32>,
          %mul3A_534 = vector.broadcast %squeeze3A_526 : f32 to vector<16xf32>
          %mul3A_535 = arith.mulf %get3A_533, %mul3A_534 : vector<16xf32>
          %swap3A_536 = arith.index_cast %add3A_530 : i32 to index
          %swap3A_537 = arith.constant 0 : index
          %swap3A_538 = tpu.vector_load %arg14[%swap3A_536, %swap3A_537] {strides = array<i32>} : memref<80x64xf32, #tpu.memory_space<vmem>>, vector<16xf32>,
          tpu.vector_store %arg14[%swap3A_536, %swap3A_537], %mul3A_535 {strides = array<i32>} : memref<80x64xf32, #tpu.memory_space<vmem>>, vector<16xf32>,
          %get3A_539 = arith.index_cast %add3A_530 : i32 to index
          %get3A_540 = arith.constant 16 : index
          %get3A_541 = tpu.vector_load %arg14[%get3A_539, %get3A_540] {strides = array<i32>} : memref<80x64xf32, #tpu.memory_space<vmem>>, vector<16xf32>,
          %mul3A_542 = vector.broadcast %squeeze3A_526 : f32 to vector<16xf32>
          %mul3A_543 = arith.mulf %get3A_541, %mul3A_542 : vector<16xf32>
          %swap3A_544 = arith.index_cast %add3A_530 : i32 to index
          %swap3A_545 = arith.constant 16 : index
          %swap3A_546 = tpu.vector_load %arg14[%swap3A_544, %swap3A_545] {strides = array<i32>} : memref<80x64xf32, #tpu.memory_space<vmem>>, vector<16xf32>,
          tpu.vector_store %arg14[%swap3A_544, %swap3A_545], %mul3A_543 {strides = array<i32>} : memref<80x64xf32, #tpu.memory_space<vmem>>, vector<16xf32>,
          %get3A_547 = arith.index_cast %add3A_530 : i32 to index
          %get3A_548 = arith.constant 32 : index
          %get3A_549 = tpu.vector_load %arg14[%get3A_547, %get3A_548] {strides = array<i32>} : memref<80x64xf32, #tpu.memory_space<vmem>>, vector<16xf32>,
          %mul3A_550 = vector.broadcast %squeeze3A_526 : f32 to vector<16xf32>
          %mul3A_551 = arith.mulf %get3A_549, %mul3A_550 : vector<16xf32>
          %swap3A_552 = arith.index_cast %add3A_530 : i32 to index
          %swap3A_553 = arith.constant 32 : index
          %swap3A_554 = tpu.vector_load %arg14[%swap3A_552, %swap3A_553] {strides = array<i32>} : memref<80x64xf32, #tpu.memory_space<vmem>>, vector<16xf32>,
          tpu.vector_store %arg14[%swap3A_552, %swap3A_553], %mul3A_551 {strides = array<i32>} : memref<80x64xf32, #tpu.memory_space<vmem>>, vector<16xf32>,
          %get3A_555 = arith.index_cast %add3A_530 : i32 to index
          %get3A_556 = arith.constant 48 : index
          %get3A_557 = tpu.vector_load %arg14[%get3A_555, %get3A_556] {strides = array<i32>} : memref<80x64xf32, #tpu.memory_space<vmem>>, vector<16xf32>,
          %mul3A_558 = vector.broadcast %squeeze3A_526 : f32 to vector<16xf32>
          %mul3A_559 = arith.mulf %get3A_557, %mul3A_558 : vector<16xf32>
          %swap3A_560 = arith.index_cast %add3A_530 : i32 to index
          %swap3A_561 = arith.constant 48 : index
          %swap3A_562 = tpu.vector_load %arg14[%swap3A_560, %swap3A_561] {strides = array<i32>} : memref<80x64xf32, #tpu.memory_space<vmem>>, vector<16xf32>,
          tpu.vector_store %arg14[%swap3A_560, %swap3A_561], %mul3A_559 {strides = array<i32>} : memref<80x64xf32, #tpu.memory_space<vmem>>, vector<16xf32>,
          %slice3A_563 = vector.extract_strided_slice %get3A_184 {offsets = [10], sizes = [1], strides = [1]} : vector<16xf32> to vector<1xf32>
          %squeeze3A_564 = vector.extract %slice3A_563[0] : f32 from vector<1xf32>
          %mul3A_565 = arith.constant 16 : i32
          %mul3A_566 = arith.muli %add3A_179, %mul3A_565 : i32
          %add3A_567 = arith.constant 10 : i32
          %add3A_568 = arith.addi %mul3A_566, %add3A_567 : i32
          %get3A_569 = arith.index_cast %add3A_568 : i32 to index
          %get3A_570 = arith.constant 0 : index
          %get3A_571 = tpu.vector_load %arg14[%get3A_569, %get3A_570] {strides = array<i32>} : memref<80x64xf32, #tpu.memory_space<vmem>>, vector<16xf32>,
          %mul3A_572 = vector.broadcast %squeeze3A_564 : f32 to vector<16xf32>
          %mul3A_573 = arith.mulf %get3A_571, %mul3A_572 : vector<16xf32>
          %swap3A_574 = arith.index_cast %add3A_568 : i32 to index
          %swap3A_575 = arith.constant 0 : index
          %swap3A_576 = tpu.vector_load %arg14[%swap3A_574, %swap3A_575] {strides = array<i32>} : memref<80x64xf32, #tpu.memory_space<vmem>>, vector<16xf32>,
          tpu.vector_store %arg14[%swap3A_574, %swap3A_575], %mul3A_573 {strides = array<i32>} : memref<80x64xf32, #tpu.memory_space<vmem>>, vector<16xf32>,
          %get3A_577 = arith.index_cast %add3A_568 : i32 to index
          %get3A_578 = arith.constant 16 : index
          %get3A_579 = tpu.vector_load %arg14[%get3A_577, %get3A_578] {strides = array<i32>} : memref<80x64xf32, #tpu.memory_space<vmem>>, vector<16xf32>,
          %mul3A_580 = vector.broadcast %squeeze3A_564 : f32 to vector<16xf32>
          %mul3A_581 = arith.mulf %get3A_579, %mul3A_580 : vector<16xf32>
          %swap3A_582 = arith.index_cast %add3A_568 : i32 to index
          %swap3A_583 = arith.constant 16 : index
          %swap3A_584 = tpu.vector_load %arg14[%swap3A_582, %swap3A_583] {strides = array<i32>} : memref<80x64xf32, #tpu.memory_space<vmem>>, vector<16xf32>,
          tpu.vector_store %arg14[%swap3A_582, %swap3A_583], %mul3A_581 {strides = array<i32>} : memref<80x64xf32, #tpu.memory_space<vmem>>, vector<16xf32>,
          %get3A_585 = arith.index_cast %add3A_568 : i32 to index
          %get3A_586 = arith.constant 32 : index
          %get3A_587 = tpu.vector_load %arg14[%get3A_585, %get3A_586] {strides = array<i32>} : memref<80x64xf32, #tpu.memory_space<vmem>>, vector<16xf32>,
          %mul3A_588 = vector.broadcast %squeeze3A_564 : f32 to vector<16xf32>
          %mul3A_589 = arith.mulf %get3A_587, %mul3A_588 : vector<16xf32>
          %swap3A_590 = arith.index_cast %add3A_568 : i32 to index
          %swap3A_591 = arith.constant 32 : index
          %swap3A_592 = tpu.vector_load %arg14[%swap3A_590, %swap3A_591] {strides = array<i32>} : memref<80x64xf32, #tpu.memory_space<vmem>>, vector<16xf32>,
          tpu.vector_store %arg14[%swap3A_590, %swap3A_591], %mul3A_589 {strides = array<i32>} : memref<80x64xf32, #tpu.memory_space<vmem>>, vector<16xf32>,
          %get3A_593 = arith.index_cast %add3A_568 : i32 to index
          %get3A_594 = arith.constant 48 : index
          %get3A_595 = tpu.vector_load %arg14[%get3A_593, %get3A_594] {strides = array<i32>} : memref<80x64xf32, #tpu.memory_space<vmem>>, vector<16xf32>,
          %mul3A_596 = vector.broadcast %squeeze3A_564 : f32 to vector<16xf32>
          %mul3A_597 = arith.mulf %get3A_595, %mul3A_596 : vector<16xf32>
          %swap3A_598 = arith.index_cast %add3A_568 : i32 to index
          %swap3A_599 = arith.constant 48 : index
          %swap3A_600 = tpu.vector_load %arg14[%swap3A_598, %swap3A_599] {strides = array<i32>} : memref<80x64xf32, #tpu.memory_space<vmem>>, vector<16xf32>,
          tpu.vector_store %arg14[%swap3A_598, %swap3A_599], %mul3A_597 {strides = array<i32>} : memref<80x64xf32, #tpu.memory_space<vmem>>, vector<16xf32>,
          %slice3A_601 = vector.extract_strided_slice %get3A_184 {offsets = [11], sizes = [1], strides = [1]} : vector<16xf32> to vector<1xf32>
          %squeeze3A_602 = vector.extract %slice3A_601[0] : f32 from vector<1xf32>
          %mul3A_603 = arith.constant 16 : i32
          %mul3A_604 = arith.muli %add3A_179, %mul3A_603 : i32
          %add3A_605 = arith.constant 11 : i32
          %add3A_606 = arith.addi %mul3A_604, %add3A_605 : i32
          %get3A_607 = arith.index_cast %add3A_606 : i32 to index
          %get3A_608 = arith.constant 0 : index
          %get3A_609 = tpu.vector_load %arg14[%get3A_607, %get3A_608] {strides = array<i32>} : memref<80x64xf32, #tpu.memory_space<vmem>>, vector<16xf32>,
          %mul3A_610 = vector.broadcast %squeeze3A_602 : f32 to vector<16xf32>
          %mul3A_611 = arith.mulf %get3A_609, %mul3A_610 : vector<16xf32>
          %swap3A_612 = arith.index_cast %add3A_606 : i32 to index
          %swap3A_613 = arith.constant 0 : index
          %swap3A_614 = tpu.vector_load %arg14[%swap3A_612, %swap3A_613] {strides = array<i32>} : memref<80x64xf32, #tpu.memory_space<vmem>>, vector<16xf32>,
          tpu.vector_store %arg14[%swap3A_612, %swap3A_613], %mul3A_611 {strides = array<i32>} : memref<80x64xf32, #tpu.memory_space<vmem>>, vector<16xf32>,
          %get3A_615 = arith.index_cast %add3A_606 : i32 to index
          %get3A_616 = arith.constant 16 : index
          %get3A_617 = tpu.vector_load %arg14[%get3A_615, %get3A_616] {strides = array<i32>} : memref<80x64xf32, #tpu.memory_space<vmem>>, vector<16xf32>,
          %mul3A_618 = vector.broadcast %squeeze3A_602 : f32 to vector<16xf32>
          %mul3A_619 = arith.mulf %get3A_617, %mul3A_618 : vector<16xf32>
          %swap3A_620 = arith.index_cast %add3A_606 : i32 to index
          %swap3A_621 = arith.constant 16 : index
          %swap3A_622 = tpu.vector_load %arg14[%swap3A_620, %swap3A_621] {strides = array<i32>} : memref<80x64xf32, #tpu.memory_space<vmem>>, vector<16xf32>,
          tpu.vector_store %arg14[%swap3A_620, %swap3A_621], %mul3A_619 {strides = array<i32>} : memref<80x64xf32, #tpu.memory_space<vmem>>, vector<16xf32>,
          %get3A_623 = arith.index_cast %add3A_606 : i32 to index
          %get3A_624 = arith.constant 32 : index
          %get3A_625 = tpu.vector_load %arg14[%get3A_623, %get3A_624] {strides = array<i32>} : memref<80x64xf32, #tpu.memory_space<vmem>>, vector<16xf32>,
          %mul3A_626 = vector.broadcast %squeeze3A_602 : f32 to vector<16xf32>
          %mul3A_627 = arith.mulf %get3A_625, %mul3A_626 : vector<16xf32>
          %swap3A_628 = arith.index_cast %add3A_606 : i32 to index
          %swap3A_629 = arith.constant 32 : index
          %swap3A_630 = tpu.vector_load %arg14[%swap3A_628, %swap3A_629] {strides = array<i32>} : memref<80x64xf32, #tpu.memory_space<vmem>>, vector<16xf32>,
          tpu.vector_store %arg14[%swap3A_628, %swap3A_629], %mul3A_627 {strides = array<i32>} : memref<80x64xf32, #tpu.memory_space<vmem>>, vector<16xf32>,
          %get3A_631 = arith.index_cast %add3A_606 : i32 to index
          %get3A_632 = arith.constant 48 : index
          %get3A_633 = tpu.vector_load %arg14[%get3A_631, %get3A_632] {strides = array<i32>} : memref<80x64xf32, #tpu.memory_space<vmem>>, vector<16xf32>,
          %mul3A_634 = vector.broadcast %squeeze3A_602 : f32 to vector<16xf32>
          %mul3A_635 = arith.mulf %get3A_633, %mul3A_634 : vector<16xf32>
          %swap3A_636 = arith.index_cast %add3A_606 : i32 to index
          %swap3A_637 = arith.constant 48 : index
          %swap3A_638 = tpu.vector_load %arg14[%swap3A_636, %swap3A_637] {strides = array<i32>} : memref<80x64xf32, #tpu.memory_space<vmem>>, vector<16xf32>,
          tpu.vector_store %arg14[%swap3A_636, %swap3A_637], %mul3A_635 {strides = array<i32>} : memref<80x64xf32, #tpu.memory_space<vmem>>, vector<16xf32>,
          %slice3A_639 = vector.extract_strided_slice %get3A_184 {offsets = [12], sizes = [1], strides = [1]} : vector<16xf32> to vector<1xf32>
          %squeeze3A_640 = vector.extract %slice3A_639[0] : f32 from vector<1xf32>
          %mul3A_641 = arith.constant 16 : i32
          %mul3A_642 = arith.muli %add3A_179, %mul3A_641 : i32
          %add3A_643 = arith.constant 12 : i32
          %add3A_644 = arith.addi %mul3A_642, %add3A_643 : i32
          %get3A_645 = arith.index_cast %add3A_644 : i32 to index
          %get3A_646 = arith.constant 0 : index
          %get3A_647 = tpu.vector_load %arg14[%get3A_645, %get3A_646] {strides = array<i32>} : memref<80x64xf32, #tpu.memory_space<vmem>>, vector<16xf32>,
          %mul3A_648 = vector.broadcast %squeeze3A_640 : f32 to vector<16xf32>
          %mul3A_649 = arith.mulf %get3A_647, %mul3A_648 : vector<16xf32>
          %swap3A_650 = arith.index_cast %add3A_644 : i32 to index
          %swap3A_651 = arith.constant 0 : index
          %swap3A_652 = tpu.vector_load %arg14[%swap3A_650, %swap3A_651] {strides = array<i32>} : memref<80x64xf32, #tpu.memory_space<vmem>>, vector<16xf32>,
          tpu.vector_store %arg14[%swap3A_650, %swap3A_651], %mul3A_649 {strides = array<i32>} : memref<80x64xf32, #tpu.memory_space<vmem>>, vector<16xf32>,
          %get3A_653 = arith.index_cast %add3A_644 : i32 to index
          %get3A_654 = arith.constant 16 : index
          %get3A_655 = tpu.vector_load %arg14[%get3A_653, %get3A_654] {strides = array<i32>} : memref<80x64xf32, #tpu.memory_space<vmem>>, vector<16xf32>,
          %mul3A_656 = vector.broadcast %squeeze3A_640 : f32 to vector<16xf32>
          %mul3A_657 = arith.mulf %get3A_655, %mul3A_656 : vector<16xf32>
          %swap3A_658 = arith.index_cast %add3A_644 : i32 to index
          %swap3A_659 = arith.constant 16 : index
          %swap3A_660 = tpu.vector_load %arg14[%swap3A_658, %swap3A_659] {strides = array<i32>} : memref<80x64xf32, #tpu.memory_space<vmem>>, vector<16xf32>,
          tpu.vector_store %arg14[%swap3A_658, %swap3A_659], %mul3A_657 {strides = array<i32>} : memref<80x64xf32, #tpu.memory_space<vmem>>, vector<16xf32>,
          %get3A_661 = arith.index_cast %add3A_644 : i32 to index
          %get3A_662 = arith.constant 32 : index
          %get3A_663 = tpu.vector_load %arg14[%get3A_661, %get3A_662] {strides = array<i32>} : memref<80x64xf32, #tpu.memory_space<vmem>>, vector<16xf32>,
          %mul3A_664 = vector.broadcast %squeeze3A_640 : f32 to vector<16xf32>
          %mul3A_665 = arith.mulf %get3A_663, %mul3A_664 : vector<16xf32>
          %swap3A_666 = arith.index_cast %add3A_644 : i32 to index
          %swap3A_667 = arith.constant 32 : index
          %swap3A_668 = tpu.vector_load %arg14[%swap3A_666, %swap3A_667] {strides = array<i32>} : memref<80x64xf32, #tpu.memory_space<vmem>>, vector<16xf32>,
          tpu.vector_store %arg14[%swap3A_666, %swap3A_667], %mul3A_665 {strides = array<i32>} : memref<80x64xf32, #tpu.memory_space<vmem>>, vector<16xf32>,
          %get3A_669 = arith.index_cast %add3A_644 : i32 to index
          %get3A_670 = arith.constant 48 : index
          %get3A_671 = tpu.vector_load %arg14[%get3A_669, %get3A_670] {strides = array<i32>} : memref<80x64xf32, #tpu.memory_space<vmem>>, vector<16xf32>,
          %mul3A_672 = vector.broadcast %squeeze3A_640 : f32 to vector<16xf32>
          %mul3A_673 = arith.mulf %get3A_671, %mul3A_672 : vector<16xf32>
          %swap3A_674 = arith.index_cast %add3A_644 : i32 to index
          %swap3A_675 = arith.constant 48 : index
          %swap3A_676 = tpu.vector_load %arg14[%swap3A_674, %swap3A_675] {strides = array<i32>} : memref<80x64xf32, #tpu.memory_space<vmem>>, vector<16xf32>,
          tpu.vector_store %arg14[%swap3A_674, %swap3A_675], %mul3A_673 {strides = array<i32>} : memref<80x64xf32, #tpu.memory_space<vmem>>, vector<16xf32>,
          %slice3A_677 = vector.extract_strided_slice %get3A_184 {offsets = [13], sizes = [1], strides = [1]} : vector<16xf32> to vector<1xf32>
          %squeeze3A_678 = vector.extract %slice3A_677[0] : f32 from vector<1xf32>
          %mul3A_679 = arith.constant 16 : i32
          %mul3A_680 = arith.muli %add3A_179, %mul3A_679 : i32
          %add3A_681 = arith.constant 13 : i32
          %add3A_682 = arith.addi %mul3A_680, %add3A_681 : i32
          %get3A_683 = arith.index_cast %add3A_682 : i32 to index
          %get3A_684 = arith.constant 0 : index
          %get3A_685 = tpu.vector_load %arg14[%get3A_683, %get3A_684] {strides = array<i32>} : memref<80x64xf32, #tpu.memory_space<vmem>>, vector<16xf32>,
          %mul3A_686 = vector.broadcast %squeeze3A_678 : f32 to vector<16xf32>
          %mul3A_687 = arith.mulf %get3A_685, %mul3A_686 : vector<16xf32>
          %swap3A_688 = arith.index_cast %add3A_682 : i32 to index
          %swap3A_689 = arith.constant 0 : index
          %swap3A_690 = tpu.vector_load %arg14[%swap3A_688, %swap3A_689] {strides = array<i32>} : memref<80x64xf32, #tpu.memory_space<vmem>>, vector<16xf32>,
          tpu.vector_store %arg14[%swap3A_688, %swap3A_689], %mul3A_687 {strides = array<i32>} : memref<80x64xf32, #tpu.memory_space<vmem>>, vector<16xf32>,
          %get3A_691 = arith.index_cast %add3A_682 : i32 to index
          %get3A_692 = arith.constant 16 : index
          %get3A_693 = tpu.vector_load %arg14[%get3A_691, %get3A_692] {strides = array<i32>} : memref<80x64xf32, #tpu.memory_space<vmem>>, vector<16xf32>,
          %mul3A_694 = vector.broadcast %squeeze3A_678 : f32 to vector<16xf32>
          %mul3A_695 = arith.mulf %get3A_693, %mul3A_694 : vector<16xf32>
          %swap3A_696 = arith.index_cast %add3A_682 : i32 to index
          %swap3A_697 = arith.constant 16 : index
          %swap3A_698 = tpu.vector_load %arg14[%swap3A_696, %swap3A_697] {strides = array<i32>} : memref<80x64xf32, #tpu.memory_space<vmem>>, vector<16xf32>,
          tpu.vector_store %arg14[%swap3A_696, %swap3A_697], %mul3A_695 {strides = array<i32>} : memref<80x64xf32, #tpu.memory_space<vmem>>, vector<16xf32>,
          %get3A_699 = arith.index_cast %add3A_682 : i32 to index
          %get3A_700 = arith.constant 32 : index
          %get3A_701 = tpu.vector_load %arg14[%get3A_699, %get3A_700] {strides = array<i32>} : memref<80x64xf32, #tpu.memory_space<vmem>>, vector<16xf32>,
          %mul3A_702 = vector.broadcast %squeeze3A_678 : f32 to vector<16xf32>
          %mul3A_703 = arith.mulf %get3A_701, %mul3A_702 : vector<16xf32>
          %swap3A_704 = arith.index_cast %add3A_682 : i32 to index
          %swap3A_705 = arith.constant 32 : index
          %swap3A_706 = tpu.vector_load %arg14[%swap3A_704, %swap3A_705] {strides = array<i32>} : memref<80x64xf32, #tpu.memory_space<vmem>>, vector<16xf32>,
          tpu.vector_store %arg14[%swap3A_704, %swap3A_705], %mul3A_703 {strides = array<i32>} : memref<80x64xf32, #tpu.memory_space<vmem>>, vector<16xf32>,
          %get3A_707 = arith.index_cast %add3A_682 : i32 to index
          %get3A_708 = arith.constant 48 : index
          %get3A_709 = tpu.vector_load %arg14[%get3A_707, %get3A_708] {strides = array<i32>} : memref<80x64xf32, #tpu.memory_space<vmem>>, vector<16xf32>,
          %mul3A_710 = vector.broadcast %squeeze3A_678 : f32 to vector<16xf32>
          %mul3A_711 = arith.mulf %get3A_709, %mul3A_710 : vector<16xf32>
          %swap3A_712 = arith.index_cast %add3A_682 : i32 to index
          %swap3A_713 = arith.constant 48 : index
          %swap3A_714 = tpu.vector_load %arg14[%swap3A_712, %swap3A_713] {strides = array<i32>} : memref<80x64xf32, #tpu.memory_space<vmem>>, vector<16xf32>,
          tpu.vector_store %arg14[%swap3A_712, %swap3A_713], %mul3A_711 {strides = array<i32>} : memref<80x64xf32, #tpu.memory_space<vmem>>, vector<16xf32>,
          %slice3A_715 = vector.extract_strided_slice %get3A_184 {offsets = [14], sizes = [1], strides = [1]} : vector<16xf32> to vector<1xf32>
          %squeeze3A_716 = vector.extract %slice3A_715[0] : f32 from vector<1xf32>
          %mul3A_717 = arith.constant 16 : i32
          %mul3A_718 = arith.muli %add3A_179, %mul3A_717 : i32
          %add3A_719 = arith.constant 14 : i32
          %add3A_720 = arith.addi %mul3A_718, %add3A_719 : i32
          %get3A_721 = arith.index_cast %add3A_720 : i32 to index
          %get3A_722 = arith.constant 0 : index
          %get3A_723 = tpu.vector_load %arg14[%get3A_721, %get3A_722] {strides = array<i32>} : memref<80x64xf32, #tpu.memory_space<vmem>>, vector<16xf32>,
          %mul3A_724 = vector.broadcast %squeeze3A_716 : f32 to vector<16xf32>
          %mul3A_725 = arith.mulf %get3A_723, %mul3A_724 : vector<16xf32>
          %swap3A_726 = arith.index_cast %add3A_720 : i32 to index
          %swap3A_727 = arith.constant 0 : index
          %swap3A_728 = tpu.vector_load %arg14[%swap3A_726, %swap3A_727] {strides = array<i32>} : memref<80x64xf32, #tpu.memory_space<vmem>>, vector<16xf32>,
          tpu.vector_store %arg14[%swap3A_726, %swap3A_727], %mul3A_725 {strides = array<i32>} : memref<80x64xf32, #tpu.memory_space<vmem>>, vector<16xf32>,
          %get3A_729 = arith.index_cast %add3A_720 : i32 to index
          %get3A_730 = arith.constant 16 : index
          %get3A_731 = tpu.vector_load %arg14[%get3A_729, %get3A_730] {strides = array<i32>} : memref<80x64xf32, #tpu.memory_space<vmem>>, vector<16xf32>,
          %mul3A_732 = vector.broadcast %squeeze3A_716 : f32 to vector<16xf32>
          %mul3A_733 = arith.mulf %get3A_731, %mul3A_732 : vector<16xf32>
          %swap3A_734 = arith.index_cast %add3A_720 : i32 to index
          %swap3A_735 = arith.constant 16 : index
          %swap3A_736 = tpu.vector_load %arg14[%swap3A_734, %swap3A_735] {strides = array<i32>} : memref<80x64xf32, #tpu.memory_space<vmem>>, vector<16xf32>,
          tpu.vector_store %arg14[%swap3A_734, %swap3A_735], %mul3A_733 {strides = array<i32>} : memref<80x64xf32, #tpu.memory_space<vmem>>, vector<16xf32>,
          %get3A_737 = arith.index_cast %add3A_720 : i32 to index
          %get3A_738 = arith.constant 32 : index
          %get3A_739 = tpu.vector_load %arg14[%get3A_737, %get3A_738] {strides = array<i32>} : memref<80x64xf32, #tpu.memory_space<vmem>>, vector<16xf32>,
          %mul3A_740 = vector.broadcast %squeeze3A_716 : f32 to vector<16xf32>
          %mul3A_741 = arith.mulf %get3A_739, %mul3A_740 : vector<16xf32>
          %swap3A_742 = arith.index_cast %add3A_720 : i32 to index
          %swap3A_743 = arith.constant 32 : index
          %swap3A_744 = tpu.vector_load %arg14[%swap3A_742, %swap3A_743] {strides = array<i32>} : memref<80x64xf32, #tpu.memory_space<vmem>>, vector<16xf32>,
          tpu.vector_store %arg14[%swap3A_742, %swap3A_743], %mul3A_741 {strides = array<i32>} : memref<80x64xf32, #tpu.memory_space<vmem>>, vector<16xf32>,
          %get3A_745 = arith.index_cast %add3A_720 : i32 to index
          %get3A_746 = arith.constant 48 : index
          %get3A_747 = tpu.vector_load %arg14[%get3A_745, %get3A_746] {strides = array<i32>} : memref<80x64xf32, #tpu.memory_space<vmem>>, vector<16xf32>,
          %mul3A_748 = vector.broadcast %squeeze3A_716 : f32 to vector<16xf32>
          %mul3A_749 = arith.mulf %get3A_747, %mul3A_748 : vector<16xf32>
          %swap3A_750 = arith.index_cast %add3A_720 : i32 to index
          %swap3A_751 = arith.constant 48 : index
          %swap3A_752 = tpu.vector_load %arg14[%swap3A_750, %swap3A_751] {strides = array<i32>} : memref<80x64xf32, #tpu.memory_space<vmem>>, vector<16xf32>,
          tpu.vector_store %arg14[%swap3A_750, %swap3A_751], %mul3A_749 {strides = array<i32>} : memref<80x64xf32, #tpu.memory_space<vmem>>, vector<16xf32>,
          %slice3A_753 = vector.extract_strided_slice %get3A_184 {offsets = [15], sizes = [1], strides = [1]} : vector<16xf32> to vector<1xf32>
          %squeeze3A_754 = vector.extract %slice3A_753[0] : f32 from vector<1xf32>
          %mul3A_755 = arith.constant 16 : i32
          %mul3A_756 = arith.muli %add3A_179, %mul3A_755 : i32
          %add3A_757 = arith.constant 15 : i32
          %add3A_758 = arith.addi %mul3A_756, %add3A_757 : i32
          %get3A_759 = arith.index_cast %add3A_758 : i32 to index
          %get3A_760 = arith.constant 0 : index
          %get3A_761 = tpu.vector_load %arg14[%get3A_759, %get3A_760] {strides = array<i32>} : memref<80x64xf32, #tpu.memory_space<vmem>>, vector<16xf32>,
          %mul3A_762 = vector.broadcast %squeeze3A_754 : f32 to vector<16xf32>
          %mul3A_763 = arith.mulf %get3A_761, %mul3A_762 : vector<16xf32>
          %swap3A_764 = arith.index_cast %add3A_758 : i32 to index
          %swap3A_765 = arith.constant 0 : index
          %swap3A_766 = tpu.vector_load %arg14[%swap3A_764, %swap3A_765] {strides = array<i32>} : memref<80x64xf32, #tpu.memory_space<vmem>>, vector<16xf32>,
          tpu.vector_store %arg14[%swap3A_764, %swap3A_765], %mul3A_763 {strides = array<i32>} : memref<80x64xf32, #tpu.memory_space<vmem>>, vector<16xf32>,
          %get3A_767 = arith.index_cast %add3A_758 : i32 to index
          %get3A_768 = arith.constant 16 : index
          %get3A_769 = tpu.vector_load %arg14[%get3A_767, %get3A_768] {strides = array<i32>} : memref<80x64xf32, #tpu.memory_space<vmem>>, vector<16xf32>,
          %mul3A_770 = vector.broadcast %squeeze3A_754 : f32 to vector<16xf32>
          %mul3A_771 = arith.mulf %get3A_769, %mul3A_770 : vector<16xf32>
          %swap3A_772 = arith.index_cast %add3A_758 : i32 to index
          %swap3A_773 = arith.constant 16 : index
          %swap3A_774 = tpu.vector_load %arg14[%swap3A_772, %swap3A_773] {strides = array<i32>} : memref<80x64xf32, #tpu.memory_space<vmem>>, vector<16xf32>,
          tpu.vector_store %arg14[%swap3A_772, %swap3A_773], %mul3A_771 {strides = array<i32>} : memref<80x64xf32, #tpu.memory_space<vmem>>, vector<16xf32>,
          %get3A_775 = arith.index_cast %add3A_758 : i32 to index
          %get3A_776 = arith.constant 32 : index
          %get3A_777 = tpu.vector_load %arg14[%get3A_775, %get3A_776] {strides = array<i32>} : memref<80x64xf32, #tpu.memory_space<vmem>>, vector<16xf32>,
          %mul3A_778 = vector.broadcast %squeeze3A_754 : f32 to vector<16xf32>
          %mul3A_779 = arith.mulf %get3A_777, %mul3A_778 : vector<16xf32>
          %swap3A_780 = arith.index_cast %add3A_758 : i32 to index
          %swap3A_781 = arith.constant 32 : index
          %swap3A_782 = tpu.vector_load %arg14[%swap3A_780, %swap3A_781] {strides = array<i32>} : memref<80x64xf32, #tpu.memory_space<vmem>>, vector<16xf32>,
          tpu.vector_store %arg14[%swap3A_780, %swap3A_781], %mul3A_779 {strides = array<i32>} : memref<80x64xf32, #tpu.memory_space<vmem>>, vector<16xf32>,
          %get3A_783 = arith.index_cast %add3A_758 : i32 to index
          %get3A_784 = arith.constant 48 : index
          %get3A_785 = tpu.vector_load %arg14[%get3A_783, %get3A_784] {strides = array<i32>} : memref<80x64xf32, #tpu.memory_space<vmem>>, vector<16xf32>,
          %mul3A_786 = vector.broadcast %squeeze3A_754 : f32 to vector<16xf32>
          %mul3A_787 = arith.mulf %get3A_785, %mul3A_786 : vector<16xf32>
          %swap3A_788 = arith.index_cast %add3A_758 : i32 to index
          %swap3A_789 = arith.constant 48 : index
          %swap3A_790 = tpu.vector_load %arg14[%swap3A_788, %swap3A_789] {strides = array<i32>} : memref<80x64xf32, #tpu.memory_space<vmem>>, vector<16xf32>,
          tpu.vector_store %arg14[%swap3A_788, %swap3A_789], %mul3A_787 {strides = array<i32>} : memref<80x64xf32, #tpu.memory_space<vmem>>, vector<16xf32>,
        }
        %scan3A_165 = arith.constant 5 : i32
        %convert_element_type3A_166 = arith.extui %eq3A_0 : i1 to i32
        %cond3A_167 = arith.constant 0 : i32
        %cond3A_168 = arith.cmpi ne, %convert_element_type3A_166, %cond3A_167 : i32
        scf.if %cond3A_168 {
          %add3A_175 = arith.constant 0 : i32
          %add3A_176 = arith.addi %mul3A_160, %add3A_175 : i32
          %get3A_177 = arith.index_cast %add3A_176 : i32 to index
          %get3A_178 = tpu.vector_load %arg10[%get3A_177] {strides = array<i32>} : memref<4000xi32, #tpu.memory_space<vmem>>, vector<16xi32>,
          %get3A_179 = arith.index_cast %add3A_176 : i32 to index
          %get3A_180 = tpu.vector_load %arg11[%get3A_179] {strides = array<i32>} : memref<4000xi32, #tpu.memory_space<vmem>>, vector<16xi32>,
          %get3A_181 = arith.index_cast %add3A_176 : i32 to index
          %get3A_182 = tpu.vector_load %arg12[%get3A_181] {strides = array<i32>} : memref<4000xf32, #tpu.memory_space<vmem>>, vector<16xf32>,
          tpu.vector_store_idx %arg16[%get3A_178], %broadcast_in_dim3A_3 {add = true} : memref<50000xf32, #tpu.memory_space<vmem>>[vector<16xi32>], vector<16xf32>,
          %add3A_183 = arith.constant 1 : i32
          %add3A_184 = vector.broadcast %add3A_183 : i32 to vector<16xi32>
          %add3A_185 = arith.addi %get3A_180, %add3A_184 : vector<16xi32>
          %mul3A_186 = arith.constant 10000 : i32
          %mul3A_187 = vector.broadcast %mul3A_186 : i32 to vector<16xi32>
          %mul3A_188 = arith.muli %add3A_185, %mul3A_187 : vector<16xi32>
          %add3A_189 = arith.addi %mul3A_188, %get3A_178 : vector<16xi32>
          tpu.vector_store_idx %arg16[%add3A_189], %get3A_182 {add = true} : memref<50000xf32, #tpu.memory_space<vmem>>[vector<16xi32>], vector<16xf32>,
          %add3A_190 = arith.constant 16 : i32
          %add3A_191 = arith.addi %mul3A_160, %add3A_190 : i32
          %get3A_192 = arith.index_cast %add3A_191 : i32 to index
          %get3A_193 = tpu.vector_load %arg10[%get3A_192] {strides = array<i32>} : memref<4000xi32, #tpu.memory_space<vmem>>, vector<16xi32>,
          %get3A_194 = arith.index_cast %add3A_191 : i32 to index
          %get3A_195 = tpu.vector_load %arg11[%get3A_194] {strides = array<i32>} : memref<4000xi32, #tpu.memory_space<vmem>>, vector<16xi32>,
          %get3A_196 = arith.index_cast %add3A_191 : i32 to index
          %get3A_197 = tpu.vector_load %arg12[%get3A_196] {strides = array<i32>} : memref<4000xf32, #tpu.memory_space<vmem>>, vector<16xf32>,
          tpu.vector_store_idx %arg16[%get3A_193], %broadcast_in_dim3A_3 {add = true} : memref<50000xf32, #tpu.memory_space<vmem>>[vector<16xi32>], vector<16xf32>,
          %add3A_198 = arith.constant 1 : i32
          %add3A_199 = vector.broadcast %add3A_198 : i32 to vector<16xi32>
          %add3A_200 = arith.addi %get3A_195, %add3A_199 : vector<16xi32>
          %mul3A_201 = arith.constant 10000 : i32
          %mul3A_202 = vector.broadcast %mul3A_201 : i32 to vector<16xi32>
          %mul3A_203 = arith.muli %add3A_200, %mul3A_202 : vector<16xi32>
          %add3A_204 = arith.addi %mul3A_203, %get3A_193 : vector<16xi32>
          tpu.vector_store_idx %arg16[%add3A_204], %get3A_197 {add = true} : memref<50000xf32, #tpu.memory_space<vmem>>[vector<16xi32>], vector<16xf32>,
          %add3A_205 = arith.constant 32 : i32
          %add3A_206 = arith.addi %mul3A_160, %add3A_205 : i32
          %get3A_207 = arith.index_cast %add3A_206 : i32 to index
          %get3A_208 = tpu.vector_load %arg10[%get3A_207] {strides = array<i32>} : memref<4000xi32, #tpu.memory_space<vmem>>, vector<16xi32>,
          %get3A_209 = arith.index_cast %add3A_206 : i32 to index
          %get3A_210 = tpu.vector_load %arg11[%get3A_209] {strides = array<i32>} : memref<4000xi32, #tpu.memory_space<vmem>>, vector<16xi32>,
          %get3A_211 = arith.index_cast %add3A_206 : i32 to index
          %get3A_212 = tpu.vector_load %arg12[%get3A_211] {strides = array<i32>} : memref<4000xf32, #tpu.memory_space<vmem>>, vector<16xf32>,
          tpu.vector_store_idx %arg16[%get3A_208], %broadcast_in_dim3A_3 {add = true} : memref<50000xf32, #tpu.memory_space<vmem>>[vector<16xi32>], vector<16xf32>,
          %add3A_213 = arith.constant 1 : i32
          %add3A_214 = vector.broadcast %add3A_213 : i32 to vector<16xi32>
          %add3A_215 = arith.addi %get3A_210, %add3A_214 : vector<16xi32>
          %mul3A_216 = arith.constant 10000 : i32
          %mul3A_217 = vector.broadcast %mul3A_216 : i32 to vector<16xi32>
          %mul3A_218 = arith.muli %add3A_215, %mul3A_217 : vector<16xi32>
          %add3A_219 = arith.addi %mul3A_218, %get3A_208 : vector<16xi32>
          tpu.vector_store_idx %arg16[%add3A_219], %get3A_212 {add = true} : memref<50000xf32, #tpu.memory_space<vmem>>[vector<16xi32>], vector<16xf32>,
          %add3A_220 = arith.constant 48 : i32
          %add3A_221 = arith.addi %mul3A_160, %add3A_220 : i32
          %get3A_222 = arith.index_cast %add3A_221 : i32 to index
          %get3A_223 = tpu.vector_load %arg10[%get3A_222] {strides = array<i32>} : memref<4000xi32, #tpu.memory_space<vmem>>, vector<16xi32>,
          %get3A_224 = arith.index_cast %add3A_221 : i32 to index
          %get3A_225 = tpu.vector_load %arg11[%get3A_224] {strides = array<i32>} : memref<4000xi32, #tpu.memory_space<vmem>>, vector<16xi32>,
          %get3A_226 = arith.index_cast %add3A_221 : i32 to index
          %get3A_227 = tpu.vector_load %arg12[%get3A_226] {strides = array<i32>} : memref<4000xf32, #tpu.memory_space<vmem>>, vector<16xf32>,
          tpu.vector_store_idx %arg16[%get3A_223], %broadcast_in_dim3A_3 {add = true} : memref<50000xf32, #tpu.memory_space<vmem>>[vector<16xi32>], vector<16xf32>,
          %add3A_228 = arith.constant 1 : i32
          %add3A_229 = vector.broadcast %add3A_228 : i32 to vector<16xi32>
          %add3A_230 = arith.addi %get3A_225, %add3A_229 : vector<16xi32>
          %mul3A_231 = arith.constant 10000 : i32
          %mul3A_232 = vector.broadcast %mul3A_231 : i32 to vector<16xi32>
          %mul3A_233 = arith.muli %add3A_230, %mul3A_232 : vector<16xi32>
          %add3A_234 = arith.addi %mul3A_233, %get3A_223 : vector<16xi32>
          tpu.vector_store_idx %arg16[%add3A_234], %get3A_227 {add = true} : memref<50000xf32, #tpu.memory_space<vmem>>[vector<16xi32>], vector<16xf32>,
          %add3A_235 = arith.constant 64 : i32
          %add3A_236 = arith.addi %mul3A_160, %add3A_235 : i32
          %get3A_237 = arith.index_cast %add3A_236 : i32 to index
          %get3A_238 = tpu.vector_load %arg10[%get3A_237] {strides = array<i32>} : memref<4000xi32, #tpu.memory_space<vmem>>, vector<16xi32>,
          %get3A_239 = arith.index_cast %add3A_236 : i32 to index
          %get3A_240 = tpu.vector_load %arg11[%get3A_239] {strides = array<i32>} : memref<4000xi32, #tpu.memory_space<vmem>>, vector<16xi32>,
          %get3A_241 = arith.index_cast %add3A_236 : i32 to index
          %get3A_242 = tpu.vector_load %arg12[%get3A_241] {strides = array<i32>} : memref<4000xf32, #tpu.memory_space<vmem>>, vector<16xf32>,
          tpu.vector_store_idx %arg16[%get3A_238], %broadcast_in_dim3A_3 {add = true} : memref<50000xf32, #tpu.memory_space<vmem>>[vector<16xi32>], vector<16xf32>,
          %add3A_243 = arith.constant 1 : i32
          %add3A_244 = vector.broadcast %add3A_243 : i32 to vector<16xi32>
          %add3A_245 = arith.addi %get3A_240, %add3A_244 : vector<16xi32>
          %mul3A_246 = arith.constant 10000 : i32
          %mul3A_247 = vector.broadcast %mul3A_246 : i32 to vector<16xi32>
          %mul3A_248 = arith.muli %add3A_245, %mul3A_247 : vector<16xi32>
          %add3A_249 = arith.addi %mul3A_248, %get3A_238 : vector<16xi32>
          tpu.vector_store_idx %arg16[%add3A_249], %get3A_242 {add = true} : memref<50000xf32, #tpu.memory_space<vmem>>[vector<16xi32>], vector<16xf32>,
        } else {
        }
        %mul3A_169 = arith.constant 80 : i32
        %mul3A_170 = arith.muli %add3A_143, %mul3A_169 : i32
        %dma_start3A_171 = tpu.memref_slice %arg10[%mul3A_170] : memref<4000xi32, #tpu.memory_space<vmem>> -> memref<80xi32, #tpu.memory_space<vmem>>
        %dma_start3A_172 = arith.constant 0 : i32
        %dma_start3A_173 = arith.constant 0 : i32
        %dma_start3A_174 = tpu.memref_slice %arg17[%dma_start3A_172, %dma_start3A_173] : memref<10000x64xf32, #tpu.memory_space<vmem_shared>> -> memref<10000x64xf32, #tpu.memory_space<vmem_shared>>
        tpu.enqueue_indirect_dma source(%arg14 : memref<80x64xf32, #tpu.memory_space<vmem>>) target(%dma_start3A_174 : memref<10000x64xf32, #tpu.memory_space<vmem_shared>>) offsets(%dma_start3A_171 : memref<80xi32, #tpu.memory_space<vmem>>) semaphore(%arg21 : memref<!tpu.dma_semaphore, #tpu.memory_space<semaphore_mem>>) {add = true}
      }
      %scan3A_92 = arith.constant 25 : i32
      %dma_wait3A_93 = arith.constant 0 : i32
      %dma_wait3A_94 = tpu.memref_slice %arg10[%dma_wait3A_93] : memref<4000xi32, #tpu.memory_space<vmem>> -> memref<80xi32, #tpu.memory_space<vmem>>
      %dma_wait3A_95 = arith.constant 0 : i32
      %dma_wait3A_96 = arith.constant 0 : i32
      %dma_wait3A_97 = tpu.memref_slice %arg17[%dma_wait3A_95, %dma_wait3A_96] : memref<10000x64xf32, #tpu.memory_space<vmem_shared>> -> memref<10000x64xf32, #tpu.memory_space<vmem_shared>>
      tpu.wait_indirect_dma semaphore(%arg21 : memref<!tpu.dma_semaphore, #tpu.memory_space<semaphore_mem>>) src(%arg14 : memref<80x64xf32, #tpu.memory_space<vmem>>) dst(%dma_wait3A_97 : memref<10000x64xf32, #tpu.memory_space<vmem_shared>>)
    }
    %scan3A_15 = arith.constant 5 : i32
    %barrier3A_16 = arith.constant 0 : index
    tpu.barrier barrier_id(%barrier3A_16)
    %convert_element_type3A_17 = arith.extui %eq3A_0 : i1 to i32
    %cond3A_18 = arith.constant 0 : i32
    %cond3A_19 = arith.cmpi ne, %convert_element_type3A_17, %cond3A_18 : i32
    scf.if %cond3A_19 {
      "tpu.region"() ({
        %run_scoped3A = tpu.sem_alloc : memref<!tpu.dma_semaphore, #tpu.memory_space<semaphore_mem>>
        %dma_start3A = arith.constant 0 : i32
        %dma_start3A_25 = tpu.memref_slice %arg8[%arg1, %dma_start3A] : memref<16x50000xf32, #tpu.memory_space<hbm>> -> memref<1x50000xf32, #tpu.memory_space<hbm>>
        %dma_start3A_26 = tpu.memref_squeeze %dma_start3A_25 : memref<1x50000xf32, #tpu.memory_space<hbm>> -> memref<50000xf32, #tpu.memory_space<hbm>>
        %dma_start3A_27 = arith.constant 0 : i32
        %dma_start3A_28 = tpu.memref_slice %arg8[%arg1, %dma_start3A_27] : memref<16x50000xf32, #tpu.memory_space<hbm>> -> memref<1x50000xf32, #tpu.memory_space<hbm>>
        %dma_start3A_29 = tpu.memref_squeeze %dma_start3A_28 : memref<1x50000xf32, #tpu.memory_space<hbm>> -> memref<50000xf32, #tpu.memory_space<hbm>>
        tpu.enqueue_dma source(%arg16 : memref<50000xf32, #tpu.memory_space<vmem>>) target(%dma_start3A_29 : memref<50000xf32, #tpu.memory_space<hbm>>) target_semaphore(%run_scoped3A : memref<!tpu.dma_semaphore, #tpu.memory_space<semaphore_mem>>)
        %dma_wait3A = arith.constant 0 : i32
        %dma_wait3A_30 = tpu.memref_slice %arg8[%arg1, %dma_wait3A] : memref<16x50000xf32, #tpu.memory_space<hbm>> -> memref<1x50000xf32, #tpu.memory_space<hbm>>
        %dma_wait3A_31 = tpu.memref_squeeze %dma_wait3A_30 : memref<1x50000xf32, #tpu.memory_space<hbm>> -> memref<50000xf32, #tpu.memory_space<hbm>>
        %dma_wait3A_32 = arith.constant 0 : i32
        %dma_wait3A_33 = tpu.memref_slice %arg8[%arg1, %dma_wait3A_32] : memref<16x50000xf32, #tpu.memory_space<hbm>> -> memref<1x50000xf32, #tpu.memory_space<hbm>>
        %dma_wait3A_34 = tpu.memref_squeeze %dma_wait3A_33 : memref<1x50000xf32, #tpu.memory_space<hbm>> -> memref<50000xf32, #tpu.memory_space<hbm>>
        tpu.wait_dma2 semaphore(%run_scoped3A : memref<!tpu.dma_semaphore, #tpu.memory_space<semaphore_mem>>) src(%arg16 : memref<50000xf32, #tpu.memory_space<vmem>>) dst(%dma_wait3A_34 : memref<50000xf32, #tpu.memory_space<hbm>>)
        tpu.yield
      }) : () -> ()
    } else {
    }
    %lt3A_20 = arith.constant 10 : i32
    %lt3A_21 = arith.cmpi slt, %arg1, %lt3A_20 : i32
    %convert_element_type3A_22 = arith.extui %lt3A_21 : i1 to i32
    %cond3A_23 = arith.constant 0 : i32
    %cond3A_24 = arith.cmpi ne, %convert_element_type3A_22, %cond3A_23 : i32
    scf.if %cond3A_24 {
      "tpu.region"() ({
        %run_scoped3A = tpu.sem_alloc : memref<!tpu.dma_semaphore, #tpu.memory_space<semaphore_mem>>
        %dma_start3A = arith.constant 0 : i32
        %dma_start3A_25 = tpu.memref_slice %arg7[%arg0, %mul3A_4, %dma_start3A] : memref<2x10000x64xf32, #tpu.memory_space<hbm>> -> memref<1x1000x64xf32, #tpu.memory_space<hbm>>
        %dma_start3A_26 = tpu.memref_squeeze %dma_start3A_25 : memref<1x1000x64xf32, #tpu.memory_space<hbm>> -> memref<1000x64xf32, #tpu.memory_space<hbm>>
        %dma_start3A_27 = arith.constant 0 : i32
        %dma_start3A_28 = tpu.memref_slice %arg17[%mul3A_4, %dma_start3A_27] : memref<10000x64xf32, #tpu.memory_space<vmem_shared>> -> memref<1000x64xf32, #tpu.memory_space<vmem_shared>>
        tpu.enqueue_dma source(%dma_start3A_28 : memref<1000x64xf32, #tpu.memory_space<vmem_shared>>) target(%dma_start3A_26 : memref<1000x64xf32, #tpu.memory_space<hbm>>) target_semaphore(%run_scoped3A : memref<!tpu.dma_semaphore, #tpu.memory_space<semaphore_mem>>)
        %dma_wait3A = arith.constant 0 : i32
        %dma_wait3A_29 = tpu.memref_slice %arg7[%arg0, %mul3A_4, %dma_wait3A] : memref<2x10000x64xf32, #tpu.memory_space<hbm>> -> memref<1x1000x64xf32, #tpu.memory_space<hbm>>
        %dma_wait3A_30 = tpu.memref_squeeze %dma_wait3A_29 : memref<1x1000x64xf32, #tpu.memory_space<hbm>> -> memref<1000x64xf32, #tpu.memory_space<hbm>>
        %dma_wait3A_31 = arith.constant 0 : i32
        %dma_wait3A_32 = tpu.memref_slice %arg17[%mul3A_4, %dma_wait3A_31] : memref<10000x64xf32, #tpu.memory_space<vmem_shared>> -> memref<1000x64xf32, #tpu.memory_space<vmem_shared>>
        tpu.wait_dma2 semaphore(%run_scoped3A : memref<!tpu.dma_semaphore, #tpu.memory_space<semaphore_mem>>) src(%dma_wait3A_32 : memref<1000x64xf32, #tpu.memory_space<vmem_shared>>) dst(%dma_wait3A_30 : memref<1000x64xf32, #tpu.memory_space<hbm>>)
        tpu.yield
      }) : () -> ()
    } else {
    }
    return
  }
}

module attributes {stable_mosaic.version = 14 : i64} {
  func.func @body(%arg0: memref<10000x128xf32, #tpu.memory_space<vmem>>, %arg1: memref<128x128xf32, #tpu.memory_space<vmem>>, %arg2: memref<1x128xf32, #tpu.memory_space<vmem>>, %arg3: memref<128x128xf32, #tpu.memory_space<vmem>>, %arg4: memref<1x128xf32, #tpu.memory_space<vmem>>, %arg5: memref<10000x128xf32, #tpu.memory_space<vmem>>, %arg6: memref<10000x128xf32, #tpu.memory_space<vmem>>) attributes {dimension_semantics = [], scalar_prefetch = 0 : i64, scratch_operands = 0 : i64, tpu.core_type = #tpu.core_type<tc>} {
    %get3A = arith.constant 0 : index
    %get3A_0 = arith.constant 0 : index
    %get3A_1 = vector.load %arg0[%get3A, %get3A_0] : memref<10000x128xf32, #tpu.memory_space<vmem>>, vector<10000x128xf32>
    %get3A_2 = arith.constant 0 : index
    %get3A_3 = arith.constant 0 : index
    %get3A_4 = vector.load %arg1[%get3A_2, %get3A_3] : memref<128x128xf32, #tpu.memory_space<vmem>>, vector<128x128xf32>
    %dot_general3A = arith.constant dense<0.000000e+00> : vector<10000x128xf32>
    %dot_general3A_5 = tpu.matmul %get3A_1, %get3A_4, %dot_general3A {dimension_numbers = #tpu.dot_dimension_numbers<[1], [1], [0], [0], [0, 0, 1, 0], [], []>, transpose_lhs_hint = false} : vector<10000x128xf32>, vector<128x128xf32>, vector<10000x128xf32> -> vector<10000x128xf32>
    %get3A_6 = arith.constant 0 : index
    %get3A_7 = arith.constant 0 : index
    %get3A_8 = vector.load %arg2[%get3A_6, %get3A_7] : memref<1x128xf32, #tpu.memory_space<vmem>>, vector<1x128xf32>
    %add3A = vector.broadcast %get3A_8 : vector<1x128xf32> to vector<10000x128xf32>
    %add3A_9 = arith.addf %dot_general3A_5, %add3A : vector<10000x128xf32>
    %swap3A = arith.constant 0 : index
    %swap3A_10 = arith.constant 0 : index
    %swap3A_11 = vector.load %arg5[%swap3A, %swap3A_10] : memref<10000x128xf32, #tpu.memory_space<vmem>>, vector<10000x128xf32>
    tpu.vector_store %arg5[%swap3A, %swap3A_10], %add3A_9 {strides = array<i32>} : memref<10000x128xf32, #tpu.memory_space<vmem>>, vector<10000x128xf32>,
    %get3A_12 = arith.constant 0 : index
    %get3A_13 = arith.constant 0 : index
    %get3A_14 = vector.load %arg3[%get3A_12, %get3A_13] : memref<128x128xf32, #tpu.memory_space<vmem>>, vector<128x128xf32>
    %dot_general3A_15 = arith.constant dense<0.000000e+00> : vector<10000x128xf32>
    %dot_general3A_16 = tpu.matmul %get3A_1, %get3A_14, %dot_general3A_15 {dimension_numbers = #tpu.dot_dimension_numbers<[1], [1], [0], [0], [0, 0, 1, 0], [], []>, transpose_lhs_hint = false} : vector<10000x128xf32>, vector<128x128xf32>, vector<10000x128xf32> -> vector<10000x128xf32>
    %get3A_17 = arith.constant 0 : index
    %get3A_18 = arith.constant 0 : index
    %get3A_19 = vector.load %arg4[%get3A_17, %get3A_18] : memref<1x128xf32, #tpu.memory_space<vmem>>, vector<1x128xf32>
    %add3A_20 = vector.broadcast %get3A_19 : vector<1x128xf32> to vector<10000x128xf32>
    %add3A_21 = arith.addf %dot_general3A_16, %add3A_20 : vector<10000x128xf32>
    %swap3A_22 = arith.constant 0 : index
    %swap3A_23 = arith.constant 0 : index
    %swap3A_24 = vector.load %arg6[%swap3A_22, %swap3A_23] : memref<10000x128xf32, #tpu.memory_space<vmem>>, vector<10000x128xf32>
    tpu.vector_store %arg6[%swap3A_22, %swap3A_23], %add3A_21 {strides = array<i32>} : memref<10000x128xf32, #tpu.memory_space<vmem>>, vector<10000x128xf32>,
    return
  }
}

module attributes {stable_mosaic.version = 14 : i64} {
  func.func @body(%arg0: memref<2x10000x64xf32, #tpu.memory_space<vmem>>, %arg1: memref<16x5x10000xf32, #tpu.memory_space<vmem>>, %arg2: memref<10000x128xf32, #tpu.memory_space<vmem>>, %arg3: memref<5x128xf32, #tpu.memory_space<vmem>>, %arg4: memref<5x1xf32, #tpu.memory_space<vmem>>, %arg5: memref<10000x128xf32, #tpu.memory_space<vmem>>) attributes {dimension_semantics = [], scalar_prefetch = 0 : i64, scratch_operands = 0 : i64, tpu.core_type = #tpu.core_type<tc>} {
    %get3A = arith.constant 0 : index
    %get3A_0 = arith.constant 0 : index
    %get3A_1 = arith.constant 0 : index
    %get3A_2 = vector.load %arg0[%get3A, %get3A_0, %get3A_1] : memref<2x10000x64xf32, #tpu.memory_space<vmem>>, vector<1x10000x64xf32>
    %get3A_3 = vector.shape_cast %get3A_2 : vector<1x10000x64xf32> to vector<10000x64xf32>
    %get3A_4 = arith.constant 1 : index
    %get3A_5 = arith.constant 0 : index
    %get3A_6 = arith.constant 0 : index
    %get3A_7 = vector.load %arg0[%get3A_4, %get3A_5, %get3A_6] : memref<2x10000x64xf32, #tpu.memory_space<vmem>>, vector<1x10000x64xf32>
    %get3A_8 = vector.shape_cast %get3A_7 : vector<1x10000x64xf32> to vector<10000x64xf32>
    %concatenate3A = tpu.concatenate %get3A_3, %get3A_8 in 1 : vector<10000x64xf32>, vector<10000x64xf32> -> vector<10000x128xf32>
    %get3A_9 = arith.constant 0 : index
    %get3A_10 = arith.constant 0 : index
    %get3A_11 = arith.constant 0 : index
    %get3A_12 = vector.load %arg1[%get3A_9, %get3A_10, %get3A_11] : memref<16x5x10000xf32, #tpu.memory_space<vmem>>, vector<16x5x10000xf32>
    %reduce_sum3A = arith.constant dense<0.000000e+00> : vector<5x10000xf32>
    %reduce_sum3A_13 = vector.multi_reduction <add>, %get3A_12, %reduce_sum3A [0] : vector<16x5x10000xf32> to vector<5x10000xf32>
    %get3A_14 = arith.constant 0 : index
    %get3A_15 = arith.constant 0 : index
    %get3A_16 = vector.load %arg3[%get3A_14, %get3A_15] : memref<5x128xf32, #tpu.memory_space<vmem>>, vector<5x128xf32>
    %dot_general3A = arith.constant dense<0.000000e+00> : vector<10000x128xf32>
    %dot_general3A_17 = tpu.matmul %reduce_sum3A_13, %get3A_16, %dot_general3A {dimension_numbers = #tpu.dot_dimension_numbers<[0], [0], [1], [1], [0, 1, 1, 1], [], []>, transpose_lhs_hint = false} : vector<5x10000xf32>, vector<5x128xf32>, vector<10000x128xf32> -> vector<10000x128xf32>
    %get3A_18 = arith.constant 0 : index
    %get3A_19 = arith.constant 0 : index
    %get3A_20 = vector.load %arg4[%get3A_18, %get3A_19] : memref<5x1xf32, #tpu.memory_space<vmem>>, vector<5x1xf32>
    %dot_general3A_21 = arith.constant dense<0.000000e+00> : vector<10000x1xf32>
    %dot_general3A_22 = tpu.matmul %reduce_sum3A_13, %get3A_20, %dot_general3A_21 {dimension_numbers = #tpu.dot_dimension_numbers<[0], [0], [1], [1], [0, 1, 1, 1], [], []>, transpose_lhs_hint = false} : vector<5x10000xf32>, vector<5x1xf32>, vector<10000x1xf32> -> vector<10000x1xf32>
    %add3A = arith.addf %concatenate3A, %dot_general3A_17 : vector<10000x128xf32>
    %max3A = arith.constant 1.000000e+00 : f32
    %max3A_23 = vector.broadcast %max3A : f32 to vector<10000x1xf32>
    %max3A_24 = arith.maximumf %dot_general3A_22, %max3A_23 : vector<10000x1xf32>
    %div3A = vector.broadcast %max3A_24 : vector<10000x1xf32> to vector<10000x128xf32>
    %div3A_25 = arith.divf %add3A, %div3A : vector<10000x128xf32>
    %get3A_26 = arith.constant 0 : index
    %get3A_27 = arith.constant 0 : index
    %get3A_28 = vector.load %arg2[%get3A_26, %get3A_27] : memref<10000x128xf32, #tpu.memory_space<vmem>>, vector<10000x128xf32>
    %add3A_29 = arith.addf %div3A_25, %get3A_28 : vector<10000x128xf32>
    %ge3A = arith.constant 0.000000e+00 : f32
    %ge3A_30 = vector.broadcast %ge3A : f32 to vector<10000x128xf32>
    %ge3A_31 = arith.cmpf oge, %add3A_29, %ge3A_30 : vector<10000x128xf32>
    %mul3A = arith.constant 0.00999999977 : f32
    %mul3A_32 = vector.broadcast %mul3A : f32 to vector<10000x128xf32>
    %mul3A_33 = arith.mulf %mul3A_32, %add3A_29 : vector<10000x128xf32>
    %select_n3A = arith.select %ge3A_31, %add3A_29, %mul3A_33 : vector<10000x128xi1>, vector<10000x128xf32>
    %swap3A = arith.constant 0 : index
    %swap3A_34 = arith.constant 0 : index
    %swap3A_35 = vector.load %arg5[%swap3A, %swap3A_34] : memref<10000x128xf32, #tpu.memory_space<vmem>>, vector<10000x128xf32>
    tpu.vector_store %arg5[%swap3A, %swap3A_34], %select_n3A {strides = array<i32>} : memref<10000x128xf32, #tpu.memory_space<vmem>>, vector<10000x128xf32>,
    return
  }
}

</mosaic_0001>

<sc_bundles>
// kernel: kernel.5.cloned.1.call-start
scs
__scs_entry_jumppad:
0x0: {  	(pc) =	sbr.rel $0x88, $3  }
0x1: {  	(tag) =	ssettag $0x0;
	lr =	simm.s32 $0x1  }
0x2: {  	[smem:$0x3F98] =	sst lr;
	_ =	strace $0xD0000000  }
0x3: {  	_ = 	snop  }
0x4: {  	_ = 	snop  }
0x5: {  	_ = 	snop  }
0x6: {  	_ = 	snop  }
0x7: {  	_ = 	snop  }
__scs_overlays_trampoline_lowered:
0x8: {  	[smem:$0x3FA7] =	sst s0  }
0x9: {  	[smem:$0x3FA8] =	sst s1  }
0xa: {  	[smem:$0x3FA9] =	sst s2  }
0xb: {  	[smem:$0x3FAA] =	sst s3  }
0xc: {  	[smem:$0x3FAB] =	sst s4  }
0xd: {  	[smem:$0x3FAC] =	sst s5  }
0xe: {  	[smem:$0x3FAD] =	sst s6  }
0xf: {  	[smem:$0x3FAE] =	sst s7  }
0x10: {  	[smem:$0x3FAF] =	sst s8  }
0x11: {  	[smem:$0x3FB0] =	sst s9;
	s0 =	simm.s32 @!p0 $0x0  }
0x12: {  	s1 =	sld [smem:$0x3F96];
	s0 =	simm.s32 @p0 $0x1  }
0x13: {  	[smem:$0x3FB1] =	sst s0;
	s0 =	simm.s32 @!p1 $0x0  }
0x14: {  	s2 =	sld [smem:$0x3F95];
	s0 =	simm.s32 @p1 $0x1  }
0x15: {  	[smem:$0x3FB2] =	sst s0;
	s0 =	simm.s32 @!p2 $0x0  }
0x16: {  	s3 =	sld [smem:$0x3FDB];
	s0 =	simm.s32 @p2 $0x1  }
0x17: {  	s4 =	simm.s32 $0x1BF5;
	[smem:$0x3FB4] =	sst s0  }
0x18: {  	s0 =	sld [smem:$0x3F97];
	_ =	swait.ge [sflag:s4], $0x0  }
0x19: {  	s7 =	sld [smem:$0x3F98]  }
0x1a: {  	s8 =	sadd.s32 $0xFFFFE003, lr  }
0x1b: {  	s9 =	sadd.s32 $0xFFFFFEF7, lr;
	s5 =	simm.s32 $0xFFFFFFFF;
	p2 =	slt.u32 s8, $0xFFFFF086  }
0x1c: {  	p1 =	slt.u32 s9, $0xF7A;
	s5 =	simm.s32 @!p2 $0x0  }
0x1d: {  	s5 =	simm.s32 @p1 $0x1;
	p0 =	seq.s32 s7, s2  }
0x1e: {  	s7 =	smul.u32 @!p0 $0xF7A, s2;
	p2 =	seq.s32 @!p0 s5, $0x0  }
0x1f: {  	s9 =	smul.u32 $0xF7A, s1;
	s8 =	simm.s32 @!p0 $0x1BF5;
	p2 =	por !p2, p0  }
0x20: {  	[sflag:s8] =	ssyncset.s32 @!p0 $0xFFFFF086;
	s6 =	sadd.s32 @!p0 s3, s7;
	s7 =	simm.s32 @!p0 $0x108  }
0x21: {  	s3 =	sadd.s32 s3, s9;
	s6 =	sadd.s32 @!p0 $0x88, s6;
	s7 =	simm.s32 @p2 $0x1082  }
0x22: {  	[simem:s7], [sflag:s8] =	dma.local @!p0 [hbm:s6], $0xF7A  }
0x23: {  	s9 =	sor.u32 $0xD0000000, s2;
	s6 =	simm.s32 $0x108;
	_ =	swait.ge @!p0 [sflag:s8], $0x0  }
0x24: {  	s3 =	sadd.s32 $0x88, s3;
	s6 =	simm.s32 @!p1 $0x1082;
	[sflag:s4] =	ssyncset.s32 $0xFFFFF086  }
0x25: {  	[simem:s6], [sflag:s4] =	dma.local [hbm:s3], $0xF7A  }
0x26: {  	[smem:$0x3F98] =	sst s1;
	(tag) =	ssettag s2;
	_ =	strace s9  }
0x27: {  	s1 =	sld [smem:$0x3FA8]  }
0x28: {  	s2 =	sld [smem:$0x3FA9]  }
0x29: {  	s4 =	sld [smem:$0x3FAB]  }
0x2a: {  	p0 =	seq.s32 s5, $0x0;
	s5 =	sld [smem:$0x3FAC]  }
0x2b: {  	s6 =	sld [smem:$0x3FAD]  }
0x2c: {  	s7 =	sld [smem:$0x3FAE]  }
0x2d: {  	s3 =	simm.s32 $0x108;
	s8 =	sld [smem:$0x3FAF]  }
0x2e: {  	s3 =	simm.s32 @!p0 $0x1082;
	s9 =	sld [smem:$0x3FB0]  }
0x2f: {  	lr =	sadd.s32 s0, s3;
	s0 =	sld [smem:$0x3FA7]  }
0x30: {  	s3 =	sld [smem:$0x3FAA]  }
0x31: {  	[smem:$0x3FB3] =	sst s10  }
0x32: {  	s10 =	sld [smem:$0x3FB1];
	_ =	sdelay $0x3  }
0x33: {  	p0 =	seq.s32 s10, $0x1;
	s10 =	sld [smem:$0x3FB3];
	_ =	sdelay $0x3  }
0x34: {  	[smem:$0x3FB3] =	sst s10  }
0x35: {  	s10 =	sld [smem:$0x3FB2];
	_ =	sdelay $0x3  }
0x36: {  	p1 =	seq.s32 s10, $0x1;
	s10 =	sld [smem:$0x3FB3];
	_ =	sdelay $0x3  }
0x37: {  	[smem:$0x3FB3] =	sst s10  }
0x38: {  	s10 =	sld [smem:$0x3FB4]  }
0x39: {  	_ = 	snop;
	(pc) =	sbr.ind lr, $3  }
0x3a: {  	_ = 	snop  }
0x3b: {  	_ = 	snop  }
0x3c: {  	p2 =	seq.s32 s10, $0x1;
	s10 =	sld [smem:$0x3FB3]  }
0x3d: {  	_ =	shalt  }
0x3e: {  	_ =	shalt  }
0x3f: {  	_ =	shalt  }
0x40: {  	_ =	shalt  }
0x41: {  	_ =	shalt  }
0x42: {  	_ =	shalt  }
0x43: {  	_ =	shalt  }
0x44: {  	_ =	shalt  }
0x45: {  	_ =	shalt  }
0x46: {  	_ =	shalt  }
0x47: {  	_ =	shalt  }
0x48: {  	_ =	shalt  }
0x49: {  	_ =	shalt  }
0x4a: {  	_ =	shalt  }
0x4b: {  	_ =	shalt  }
0x4c: {  	_ =	shalt  }
0x4d: {  	_ =	shalt  }
0x4e: {  	_ =	shalt  }
0x4f: {  	_ =	shalt  }
0x50: {  	_ =	shalt  }
0x51: {  	_ =	shalt  }
0x52: {  	_ =	shalt  }
0x53: {  	_ =	shalt  }
0x54: {  	_ =	shalt  }
0x55: {  	_ =	shalt  }
0x56: {  	_ =	shalt  }
0x57: {  	_ =	shalt  }
0x58: {  	_ =	shalt  }
0x59: {  	_ =	shalt  }
0x5a: {  	_ =	shalt  }
0x5b: {  	_ =	shalt  }
0x5c: {  	_ =	shalt  }
0x5d: {  	_ =	shalt  }
0x5e: {  	_ =	shalt  }
0x5f: {  	_ =	shalt  }
0x60: {  	_ =	shalt  }
0x61: {  	_ =	shalt  }
0x62: {  	_ =	shalt  }
0x63: {  	_ =	shalt  }
0x64: {  	_ =	shalt  }
0x65: {  	_ =	shalt  }
0x66: {  	_ =	shalt  }
0x67: {  	_ =	shalt  }
0x68: {  	_ =	shalt  }
0x69: {  	_ =	shalt  }
0x6a: {  	_ =	shalt  }
0x6b: {  	_ =	shalt  }
0x6c: {  	_ =	shalt  }
0x6d: {  	_ =	shalt  }
0x6e: {  	_ =	shalt  }
0x6f: {  	_ =	shalt  }
0x70: {  	_ =	shalt  }
0x71: {  	_ =	shalt  }
0x72: {  	_ =	shalt  }
0x73: {  	_ =	shalt  }
0x74: {  	_ =	shalt  }
0x75: {  	_ =	shalt  }
0x76: {  	_ =	shalt  }
0x77: {  	_ =	shalt  }
0x78: {  	_ =	shalt  }
0x79: {  	_ =	shalt  }
0x7a: {  	_ =	shalt  }
0x7b: {  	_ =	shalt  }
0x7c: {  	_ =	shalt  }
0x7d: {  	_ =	shalt  }
0x7e: {  	_ =	shalt  }
0x7f: {  	_ =	shalt  }
0x80: {  	_ =	shalt  }
0x81: {  	_ =	shalt  }
0x82: {  	_ =	shalt  }
0x83: {  	_ =	shalt  }
0x84: {  	_ =	shalt  }
0x85: {  	_ =	shalt  }
0x86: {  	_ =	shalt  }
0x87: {  	_ =	shalt  }
.Lfunc_end0:
.L_simem_size_0:
called_computation_lowered:
.L_overlay_start_0:
0x88: {  	s2 =	sld [smem:$0x3FD9]  }
0x89: {  	s3 =	sld [smem:$0x3FFE];
	_ =	sdelay $0x1  }
0x8a: {  	s1 =	srdreg.scid  }
0x8b: {  	s0 =	sand.u32 $0x1, s1  }
0x8c: {  	s17 =	sshll.u32 s0, $0xA;
	s2 =	sadd.s32 s3, s2  }
0x8d: {  	s2 =	sadd.s32 s2, s17  }
0x8e: {  	[smem:$0x3FBF] =	sst s2  }
0x8f: {  	_ = 	snop  }
0x90: {  	s2 =	sld [smem:$0x3FD0];
	(tm) =	ssettm $0x1  }
0x91: {  	s18 =	sld [smem:$0x3FFB];
	_ =	sdelay $0x3  }
0x92: {  	_ =	strace s18  }
0x93: {  	s3 =	sld [smem:$0x3FFC];
	_ =	sdelay $0x3  }
0x94: {  	_ =	strace s3  }
0x95: {  	s3 =	sld [smem:$0x3FFD];
	_ =	sdelay $0x3  }
0x96: {  	_ =	strace s3  }
0x97: {  	_ =	strace $0x8FFFFFFF  }
0x98: {  	s19 =	sld [smem:$0x3FDB];
	_ =	sdelay $0x1  }
0x99: {  	s4 =	simm.s32 $_scs_section_size  }
0x9a: {  	s5 =	simm.s32 $_size__tile_overlayer_lowered;
	s6 =	simm.s32 $_tile_overlayer_lowered  }
0x9b: {  	s22 =	simm.s32 $0x1BFF;
	s21 =	sshll.u32 s6, $0x1;
	s3 =	sadd.s32 s4, s19  }
0x9c: {  	s7 =	simm.s32 $0x0;
	s20 =	sshll.u32 s5, $0x1;
	s5 =	sadd.s32 s21, s3  }
0x9d: {  	[timem:s7], [sflag:s22] =	dma.local [hbm:s5], s20  }
0x9e: {  	_ =	swait.ge [sflag:s22], s20  }
0x9f: {  	s4 =	ssub.s32 $0x0, s20;
	[sflag:s22] =	ssyncset.done $0x0  }
0xa0: {  	[sflag:s22] =	ssyncadd.s32 s4;
	_ =	sdelay $0x1  }
0xa1: {  	s23 =	simm.s32 $0x1B8B  }
0xa2: {  	_ =	swait.ge [sflag:s23], $0x1  }
0xa3: {  	[sflag:s23] =	ssyncset.done $0x0  }
0xa4: {  	s25 =	simm.s32 $0x1B8E;
	s24 =	sld [smem:$0x3FFE];
	[sflag:s23] =	ssyncadd.s32 $0xFFFFFFFF  }
0xa5: {  	s26 =	simm.s32 $execute0_lowered;
	[smem:$0x3FD2] =	sst s25  }
0xa6: {  	s5 =	sshll.u32 s26, $0x1;
	_ =	strace $0x80000046;
	[dreg:$0x1] =	wrdreg $0xFFFFFFFF  }
0xa7: {  	s28 =	simm.s32 $_size_execute0_lowered;
	s3 =	sadd.s32 s3, s5;
	[dreg:$0x0] =	wrdreg $0x0  }
0xa8: {  	s5 =	sshll.u32 s28, $0x1;
	[dreg:$0x2] =	wrdreg s3  }
0xa9: {  	[dreg:$0x3] =	wrdreg s5  }
0xaa: {  	[dreg:$0x4] =	wrdreg $0xC0  }
0xab: {  	_ =	task [dreg:s7], $0x5FFFF  }
0xac: {  	[dreg:$0x1] =	wrdreg $0xFFFFFFFF  }
0xad: {  	[dreg:$0x0] =	wrdreg $0x60  }
0xae: {  	[dreg:$0x2] =	wrdreg s2  }
0xaf: {  	[dreg:$0x3] =	wrdreg s24  }
0xb0: {  	[dreg:$0x4] =	wrdreg $0x149100  }
0xb1: {  	[dreg:$0x5] =	wrdreg $0x9  }
0xb2: {  	_ =	task.clear_ibuf [dreg:s7], $0x6FFFF;
	_ =	strace $0x90000046  }
0xb3: {  	s29 =	simm.s32 $0x9;
	_ =	strace $0x80000048  }
0xb4: {  	_ =	swait.ge [sflag:s29], $0x1  }
0xb5: {  	[sflag:s29] =	ssyncadd.s32 $0xFFFFFFFF  }
0xb6: {  	_ =	strace $0x90000048  }
0xb7: {  	_ =	sfence  }
0xb8: {  	s30 =	sld [smem:$0x0];
	_ =	sdelay $0x2  }
0xb9: {  	s31 =	sshll.u32 s1, $0xD;
	s1 =	sshrl.u32 s1, $0x2  }
0xba: {  	s3 =	sand.u32 $0x4000, s31;
	s1 =	sadd.s32 s1, s30  }
0xbb: {  	s0 =	sor.u32 s3, s0;
	s1 =	sshll.u32 s1, $0x11  }
0xbc: {  	s0 =	sor.u32 s1, s0  }
0xbd: {  	s0 =	sadd.s32 $0x8F2B, s0  }
0xbe: {  	[sflag:s0] =	ssyncadd.remote.s32 $0x1  }
0xbf: {  	_ =	sfence.sel $0xFFFF  }
0xc0: {  	[dreg:$0x0] =	wrdreg $0xFFFFFFFF;
	(pc) =	sbr.abs _section_cstart, $3  }
0xc1: {  	[dreg:$0x1] =	wrdreg $0xFFFFFFFF  }
0xc2: {  	_ =	task.clear_ibuf [dreg:s7], $0x2FFFF;
	_ =	strace $0x9FFFFFFF  }
0xc3: {  	(tm) =	ssettm $0x7FFFFFFF  }
tec
execute0_lowered:
.L_overlay_start_1:
0x0: {  	(tag) =	ssettag $0x1  }
0x1: {  	s1 =	rddreg [dreg:$0x0]  }
0x2: {  	s0 =	rddreg [dreg:$0x1]  }
0x3: {  	s2 =	rddreg [dreg:$0x2];
	s3 =	srdreg.scid;
	s4 =	simm.s32 $0x0  }
0x4: {  	s15 =	stileid.u32;
	s28 =	simm.s32 $0x1;
	s29 =	simm.s32 $0x2  }
0x5: {  	s30 =	simm.s32 $0x3;
	s31 =	simm.s32 $0x4;
	s9 =	smul.u32 $0xFA00, s15  }
0x6: {  	s3 =	sand.u32 $0x1, s3;
	[smem:$0x7FF] =	sst s4;
	s11 =	smul.u32 $0x3E800, s15  }
0x7: {  	s5 =	sadd.s32 $0x1F800, s0;
	s6 =	sadd.s32 $0x15A00, s0;
	s12 =	smul.u32 $0x186A, s15  }
0x8: {  	s8 =	sadd.s32 $0xBC00, s0;
	s17 =	smul.u32 $0x4E20, s15;
	p0 =	sgt.u32 s15, $0x9  }
0x9: {  	s7 =	smul.u32 $0x9C400, s3;
	_ =	strace $0x80000047;
	s11 =	sshrl.u32 s11, $0x2  }
0xa: {  	s13 =	ssub.s32 $0x2, s3;
	p1 =	sne.s32 s3, $0x0;
	s16 =	sadd.s32 s11, s2  }
0xb: {  	s14 =	sshrl.u32 s13, $0x1;
	s18 =	sadd.s32 $0x1F40, s16;
	[dreg:$0x4] =	wrdreg s16  }
0xc: {  	s10 =	sadd.s32 s9, s7;
	s19 =	sadd.s32 $0x3E80, s16;
	[dreg:$0x5] =	wrdreg s18  }
0xd: {  	s7 =	sadd.s32 $0x1E00, s0;
	s20 =	sadd.s32 $0x5DC0, s16;
	[dreg:$0x6] =	wrdreg s19  }
0xe: {  	s14 =	ssub.s32 s13, s14;
	s21 =	sadd.s32 $0x7D00, s16;
	[dreg:$0x7] =	wrdreg s20  }
0xf: {  	s11 =	simm.s32 $0x5280;
	s22 =	sadd.s32 $0x9C40, s16;
	[dreg:$0x8] =	wrdreg s21  }
0x10: {  	s10 =	sshrl.u32 s10, $0x3;
	s23 =	sadd.s32 $0xBB80, s16;
	[dreg:$0x9] =	wrdreg s22  }
0x11: {  	s24 =	sadd.s32 $0xDAC0, s16;
	s26 =	smax.u32 s14, $0x1;
	[dreg:$0xa] =	wrdreg s23  }
0x12: {  	s10 =	sadd.s32 s10, s0;
	s0 =	sadd.s32 s12, s0;
	[dreg:$0xb] =	wrdreg s24  }
0x13: {  	[dreg:$0xe] =	wrdreg s26;
	s21 =	simm.s32 $0x6680;
	s22 =	simm.s32 $0x5  }
0x14: {  	s23 =	simm.s32 $0xFA0;
	s26 =	simm.s32 $0x2EE0;
	s0 =	sadd.s32 $0x29600, s0  }
0x15: {  	s12 =	simm.s32 $0x0;
	s25 =	sadd.s32 $0x41E00, s10;
	[dreg:$0xc] =	wrdreg s0  }
0x16: {  	s10 =	simm.s32 $0x3E80;
	[dreg:$0xd] =	wrdreg s25;
	s0 =	sadd.s32 s9, s2  }
0x17: {  	v1 =	vimm.f32 $0.0e+00;
	v0 =	vmov s3;
	s25 =	simm.s32 $0x1F40;
	s24 =	sshrl.u32 @!p0 s0, $0x3;
	s0 =	simm.s32 $0x50  }
.LBB2_1:
.Ltmp0:
0x18: {  	(pc) =	sbr.rel @p0 .LBB2_5-.Ltmp0, $1  }
0x19: {  	_ =	sdelay $0x3  }
0x1a: {  	s9 =	simm.s32 $0x100;
	s3 =	simm.s32 $0x0  }
.LBB2_3:
0x1b: {  	p2 =	sne.s32 s9, $0x7C00;
	[tilespmem:s3+$0x66B0] =	vst v1;
	s13 =	smov.u32 s9;
	s9 =	sadd.s32 $0x100, s9  }
.Ltmp1:
0x1c: {  	[tilespmem:s3+$0x66A0] =	vst v1;
	(pc) =	sbr.rel @p2 .LBB2_3-.Ltmp1, $3  }
0x1d: {  	[tilespmem:s3+$0x6680] =	vst v1  }
0x1e: {  	[tilespmem:s3+$0x6690] =	vst v1;
	_ =	sdelay $0x1  }
0x1f: {  	s3 =	sshra.s32 s13, $0x2  }
0x20: {  	[tilespmem:s3+$0x66B0] =	vst v1  }
0x21: {  	[tilespmem:s3+$0x66A0] =	vst v1  }
0x22: {  	[tilespmem:s3+$0x6680] =	vst v1  }
0x23: {  	[tilespmem:s3+$0x6690] =	vst v1;
	s9 =	rddreg [dreg:$0x4]  }
0x24: {  	[spmem:s9] =	stream.linear.scatter [tilespmem:s21], [sflag:$0x5], $0x1F40, $0x38;
	[tilespmem:$0x1E550] =	vst v63  }
0x25: {  	_ =	swait.ge [sflag:s22], $0x1F40  }
0x26: {  	[sflag:s22] =	ssyncset.done $0x0  }
0x27: {  	s13 =	rddreg [dreg:$0x5];
	[sflag:s22] =	ssyncadd.s32 $0xFFFFE0C0  }
0x28: {  	[spmem:s13] =	stream.linear.scatter [tilespmem:s21], [sflag:$0x5], $0x1F40, $0x38;
	[tilespmem:$0x1E550] =	vst v63  }
0x29: {  	_ =	swait.ge [sflag:s22], $0x1F40  }
0x2a: {  	[sflag:s22] =	ssyncset.done $0x0  }
0x2b: {  	s14 =	rddreg [dreg:$0x6];
	[sflag:s22] =	ssyncadd.s32 $0xFFFFE0C0  }
0x2c: {  	[spmem:s14] =	stream.linear.scatter [tilespmem:s21], [sflag:$0x5], $0x1F40, $0x38;
	[tilespmem:$0x1E550] =	vst v63  }
0x2d: {  	_ =	swait.ge [sflag:s22], $0x1F40  }
0x2e: {  	[sflag:s22] =	ssyncset.done $0x0  }
0x2f: {  	s15 =	rddreg [dreg:$0x7];
	[sflag:s22] =	ssyncadd.s32 $0xFFFFE0C0  }
0x30: {  	[spmem:s15] =	stream.linear.scatter [tilespmem:s21], [sflag:$0x5], $0x1F40, $0x38;
	[tilespmem:$0x1E550] =	vst v63  }
0x31: {  	_ =	swait.ge [sflag:s22], $0x1F40  }
0x32: {  	[sflag:s22] =	ssyncset.done $0x0  }
0x33: {  	s16 =	rddreg [dreg:$0x8];
	[sflag:s22] =	ssyncadd.s32 $0xFFFFE0C0  }
0x34: {  	[spmem:s16] =	stream.linear.scatter [tilespmem:s21], [sflag:$0x5], $0x1F40, $0x38;
	[tilespmem:$0x1E550] =	vst v63  }
0x35: {  	_ =	swait.ge [sflag:s22], $0x1F40  }
0x36: {  	[sflag:s22] =	ssyncset.done $0x0  }
0x37: {  	s18 =	rddreg [dreg:$0x9];
	[sflag:s22] =	ssyncadd.s32 $0xFFFFE0C0  }
0x38: {  	[spmem:s18] =	stream.linear.scatter [tilespmem:s21], [sflag:$0x5], $0x1F40, $0x38;
	[tilespmem:$0x1E550] =	vst v63  }
0x39: {  	_ =	swait.ge [sflag:s22], $0x1F40  }
0x3a: {  	[sflag:s22] =	ssyncset.done $0x0  }
0x3b: {  	s19 =	rddreg [dreg:$0xa];
	[sflag:s22] =	ssyncadd.s32 $0xFFFFE0C0  }
0x3c: {  	[spmem:s19] =	stream.linear.scatter [tilespmem:s21], [sflag:$0x5], $0x1F40, $0x38;
	[tilespmem:$0x1E550] =	vst v63  }
0x3d: {  	_ =	swait.ge [sflag:s22], $0x1F40  }
0x3e: {  	[sflag:s22] =	ssyncset.done $0x0  }
0x3f: {  	s20 =	rddreg [dreg:$0xb];
	[sflag:s22] =	ssyncadd.s32 $0xFFFFE0C0  }
0x40: {  	[spmem:s20] =	stream.linear.scatter [tilespmem:s21], [sflag:$0x5], $0x1F40, $0x38;
	[tilespmem:$0x1E550] =	vst v63  }
0x41: {  	_ =	swait.ge [sflag:s22], $0x1F40  }
0x42: {  	[sflag:s22] =	ssyncset.done $0x0  }
0x43: {  	[sflag:s22] =	ssyncadd.s32 $0xFFFFE0C0  }
.LBB2_5:
.Ltmp2:
0x44: {  	(pc) =	sbr.rel @p1 .LBB2_9-.Ltmp2, $1  }
0x45: {  	_ =	sdelay $0x3  }
0x46: {  	s3 =	simm.s32 $0x8600  }
0x47: {  	[tilespmem:s3+$0xFFFFFFC0] =	vst v1  }
0x48: {  	[tilespmem:s3+$0x30] =	vst v1  }
0x49: {  	[tilespmem:s3+$0x20] =	vst v1  }
0x4a: {  	[tilespmem:s3+$0x10] =	vst v1  }
0x4b: {  	[tilespmem:s3+$0x0] =	vst v1  }
0x4c: {  	[tilespmem:s3+$0xFFFFFFF0] =	vst v1  }
0x4d: {  	s9 =	simm.s32 $0x0;
	[tilespmem:s3+$0xFFFFFFE0] =	vst v1  }
.LBB2_7:
0x4e: {  	s9 =	sadd.s32 $0x8, s9;
	[tilespmem:s3+$0xFFFFFFD0] =	vst v1;
	s3 =	sadd.s32 $0x80, s3  }
0x4f: {  	[tilespmem:s3+$0xFFFFFFC0] =	vst v1;
	p2 =	slt.u32 s9, $0xC28  }
0x50: {  	[tilespmem:s3+$0x30] =	vst v1  }
.Ltmp3:
0x51: {  	[tilespmem:s3+$0x20] =	vst v1;
	(pc) =	sbr.rel @p2 .LBB2_7-.Ltmp3, $4  }
0x52: {  	[tilespmem:s3+$0x10] =	vst v1  }
0x53: {  	[tilespmem:s3+$0x0] =	vst v1  }
0x54: {  	[tilespmem:s3+$0xFFFFFFF0] =	vst v1  }
0x55: {  	[tilespmem:s3+$0xFFFFFFE0] =	vst v1  }
0x56: {  	[tilespmem:s3+$0xFFFFFFD0] =	vst v1  }
0x57: {  	[tilespmem:$0x148C0] =	vst v1  }
0x58: {  	[tilespmem:$0x148D0] =	vst v1  }
0x59: {  	[tilespmem:$0x148E0] =	vst v1  }
0x5a: {  	[tilespmem:$0x148F0] =	vst v1  }
0x5b: {  	[tilespmem:$0x14900] =	vst v1  }
.LBB2_9:
0x5c: {  	[bflag:$0x0] =	sbarrier.arrive $0xFFFF;
	s13 =	simm.s32 $0x0  }
.LBB2_10:
0x5d: {  	s3 =	smul.u32 $0xFA0, s13;
	_ =	sdelay $0x1  }
0x5e: {  	s3 =	sadd.s32 s17, s3  }
0x5f: {  	s3 =	sshrl.u32 s3, $0x3  }
0x60: {  	s9 =	sadd.s32 s5, s3  }
0x61: {  	[tilespmem:s4], [sflag:$0x1] =	stream.linear.gather [hbm4b:s9+s4], $0xFA0, $0x38;
	[tilespmem:$0x1E550] =	vst v63  }
0x62: {  	s19 =	sadd.s32 s6, s3  }
0x63: {  	[tilespmem:s23], [sflag:$0x2] =	stream.linear.gather [hbm4b:s19+s4], $0xFA0, $0x38;
	[tilespmem:$0x1E550] =	vst v63  }
0x64: {  	s20 =	sadd.s32 s7, s3  }
0x65: {  	[tilespmem:s25], [sflag:$0x3] =	stream.linear.gather [hbm4b:s20+s4], $0xFA0, $0x38;
	[tilespmem:$0x1E550] =	vst v63  }
0x66: {  	s3 =	sadd.s32 s8, s3  }
0x67: {  	[tilespmem:s26], [sflag:$0x4] =	stream.linear.gather [hbm4b:s3+s4], $0xFA0, $0x38;
	[tilespmem:$0x1E550] =	vst v63  }
0x68: {  	_ =	swait.ge [sflag:s28], $0xFA0  }
0x69: {  	[sflag:s28] =	ssyncset.done $0x0  }
0x6a: {  	[sflag:s28] =	ssyncadd.s32 $0xFFFFF060  }
0x6b: {  	_ =	swait.ge [sflag:s29], $0xFA0  }
0x6c: {  	[sflag:s29] =	ssyncset.done $0x0  }
0x6d: {  	[sflag:s29] =	ssyncadd.s32 $0xFFFFF060  }
0x6e: {  	_ =	swait.ge [sflag:s30], $0xFA0  }
0x6f: {  	[sflag:s30] =	ssyncset.done $0x0  }
0x70: {  	[sflag:s30] =	ssyncadd.s32 $0xFFFFF060  }
0x71: {  	_ =	swait.ge [sflag:s31], $0xFA0  }
0x72: {  	[sflag:s31] =	ssyncset.done $0x0  }
0x73: {  	s3 =	simm.s32 $0x40;
	[sflag:s31] =	ssyncadd.s32 $0xFFFFF060  }
0x74: {  	v3 =	vld [tilespmem:s3+$0xFFFFFFC0]  }
0x75: {  	v4 =	vld [tilespmem:s3+$0xFFFFFFD0]  }
0x76: {  	v6 =	vld [tilespmem:s3+$0xFFFFFFE0]  }
0x77: {  	v5 =	vld [tilespmem:s3+$0x0]  }
0x78: {  	v2 =	vld [tilespmem:s3+$0x10]  }
0x79: {  	v7 =	vshll.u32 v3, $0x1;
	v3 =	vld [tilespmem:s3+$0x20]  }
0x7a: {  	v8 =	vshll.u32 v4, $0x1;
	v4 =	vld [tilespmem:s3+$0x30];
	v7 =	vor.u32 v0, v7  }
0x7b: {  	s14 =	simm.s32 $0xC0;
	s9 =	simm.s32 $0x0;
	[tilespmem:s3+$0xFFFFFFC0] =	vst v7;
	v7 =	vor.u32 v0, v8;
	v8 =	vshll.u32 v6, $0x1;
	v6 =	vld [tilespmem:s3+$0xFFFFFFF0]  }
.LBB2_11:
0x7c: {  	v9 =	vld [tilespmem:s14+$0xFFFFFFC0];
	[tilespmem:s3+$0xFFFFFFD0] =	vst v7;
	v7 =	vor.u32 v0, v8;
	v5 =	vshll.u32 v5, $0x1  }
0x7d: {  	s9 =	sadd.s32 $0x8, s9;
	v8 =	vld [tilespmem:s14+$0xFFFFFFD0];
	[tilespmem:s3+$0xFFFFFFE0] =	vst v7;
	v5 =	vor.u32 v0, v5;
	v2 =	vshll.u32 v2, $0x1  }
0x7e: {  	p2 =	slt.u32 s9, $0xF0;
	v10 =	vld [tilespmem:s14+$0xFFFFFFE0];
	[tilespmem:s3+$0x0] =	vst v5;
	v2 =	vor.u32 v0, v2;
	v3 =	vshll.u32 v3, $0x1  }
.Ltmp4:
0x7f: {  	v5 =	vld [tilespmem:s14+$0x0];
	[tilespmem:s3+$0x10] =	vst v2;
	v3 =	vor.u32 v0, v3;
	v4 =	vshll.u32 v4, $0x1;
	(pc) =	sbr.rel @p2 .LBB2_11-.Ltmp4, $4  }
0x80: {  	v2 =	vld [tilespmem:s14+$0x10];
	v6 =	vshll.u32 v6, $0x1;
	[tilespmem:s3+$0x20] =	vst v3;
	v4 =	vor.u32 v0, v4  }
0x81: {  	v7 =	vshll.u32 v9, $0x1;
	v3 =	vld [tilespmem:s14+$0x20];
	v6 =	vor.u32 v0, v6;
	[tilespmem:s3+$0x30] =	vst v4  }
0x82: {  	v7 =	vor.u32 v0, v7;
	v8 =	vshll.u32 v8, $0x1;
	v4 =	vld [tilespmem:s14+$0x30];
	[tilespmem:s3+$0xFFFFFFF0] =	vst v6;
	s3 =	smov.u32 s14  }
0x83: {  	s14 =	sadd.s32 $0x80, s14;
	[tilespmem:s3+$0xFFFFFFC0] =	vst v7;
	v7 =	vor.u32 v0, v8;
	v8 =	vshll.u32 v10, $0x1;
	v6 =	vld [tilespmem:s3+$0xFFFFFFF0]  }
0x84: {  	[tilespmem:s3+$0xFFFFFFD0] =	vst v7;
	v62 =	vor.u32 v0, v8;
	v5 =	vshll.u32 v5, $0x1  }
0x85: {  	[tilespmem:s3+$0xFFFFFFE0] =	vst v62;
	v5 =	vor.u32 v0, v5;
	v2 =	vshll.u32 v2, $0x1  }
0x86: {  	[tilespmem:s3+$0x0] =	vst v5;
	v2 =	vor.u32 v0, v2;
	v3 =	vshll.u32 v3, $0x1  }
0x87: {  	[tilespmem:s3+$0x10] =	vst v2;
	v2 =	vor.u32 v0, v3;
	v3 =	vshll.u32 v4, $0x1  }
0x88: {  	v63 =	vshll.u32 v6, $0x1;
	[tilespmem:s3+$0x20] =	vst v2;
	v2 =	vor.u32 v0, v3  }
0x89: {  	v3 =	vor.u32 v0, v63;
	[tilespmem:s3+$0x30] =	vst v2  }
0x8a: {  	[tilespmem:s3+$0xFFFFFFF0] =	vst v3  }
0x8b: {  	v2 =	vld [tilespmem:$0xF80]  }
0x8c: {  	v3 =	vld [tilespmem:$0xF90];
	_ =	sdelay $0x3  }
0x8d: {  	v2 =	vshll.u32 v2, $0x1  }
0x8e: {  	v3 =	vshll.u32 v3, $0x1;
	v2 =	vor.u32 v0, v2  }
0x8f: {  	[tilespmem:$0xF80] =	vst v2;
	v2 =	vor.u32 v0, v3  }
0x90: {  	s14 =	simm.s32 $0x0;
	s15 =	simm.s32 $0x2EE0;
	s16 =	simm.s32 $0x2F30;
	[tilespmem:$0xF90] =	vst v2  }
0x91: {  	[tilespmem:s10], [sflag:$0x1] =	stream.indirect.gather [hbm4b:s1+s0], $0x40, s14, s0, $0xb8;
	[tilespmem:$0x1E550] =	vst v63  }
.LBB2_13:
0x92: {  	_ =	swait.ge [sflag:s28], $0x1400  }
0x93: {  	p2 =	seq.s32 s14, $0x0;
	[sflag:s28] =	ssyncset.done $0x0  }
0x94: {  	s3 =	simm.s32 @!p2 $0x4;
	[sflag:s28] =	ssyncadd.s32 $0xFFFFEC00  }
0x95: {  	s9 =	smul.u32 $0xA0, s14;
	v2 =	vmov s15;
	_ =	swait.ge @!p2 [sflag:s3], $0x1400  }
0x96: {  	s18 =	simm.s32 $0x4080;
	[sflag:s3] =	ssyncset.done @!p2 $0x0  }
0x97: {  	s19 =	simm.s32 $0x0;
	[sflag:s3] =	ssyncadd.s32 @!p2 $0xFFFFEC00;
	s3 =	sadd.s32 $0x50, s9  }
0x98: {  	[tilespmem:s11], [sflag:$0x2] =	stream.indirect.gather [hbm4b:s1+s0], $0x40, s3, s0, $0xb8;
	[tilespmem:$0x1E550] =	vst v63  }
.LBB2_14:
0x99: {  	s20 =	sshra.s32 s19, $0x2  }
0x9a: {  	v3 =	vld.idx.msk [tilespmem:v2+s20+$0x0 ss:$0x1], $0xffff;
	_ =	sdelay $0x1  }
0x9b: {  	v4 =	vld [tilespmem:s18+$0xFFFFFE00];
	_ =	sdelay $0x1  }
0x9c: {  	v43 =	vld [tilespmem:s18+$0xFFFFFE10]  }
0x9d: {  	v5 =	vbroadcast v3, $0x0  }
0x9e: {  	v44 =	vld [tilespmem:s18+$0xFFFFFE20]  }
0x9f: {  	v4 =	vmul.f32 v5, v4  }
0xa0: {  	v45 =	vld [tilespmem:s18+$0xFFFFFE30]  }
0xa1: {  	[tilespmem:s18+$0xFFFFFE00] =	vst v4;
	v4 =	vmul.f32 v43, v5  }
0xa2: {  	v46 =	vld [tilespmem:s18+$0xFFFFFE40]  }
0xa3: {  	[tilespmem:s18+$0xFFFFFE10] =	vst v4;
	v4 =	vmul.f32 v44, v5  }
0xa4: {  	v48 =	vld [tilespmem:s18+$0xFFFFFE50]  }
0xa5: {  	v47 =	vbroadcast v3, $0x1;
	[tilespmem:s18+$0xFFFFFE20] =	vst v4;
	v4 =	vmul.f32 v45, v5  }
0xa6: {  	v49 =	vld [tilespmem:s18+$0xFFFFFE60]  }
0xa7: {  	[tilespmem:s18+$0xFFFFFE30] =	vst v4;
	v4 =	vmul.f32 v46, v47  }
0xa8: {  	v50 =	vld [tilespmem:s18+$0xFFFFFE70]  }
0xa9: {  	[tilespmem:s18+$0xFFFFFE40] =	vst v4;
	v4 =	vmul.f32 v48, v47  }
0xaa: {  	v51 =	vld [tilespmem:s18+$0xFFFFFE80]  }
0xab: {  	[tilespmem:s18+$0xFFFFFE50] =	vst v4;
	v4 =	vmul.f32 v49, v47  }
0xac: {  	v53 =	vld [tilespmem:s18+$0xFFFFFE90]  }
0xad: {  	v52 =	vbroadcast v3, $0x2;
	[tilespmem:s18+$0xFFFFFE60] =	vst v4;
	v4 =	vmul.f32 v50, v47  }
0xae: {  	v54 =	vld [tilespmem:s18+$0xFFFFFEA0]  }
0xaf: {  	[tilespmem:s18+$0xFFFFFE70] =	vst v4;
	v4 =	vmul.f32 v51, v52  }
0xb0: {  	v55 =	vld [tilespmem:s18+$0xFFFFFEB0]  }
0xb1: {  	[tilespmem:s18+$0xFFFFFE80] =	vst v4;
	v4 =	vmul.f32 v53, v52  }
0xb2: {  	v56 =	vld [tilespmem:s18+$0xFFFFFEC0]  }
0xb3: {  	[tilespmem:s18+$0xFFFFFE90] =	vst v4;
	v4 =	vmul.f32 v54, v52  }
0xb4: {  	v58 =	vld [tilespmem:s18+$0xFFFFFED0]  }
0xb5: {  	v57 =	vbroadcast v3, $0x3;
	[tilespmem:s18+$0xFFFFFEA0] =	vst v4;
	v4 =	vmul.f32 v55, v52  }
0xb6: {  	v59 =	vld [tilespmem:s18+$0xFFFFFEE0]  }
0xb7: {  	[tilespmem:s18+$0xFFFFFEB0] =	vst v4;
	v4 =	vmul.f32 v56, v57  }
0xb8: {  	v60 =	vld [tilespmem:s18+$0xFFFFFEF0]  }
0xb9: {  	[tilespmem:s18+$0xFFFFFEC0] =	vst v4;
	v4 =	vmul.f32 v58, v57  }
0xba: {  	v61 =	vld [tilespmem:s18+$0xFFFFFF00]  }
0xbb: {  	[tilespmem:s18+$0xFFFFFED0] =	vst v4;
	v4 =	vmul.f32 v59, v57  }
0xbc: {  	v63 =	vld [tilespmem:s18+$0xFFFFFF10]  }
0xbd: {  	v62 =	vbroadcast v3, $0x4;
	[tilespmem:s18+$0xFFFFFEE0] =	vst v4;
	v4 =	vmul.f32 v60, v57  }
0xbe: {  	v8 =	vld [tilespmem:s18+$0xFFFFFF20]  }
0xbf: {  	[tilespmem:s18+$0xFFFFFEF0] =	vst v4;
	v4 =	vmul.f32 v61, v62  }
0xc0: {  	v9 =	vld [tilespmem:s18+$0xFFFFFF30]  }
0xc1: {  	[tilespmem:s18+$0xFFFFFF00] =	vst v4;
	v4 =	vmul.f32 v63, v62  }
0xc2: {  	v10 =	vld [tilespmem:s18+$0xFFFFFF40]  }
0xc3: {  	[tilespmem:s18+$0xFFFFFF10] =	vst v4;
	v4 =	vmul.f32 v8, v62  }
0xc4: {  	v12 =	vld [tilespmem:s18+$0xFFFFFF50]  }
0xc5: {  	v11 =	vbroadcast v3, $0x5;
	[tilespmem:s18+$0xFFFFFF20] =	vst v4;
	v4 =	vmul.f32 v9, v62  }
0xc6: {  	v13 =	vld [tilespmem:s18+$0xFFFFFF60]  }
0xc7: {  	[tilespmem:s18+$0xFFFFFF30] =	vst v4;
	v4 =	vmul.f32 v10, v11  }
0xc8: {  	v14 =	vld [tilespmem:s18+$0xFFFFFF70]  }
0xc9: {  	[tilespmem:s18+$0xFFFFFF40] =	vst v4;
	v4 =	vmul.f32 v12, v11  }
0xca: {  	v15 =	vld [tilespmem:s18+$0xFFFFFF80]  }
0xcb: {  	[tilespmem:s18+$0xFFFFFF50] =	vst v4;
	v4 =	vmul.f32 v13, v11  }
0xcc: {  	v17 =	vld [tilespmem:s18+$0xFFFFFF90]  }
0xcd: {  	v16 =	vbroadcast v3, $0x6;
	[tilespmem:s18+$0xFFFFFF60] =	vst v4;
	v4 =	vmul.f32 v14, v11  }
0xce: {  	v18 =	vld [tilespmem:s18+$0xFFFFFFA0]  }
0xcf: {  	[tilespmem:s18+$0xFFFFFF70] =	vst v4;
	v4 =	vmul.f32 v15, v16  }
0xd0: {  	v19 =	vld [tilespmem:s18+$0xFFFFFFB0]  }
0xd1: {  	[tilespmem:s18+$0xFFFFFF80] =	vst v4;
	v4 =	vmul.f32 v17, v16  }
0xd2: {  	v20 =	vld [tilespmem:s18+$0xFFFFFFC0]  }
0xd3: {  	[tilespmem:s18+$0xFFFFFF90] =	vst v4;
	v4 =	vmul.f32 v18, v16  }
0xd4: {  	v22 =	vld [tilespmem:s18+$0xFFFFFFD0]  }
0xd5: {  	v21 =	vbroadcast v3, $0x7;
	[tilespmem:s18+$0xFFFFFFA0] =	vst v4;
	v4 =	vmul.f32 v19, v16  }
0xd6: {  	v23 =	vld [tilespmem:s18+$0xFFFFFFE0]  }
0xd7: {  	[tilespmem:s18+$0xFFFFFFB0] =	vst v4;
	v4 =	vmul.f32 v20, v21  }
0xd8: {  	v24 =	vld [tilespmem:s18+$0xFFFFFFF0]  }
0xd9: {  	[tilespmem:s18+$0xFFFFFFC0] =	vst v4;
	v4 =	vmul.f32 v22, v21  }
0xda: {  	v25 =	vld [tilespmem:s18+$0x0]  }
0xdb: {  	[tilespmem:s18+$0xFFFFFFD0] =	vst v4;
	v4 =	vmul.f32 v23, v21  }
0xdc: {  	v27 =	vld [tilespmem:s18+$0x10]  }
0xdd: {  	v26 =	vbroadcast v3, $0x8;
	[tilespmem:s18+$0xFFFFFFE0] =	vst v4;
	v4 =	vmul.f32 v24, v21  }
0xde: {  	v28 =	vld [tilespmem:s18+$0x20]  }
0xdf: {  	[tilespmem:s18+$0xFFFFFFF0] =	vst v4;
	v4 =	vmul.f32 v25, v26  }
0xe0: {  	v29 =	vld [tilespmem:s18+$0x30]  }
0xe1: {  	[tilespmem:s18+$0x0] =	vst v4;
	v4 =	vmul.f32 v27, v26  }
0xe2: {  	v30 =	vld [tilespmem:s18+$0x40]  }
0xe3: {  	[tilespmem:s18+$0x10] =	vst v4;
	v4 =	vmul.f32 v28, v26  }
0xe4: {  	v32 =	vld [tilespmem:s18+$0x50]  }
0xe5: {  	v31 =	vbroadcast v3, $0x9;
	[tilespmem:s18+$0x20] =	vst v4;
	v4 =	vmul.f32 v29, v26  }
0xe6: {  	v33 =	vld [tilespmem:s18+$0x60]  }
0xe7: {  	[tilespmem:s18+$0x30] =	vst v4;
	v4 =	vmul.f32 v30, v31  }
0xe8: {  	v34 =	vld [tilespmem:s18+$0x70]  }
0xe9: {  	[tilespmem:s18+$0x40] =	vst v4;
	v4 =	vmul.f32 v32, v31  }
0xea: {  	v35 =	vld [tilespmem:s18+$0x80]  }
0xeb: {  	[tilespmem:s18+$0x50] =	vst v4;
	v4 =	vmul.f32 v33, v31  }
0xec: {  	v37 =	vld [tilespmem:s18+$0x90]  }
0xed: {  	v36 =	vbroadcast v3, $0xA;
	[tilespmem:s18+$0x60] =	vst v4;
	v4 =	vmul.f32 v34, v31  }
0xee: {  	v38 =	vld [tilespmem:s18+$0xA0]  }
0xef: {  	[tilespmem:s18+$0x70] =	vst v4;
	v4 =	vmul.f32 v35, v36  }
0xf0: {  	v39 =	vld [tilespmem:s18+$0xB0]  }
0xf1: {  	[tilespmem:s18+$0x80] =	vst v4;
	v4 =	vmul.f32 v37, v36  }
0xf2: {  	v40 =	vld [tilespmem:s18+$0xC0]  }
0xf3: {  	[tilespmem:s18+$0x90] =	vst v4;
	v4 =	vmul.f32 v38, v36  }
0xf4: {  	v42 =	vld [tilespmem:s18+$0xD0]  }
0xf5: {  	v41 =	vbroadcast v3, $0xB;
	[tilespmem:s18+$0xA0] =	vst v4;
	v4 =	vmul.f32 v39, v36  }
0xf6: {  	v43 =	vld [tilespmem:s18+$0xE0]  }
0xf7: {  	[tilespmem:s18+$0xB0] =	vst v4;
	v4 =	vmul.f32 v40, v41  }
0xf8: {  	v44 =	vld [tilespmem:s18+$0xF0]  }
0xf9: {  	[tilespmem:s18+$0xC0] =	vst v4;
	v4 =	vmul.f32 v42, v41  }
0xfa: {  	v45 =	vld [tilespmem:s18+$0x100]  }
0xfb: {  	[tilespmem:s18+$0xD0] =	vst v4;
	v4 =	vmul.f32 v43, v41  }
0xfc: {  	v47 =	vld [tilespmem:s18+$0x110]  }
0xfd: {  	v46 =	vbroadcast v3, $0xC;
	[tilespmem:s18+$0xE0] =	vst v4;
	v4 =	vmul.f32 v44, v41  }
0xfe: {  	v48 =	vld [tilespmem:s18+$0x120]  }
0xff: {  	[tilespmem:s18+$0xF0] =	vst v4;
	v4 =	vmul.f32 v45, v46  }
0x100: {  	v49 =	vld [tilespmem:s18+$0x130]  }
0x101: {  	[tilespmem:s18+$0x100] =	vst v4;
	v4 =	vmul.f32 v47, v46  }
0x102: {  	v50 =	vld [tilespmem:s18+$0x140]  }
0x103: {  	[tilespmem:s18+$0x110] =	vst v4;
	v4 =	vmul.f32 v48, v46  }
0x104: {  	v52 =	vld [tilespmem:s18+$0x150]  }
0x105: {  	v51 =	vbroadcast v3, $0xD;
	[tilespmem:s18+$0x120] =	vst v4;
	v4 =	vmul.f32 v49, v46  }
0x106: {  	v53 =	vld [tilespmem:s18+$0x160]  }
0x107: {  	[tilespmem:s18+$0x130] =	vst v4;
	v4 =	vmul.f32 v50, v51  }
0x108: {  	v54 =	vld [tilespmem:s18+$0x170]  }
0x109: {  	[tilespmem:s18+$0x140] =	vst v4;
	v4 =	vmul.f32 v52, v51  }
0x10a: {  	v55 =	vld [tilespmem:s18+$0x180]  }
0x10b: {  	[tilespmem:s18+$0x150] =	vst v4;
	v4 =	vmul.f32 v53, v51  }
0x10c: {  	v57 =	vld [tilespmem:s18+$0x190]  }
0x10d: {  	v56 =	vbroadcast v3, $0xE;
	[tilespmem:s18+$0x160] =	vst v4;
	v4 =	vmul.f32 v54, v51  }
0x10e: {  	v58 =	vld [tilespmem:s18+$0x1A0]  }
0x10f: {  	[tilespmem:s18+$0x170] =	vst v4;
	v4 =	vmul.f32 v55, v56  }
0x110: {  	v59 =	vld [tilespmem:s18+$0x1B0]  }
0x111: {  	[tilespmem:s18+$0x180] =	vst v4;
	v4 =	vmul.f32 v57, v56  }
0x112: {  	v60 =	vld [tilespmem:s18+$0x1C0]  }
0x113: {  	[tilespmem:s18+$0x190] =	vst v4;
	v4 =	vmul.f32 v58, v56  }
0x114: {  	v61 =	vld [tilespmem:s18+$0x1D0]  }
0x115: {  	v3 =	vbroadcast v3, $0xF;
	[tilespmem:s18+$0x1A0] =	vst v4;
	v4 =	vmul.f32 v59, v56  }
0x116: {  	v62 =	vld [tilespmem:s18+$0x1E0]  }
0x117: {  	v63 =	vld [tilespmem:s18+$0x1F0];
	[tilespmem:s18+$0x1B0] =	vst v4;
	v4 =	vmul.f32 v60, v3;
	_ =	sdelay $0x1  }
0x118: {  	p2 =	sne.s32 s19, $0x100;
	[tilespmem:s18+$0x1C0] =	vst v4;
	v4 =	vmul.f32 v61, v3  }
.Ltmp5:
0x119: {  	_ = 	snop;
	(pc) =	sbr.rel @p2 .LBB2_14-.Ltmp5, $4  }
0x11a: {  	[tilespmem:s18+$0x1D0] =	vst v4;
	v4 =	vmul.f32 v62, v3  }
0x11b: {  	v3 =	vmul.f32 v63, v3  }
0x11c: {  	[tilespmem:s18+$0x1E0] =	vst v4  }
0x11d: {  	s19 =	sadd.s32 $0x40, s19;
	[tilespmem:s18+$0x1F0] =	vst v3;
	s18 =	sadd.s32 $0x400, s18  }
0x11e: {  	v2 =	vld @!p1 [tilespmem:s9+$0x1F40];
	_ =	sdelay $0x1  }
0x11f: {  	v3 =	vld @!p1 [tilespmem:s9+$0xFA0];
	_ =	sdelay $0x2  }
0x120: {  	v2 =	vmul.u32 @!p1 $0x2710, v2;
	_ =	sdelay $0x1  }
0x121: {  	v2 =	vadd.s32 @!p1 v2, v3  }
0x122: {  	v4 =	vld @!p1 [tilespmem:s9+$0x2EE0];
	v2 =	vadd.s32 @!p1 $0x2710, v2;
	_ =	sdelay $0x2  }
0x123: {  	v5 =	vimm.f32 @!p1 $1.000000000e+00;
	s18 =	simm.s32 @!p1 $0x85C0  }
0x124: {  	[tilespmem:v3+s18+$0x0] =	vst.idx.add.f32.msk @!p1 $0xffff, v5  }
0x125: {  	[tilespmem:v2+s18+$0x0] =	vst.idx.add.f32.msk @!p1 $0xffff, v4  }
0x126: {  	v2 =	vld @!p1 [tilespmem:s9+$0x1F50];
	_ =	sdelay $0x1  }
0x127: {  	v3 =	vld @!p1 [tilespmem:s9+$0xFB0];
	_ =	sdelay $0x2  }
0x128: {  	v2 =	vmul.u32 @!p1 $0x2710, v2;
	_ =	sdelay $0x1  }
0x129: {  	v2 =	vadd.s32 @!p1 v2, v3  }
0x12a: {  	v4 =	vld @!p1 [tilespmem:s9+$0x2EF0];
	v2 =	vadd.s32 @!p1 $0x2710, v2;
	_ =	sdelay $0x3  }
0x12b: {  	[tilespmem:v3+s18+$0x0] =	vst.idx.add.f32.msk @!p1 $0xffff, v5  }
0x12c: {  	[tilespmem:v2+s18+$0x0] =	vst.idx.add.f32.msk @!p1 $0xffff, v4  }
0x12d: {  	v2 =	vld @!p1 [tilespmem:s9+$0x1F60];
	_ =	sdelay $0x1  }
0x12e: {  	v3 =	vld @!p1 [tilespmem:s9+$0xFC0];
	_ =	sdelay $0x2  }
0x12f: {  	v2 =	vmul.u32 @!p1 $0x2710, v2;
	_ =	sdelay $0x1  }
0x130: {  	v2 =	vadd.s32 @!p1 v2, v3  }
0x131: {  	v4 =	vld @!p1 [tilespmem:s9+$0x2F00];
	v2 =	vadd.s32 @!p1 $0x2710, v2;
	_ =	sdelay $0x3  }
0x132: {  	[tilespmem:v3+s18+$0x0] =	vst.idx.add.f32.msk @!p1 $0xffff, v5  }
0x133: {  	[tilespmem:v2+s18+$0x0] =	vst.idx.add.f32.msk @!p1 $0xffff, v4  }
0x134: {  	v2 =	vld @!p1 [tilespmem:s9+$0x1F70];
	_ =	sdelay $0x1  }
0x135: {  	v3 =	vld @!p1 [tilespmem:s9+$0xFD0];
	_ =	sdelay $0x2  }
0x136: {  	v2 =	vmul.u32 @!p1 $0x2710, v2;
	_ =	sdelay $0x1  }
0x137: {  	v2 =	vadd.s32 @!p1 v2, v3  }
0x138: {  	v4 =	vld @!p1 [tilespmem:s9+$0x2F10];
	v2 =	vadd.s32 @!p1 $0x2710, v2;
	_ =	sdelay $0x3  }
0x139: {  	[tilespmem:v3+s18+$0x0] =	vst.idx.add.f32.msk @!p1 $0xffff, v5  }
0x13a: {  	[tilespmem:v2+s18+$0x0] =	vst.idx.add.f32.msk @!p1 $0xffff, v4  }
0x13b: {  	v2 =	vld @!p1 [tilespmem:s9+$0x1F80];
	_ =	sdelay $0x1  }
0x13c: {  	v3 =	vld @!p1 [tilespmem:s9+$0xFE0];
	_ =	sdelay $0x2  }
0x13d: {  	v2 =	vmul.u32 @!p1 $0x2710, v2;
	_ =	sdelay $0x1  }
0x13e: {  	v2 =	vadd.s32 @!p1 v2, v3  }
0x13f: {  	v4 =	vld @!p1 [tilespmem:s9+$0x2F20];
	v2 =	vadd.s32 @!p1 $0x2710, v2;
	_ =	sdelay $0x3  }
0x140: {  	[tilespmem:v3+s18+$0x0] =	vst.idx.add.f32.msk @!p1 $0xffff, v5  }
0x141: {  	s20 =	sadd.s32 $0xFA0, s9;
	[tilespmem:v2+s18+$0x0] =	vst.idx.add.f32.msk @!p1 $0xffff, v4  }
0x142: {  	[spmem:s2] =	stream.indirect.scatter.add.f32 [tilespmem:s10], [sflag:$0x3], $0x40, s20, s0, $0xb8;
	[tilespmem:$0x1E550] =	vst v63  }
0x143: {  	_ =	swait.ge [sflag:s29], $0x1400  }
0x144: {  	p2 =	seq.s32 s14, $0x18;
	[sflag:s29] =	ssyncset.done $0x0  }
0x145: {  	s18 =	smul.u32 @!p2 $0x280, s14;
	[sflag:s29] =	ssyncadd.s32 $0xFFFFEC00  }
0x146: {  	_ =	swait.ge [sflag:s30], $0x1400  }
0x147: {  	s19 =	simm.s32 @!p2 $0x50;
	v2 =	vmov s16;
	s18 =	sshra.s32 @!p2 s18, $0x2;
	[sflag:s30] =	ssyncset.done $0x0  }
0x148: {  	s20 =	simm.s32 @!p2 $0x3E80;
	s18 =	sadd.s32 @!p2 $0xA0, s18;
	[sflag:s30] =	ssyncadd.s32 $0xFFFFEC00  }
0x149: {  	[tilespmem:s20], [sflag:$0x1] =	stream.indirect.gather @!p2 [hbm4b:s1+s19], $0x40, s18, s19, $0xb8;
	[tilespmem:$0x1E550] =	vst v63  }
0x14a: {  	s18 =	simm.s32 $0x0;
	s19 =	simm.s32 $0x5480  }
.LBB2_16:
0x14b: {  	s20 =	sshra.s32 s18, $0x2  }
0x14c: {  	v3 =	vld.idx.msk [tilespmem:v2+s20+$0x0 ss:$0x1], $0xffff;
	_ =	sdelay $0x1  }
0x14d: {  	v4 =	vld [tilespmem:s19+$0xFFFFFE00];
	_ =	sdelay $0x1  }
0x14e: {  	v43 =	vld [tilespmem:s19+$0xFFFFFE10]  }
0x14f: {  	v5 =	vbroadcast v3, $0x0  }
0x150: {  	v44 =	vld [tilespmem:s19+$0xFFFFFE20]  }
0x151: {  	v4 =	vmul.f32 v5, v4  }
0x152: {  	v45 =	vld [tilespmem:s19+$0xFFFFFE30]  }
0x153: {  	[tilespmem:s19+$0xFFFFFE00] =	vst v4;
	v4 =	vmul.f32 v43, v5  }
0x154: {  	v46 =	vld [tilespmem:s19+$0xFFFFFE40]  }
0x155: {  	[tilespmem:s19+$0xFFFFFE10] =	vst v4;
	v4 =	vmul.f32 v44, v5  }
0x156: {  	v48 =	vld [tilespmem:s19+$0xFFFFFE50]  }
0x157: {  	v47 =	vbroadcast v3, $0x1;
	[tilespmem:s19+$0xFFFFFE20] =	vst v4;
	v4 =	vmul.f32 v45, v5  }
0x158: {  	v49 =	vld [tilespmem:s19+$0xFFFFFE60]  }
0x159: {  	[tilespmem:s19+$0xFFFFFE30] =	vst v4;
	v4 =	vmul.f32 v46, v47  }
0x15a: {  	v50 =	vld [tilespmem:s19+$0xFFFFFE70]  }
0x15b: {  	[tilespmem:s19+$0xFFFFFE40] =	vst v4;
	v4 =	vmul.f32 v48, v47  }
0x15c: {  	v51 =	vld [tilespmem:s19+$0xFFFFFE80]  }
0x15d: {  	[tilespmem:s19+$0xFFFFFE50] =	vst v4;
	v4 =	vmul.f32 v49, v47  }
0x15e: {  	v53 =	vld [tilespmem:s19+$0xFFFFFE90]  }
0x15f: {  	v52 =	vbroadcast v3, $0x2;
	[tilespmem:s19+$0xFFFFFE60] =	vst v4;
	v4 =	vmul.f32 v50, v47  }
0x160: {  	v54 =	vld [tilespmem:s19+$0xFFFFFEA0]  }
0x161: {  	[tilespmem:s19+$0xFFFFFE70] =	vst v4;
	v4 =	vmul.f32 v51, v52  }
0x162: {  	v55 =	vld [tilespmem:s19+$0xFFFFFEB0]  }
0x163: {  	[tilespmem:s19+$0xFFFFFE80] =	vst v4;
	v4 =	vmul.f32 v53, v52  }
0x164: {  	v56 =	vld [tilespmem:s19+$0xFFFFFEC0]  }
0x165: {  	[tilespmem:s19+$0xFFFFFE90] =	vst v4;
	v4 =	vmul.f32 v54, v52  }
0x166: {  	v58 =	vld [tilespmem:s19+$0xFFFFFED0]  }
0x167: {  	v57 =	vbroadcast v3, $0x3;
	[tilespmem:s19+$0xFFFFFEA0] =	vst v4;
	v4 =	vmul.f32 v55, v52  }
0x168: {  	v59 =	vld [tilespmem:s19+$0xFFFFFEE0]  }
0x169: {  	[tilespmem:s19+$0xFFFFFEB0] =	vst v4;
	v4 =	vmul.f32 v56, v57  }
0x16a: {  	v60 =	vld [tilespmem:s19+$0xFFFFFEF0]  }
0x16b: {  	[tilespmem:s19+$0xFFFFFEC0] =	vst v4;
	v4 =	vmul.f32 v58, v57  }
0x16c: {  	v61 =	vld [tilespmem:s19+$0xFFFFFF00]  }
0x16d: {  	[tilespmem:s19+$0xFFFFFED0] =	vst v4;
	v4 =	vmul.f32 v59, v57  }
0x16e: {  	v63 =	vld [tilespmem:s19+$0xFFFFFF10]  }
0x16f: {  	v62 =	vbroadcast v3, $0x4;
	[tilespmem:s19+$0xFFFFFEE0] =	vst v4;
	v4 =	vmul.f32 v60, v57  }
0x170: {  	v8 =	vld [tilespmem:s19+$0xFFFFFF20]  }
0x171: {  	[tilespmem:s19+$0xFFFFFEF0] =	vst v4;
	v4 =	vmul.f32 v61, v62  }
0x172: {  	v9 =	vld [tilespmem:s19+$0xFFFFFF30]  }
0x173: {  	[tilespmem:s19+$0xFFFFFF00] =	vst v4;
	v4 =	vmul.f32 v63, v62  }
0x174: {  	v10 =	vld [tilespmem:s19+$0xFFFFFF40]  }
0x175: {  	[tilespmem:s19+$0xFFFFFF10] =	vst v4;
	v4 =	vmul.f32 v8, v62  }
0x176: {  	v12 =	vld [tilespmem:s19+$0xFFFFFF50]  }
0x177: {  	v11 =	vbroadcast v3, $0x5;
	[tilespmem:s19+$0xFFFFFF20] =	vst v4;
	v4 =	vmul.f32 v9, v62  }
0x178: {  	v13 =	vld [tilespmem:s19+$0xFFFFFF60]  }
0x179: {  	[tilespmem:s19+$0xFFFFFF30] =	vst v4;
	v4 =	vmul.f32 v10, v11  }
0x17a: {  	v14 =	vld [tilespmem:s19+$0xFFFFFF70]  }
0x17b: {  	[tilespmem:s19+$0xFFFFFF40] =	vst v4;
	v4 =	vmul.f32 v12, v11  }
0x17c: {  	v15 =	vld [tilespmem:s19+$0xFFFFFF80]  }
0x17d: {  	[tilespmem:s19+$0xFFFFFF50] =	vst v4;
	v4 =	vmul.f32 v13, v11  }
0x17e: {  	v17 =	vld [tilespmem:s19+$0xFFFFFF90]  }
0x17f: {  	v16 =	vbroadcast v3, $0x6;
	[tilespmem:s19+$0xFFFFFF60] =	vst v4;
	v4 =	vmul.f32 v14, v11  }
0x180: {  	v18 =	vld [tilespmem:s19+$0xFFFFFFA0]  }
0x181: {  	[tilespmem:s19+$0xFFFFFF70] =	vst v4;
	v4 =	vmul.f32 v15, v16  }
0x182: {  	v19 =	vld [tilespmem:s19+$0xFFFFFFB0]  }
0x183: {  	[tilespmem:s19+$0xFFFFFF80] =	vst v4;
	v4 =	vmul.f32 v17, v16  }
0x184: {  	v20 =	vld [tilespmem:s19+$0xFFFFFFC0]  }
0x185: {  	[tilespmem:s19+$0xFFFFFF90] =	vst v4;
	v4 =	vmul.f32 v18, v16  }
0x186: {  	v22 =	vld [tilespmem:s19+$0xFFFFFFD0]  }
0x187: {  	v21 =	vbroadcast v3, $0x7;
	[tilespmem:s19+$0xFFFFFFA0] =	vst v4;
	v4 =	vmul.f32 v19, v16  }
0x188: {  	v23 =	vld [tilespmem:s19+$0xFFFFFFE0]  }
0x189: {  	[tilespmem:s19+$0xFFFFFFB0] =	vst v4;
	v4 =	vmul.f32 v20, v21  }
0x18a: {  	v24 =	vld [tilespmem:s19+$0xFFFFFFF0]  }
0x18b: {  	[tilespmem:s19+$0xFFFFFFC0] =	vst v4;
	v4 =	vmul.f32 v22, v21  }
0x18c: {  	v25 =	vld [tilespmem:s19+$0x0]  }
0x18d: {  	[tilespmem:s19+$0xFFFFFFD0] =	vst v4;
	v4 =	vmul.f32 v23, v21  }
0x18e: {  	v27 =	vld [tilespmem:s19+$0x10]  }
0x18f: {  	v26 =	vbroadcast v3, $0x8;
	[tilespmem:s19+$0xFFFFFFE0] =	vst v4;
	v4 =	vmul.f32 v24, v21  }
0x190: {  	v28 =	vld [tilespmem:s19+$0x20]  }
0x191: {  	[tilespmem:s19+$0xFFFFFFF0] =	vst v4;
	v4 =	vmul.f32 v25, v26  }
0x192: {  	v29 =	vld [tilespmem:s19+$0x30]  }
0x193: {  	[tilespmem:s19+$0x0] =	vst v4;
	v4 =	vmul.f32 v27, v26  }
0x194: {  	v30 =	vld [tilespmem:s19+$0x40]  }
0x195: {  	[tilespmem:s19+$0x10] =	vst v4;
	v4 =	vmul.f32 v28, v26  }
0x196: {  	v32 =	vld [tilespmem:s19+$0x50]  }
0x197: {  	v31 =	vbroadcast v3, $0x9;
	[tilespmem:s19+$0x20] =	vst v4;
	v4 =	vmul.f32 v29, v26  }
0x198: {  	v33 =	vld [tilespmem:s19+$0x60]  }
0x199: {  	[tilespmem:s19+$0x30] =	vst v4;
	v4 =	vmul.f32 v30, v31  }
0x19a: {  	v34 =	vld [tilespmem:s19+$0x70]  }
0x19b: {  	[tilespmem:s19+$0x40] =	vst v4;
	v4 =	vmul.f32 v32, v31  }
0x19c: {  	v35 =	vld [tilespmem:s19+$0x80]  }
0x19d: {  	[tilespmem:s19+$0x50] =	vst v4;
	v4 =	vmul.f32 v33, v31  }
0x19e: {  	v37 =	vld [tilespmem:s19+$0x90]  }
0x19f: {  	v36 =	vbroadcast v3, $0xA;
	[tilespmem:s19+$0x60] =	vst v4;
	v4 =	vmul.f32 v34, v31  }
0x1a0: {  	v38 =	vld [tilespmem:s19+$0xA0]  }
0x1a1: {  	[tilespmem:s19+$0x70] =	vst v4;
	v4 =	vmul.f32 v35, v36  }
0x1a2: {  	v39 =	vld [tilespmem:s19+$0xB0]  }
0x1a3: {  	[tilespmem:s19+$0x80] =	vst v4;
	v4 =	vmul.f32 v37, v36  }
0x1a4: {  	v40 =	vld [tilespmem:s19+$0xC0]  }
0x1a5: {  	[tilespmem:s19+$0x90] =	vst v4;
	v4 =	vmul.f32 v38, v36  }
0x1a6: {  	v42 =	vld [tilespmem:s19+$0xD0]  }
0x1a7: {  	v41 =	vbroadcast v3, $0xB;
	[tilespmem:s19+$0xA0] =	vst v4;
	v4 =	vmul.f32 v39, v36  }
0x1a8: {  	v43 =	vld [tilespmem:s19+$0xE0]  }
0x1a9: {  	[tilespmem:s19+$0xB0] =	vst v4;
	v4 =	vmul.f32 v40, v41  }
0x1aa: {  	v44 =	vld [tilespmem:s19+$0xF0]  }
0x1ab: {  	[tilespmem:s19+$0xC0] =	vst v4;
	v4 =	vmul.f32 v42, v41  }
0x1ac: {  	v45 =	vld [tilespmem:s19+$0x100]  }
0x1ad: {  	[tilespmem:s19+$0xD0] =	vst v4;
	v4 =	vmul.f32 v43, v41  }
0x1ae: {  	v47 =	vld [tilespmem:s19+$0x110]  }
0x1af: {  	v46 =	vbroadcast v3, $0xC;
	[tilespmem:s19+$0xE0] =	vst v4;
	v4 =	vmul.f32 v44, v41  }
0x1b0: {  	v48 =	vld [tilespmem:s19+$0x120]  }
0x1b1: {  	[tilespmem:s19+$0xF0] =	vst v4;
	v4 =	vmul.f32 v45, v46  }
0x1b2: {  	v49 =	vld [tilespmem:s19+$0x130]  }
0x1b3: {  	[tilespmem:s19+$0x100] =	vst v4;
	v4 =	vmul.f32 v47, v46  }
0x1b4: {  	v50 =	vld [tilespmem:s19+$0x140]  }
0x1b5: {  	[tilespmem:s19+$0x110] =	vst v4;
	v4 =	vmul.f32 v48, v46  }
0x1b6: {  	v52 =	vld [tilespmem:s19+$0x150]  }
0x1b7: {  	v51 =	vbroadcast v3, $0xD;
	[tilespmem:s19+$0x120] =	vst v4;
	v4 =	vmul.f32 v49, v46  }
0x1b8: {  	v53 =	vld [tilespmem:s19+$0x160]  }
0x1b9: {  	[tilespmem:s19+$0x130] =	vst v4;
	v4 =	vmul.f32 v50, v51  }
0x1ba: {  	v54 =	vld [tilespmem:s19+$0x170]  }
0x1bb: {  	[tilespmem:s19+$0x140] =	vst v4;
	v4 =	vmul.f32 v52, v51  }
0x1bc: {  	v55 =	vld [tilespmem:s19+$0x180]  }
0x1bd: {  	[tilespmem:s19+$0x150] =	vst v4;
	v4 =	vmul.f32 v53, v51  }
0x1be: {  	v57 =	vld [tilespmem:s19+$0x190]  }
0x1bf: {  	v56 =	vbroadcast v3, $0xE;
	[tilespmem:s19+$0x160] =	vst v4;
	v4 =	vmul.f32 v54, v51  }
0x1c0: {  	v58 =	vld [tilespmem:s19+$0x1A0]  }
0x1c1: {  	[tilespmem:s19+$0x170] =	vst v4;
	v4 =	vmul.f32 v55, v56  }
0x1c2: {  	v59 =	vld [tilespmem:s19+$0x1B0]  }
0x1c3: {  	[tilespmem:s19+$0x180] =	vst v4;
	v4 =	vmul.f32 v57, v56  }
0x1c4: {  	v60 =	vld [tilespmem:s19+$0x1C0]  }
0x1c5: {  	[tilespmem:s19+$0x190] =	vst v4;
	v4 =	vmul.f32 v58, v56  }
0x1c6: {  	v61 =	vld [tilespmem:s19+$0x1D0]  }
0x1c7: {  	v3 =	vbroadcast v3, $0xF;
	[tilespmem:s19+$0x1A0] =	vst v4;
	v4 =	vmul.f32 v59, v56  }
0x1c8: {  	v62 =	vld [tilespmem:s19+$0x1E0]  }
0x1c9: {  	v63 =	vld [tilespmem:s19+$0x1F0];
	[tilespmem:s19+$0x1B0] =	vst v4;
	v4 =	vmul.f32 v60, v3;
	_ =	sdelay $0x1  }
0x1ca: {  	p2 =	sne.s32 s18, $0x100;
	[tilespmem:s19+$0x1C0] =	vst v4;
	v4 =	vmul.f32 v61, v3  }
.Ltmp6:
0x1cb: {  	_ = 	snop;
	(pc) =	sbr.rel @p2 .LBB2_16-.Ltmp6, $4  }
0x1cc: {  	[tilespmem:s19+$0x1D0] =	vst v4;
	v4 =	vmul.f32 v62, v3  }
0x1cd: {  	v3 =	vmul.f32 v63, v3  }
0x1ce: {  	[tilespmem:s19+$0x1E0] =	vst v4  }
0x1cf: {  	s18 =	sadd.s32 $0x40, s18;
	[tilespmem:s19+$0x1F0] =	vst v3;
	s19 =	sadd.s32 $0x400, s19  }
0x1d0: {  	v2 =	vld @!p1 [tilespmem:s3+$0x1F40];
	_ =	sdelay $0x1  }
0x1d1: {  	v3 =	vld @!p1 [tilespmem:s3+$0xFA0];
	_ =	sdelay $0x2  }
0x1d2: {  	v2 =	vmul.u32 @!p1 $0x2710, v2;
	_ =	sdelay $0x1  }
0x1d3: {  	v2 =	vadd.s32 @!p1 v2, v3  }
0x1d4: {  	v4 =	vld @!p1 [tilespmem:s3+$0x2EE0];
	v2 =	vadd.s32 @!p1 $0x2710, v2;
	_ =	sdelay $0x2  }
0x1d5: {  	v5 =	vimm.f32 @!p1 $1.000000000e+00;
	s18 =	simm.s32 @!p1 $0x85C0  }
0x1d6: {  	[tilespmem:v3+s18+$0x0] =	vst.idx.add.f32.msk @!p1 $0xffff, v5  }
0x1d7: {  	[tilespmem:v2+s18+$0x0] =	vst.idx.add.f32.msk @!p1 $0xffff, v4  }
0x1d8: {  	v2 =	vld @!p1 [tilespmem:s9+$0x1FA0];
	_ =	sdelay $0x1  }
0x1d9: {  	v3 =	vld @!p1 [tilespmem:s9+$0x1000];
	_ =	sdelay $0x2  }
0x1da: {  	v2 =	vmul.u32 @!p1 $0x2710, v2;
	_ =	sdelay $0x1  }
0x1db: {  	v2 =	vadd.s32 @!p1 v2, v3  }
0x1dc: {  	v4 =	vld @!p1 [tilespmem:s9+$0x2F40];
	v2 =	vadd.s32 @!p1 $0x2710, v2;
	_ =	sdelay $0x3  }
0x1dd: {  	[tilespmem:v3+s18+$0x0] =	vst.idx.add.f32.msk @!p1 $0xffff, v5  }
0x1de: {  	[tilespmem:v2+s18+$0x0] =	vst.idx.add.f32.msk @!p1 $0xffff, v4  }
0x1df: {  	v2 =	vld @!p1 [tilespmem:s9+$0x1FB0];
	_ =	sdelay $0x1  }
0x1e0: {  	v3 =	vld @!p1 [tilespmem:s9+$0x1010];
	_ =	sdelay $0x2  }
0x1e1: {  	v2 =	vmul.u32 @!p1 $0x2710, v2;
	_ =	sdelay $0x1  }
0x1e2: {  	v2 =	vadd.s32 @!p1 v2, v3  }
0x1e3: {  	v4 =	vld @!p1 [tilespmem:s9+$0x2F50];
	v2 =	vadd.s32 @!p1 $0x2710, v2;
	_ =	sdelay $0x3  }
0x1e4: {  	[tilespmem:v3+s18+$0x0] =	vst.idx.add.f32.msk @!p1 $0xffff, v5  }
0x1e5: {  	[tilespmem:v2+s18+$0x0] =	vst.idx.add.f32.msk @!p1 $0xffff, v4  }
0x1e6: {  	v2 =	vld @!p1 [tilespmem:s9+$0x1FC0];
	_ =	sdelay $0x1  }
0x1e7: {  	v3 =	vld @!p1 [tilespmem:s9+$0x1020];
	_ =	sdelay $0x2  }
0x1e8: {  	v2 =	vmul.u32 @!p1 $0x2710, v2;
	_ =	sdelay $0x1  }
0x1e9: {  	v2 =	vadd.s32 @!p1 v2, v3  }
0x1ea: {  	v4 =	vld @!p1 [tilespmem:s9+$0x2F60];
	v2 =	vadd.s32 @!p1 $0x2710, v2;
	_ =	sdelay $0x3  }
0x1eb: {  	[tilespmem:v3+s18+$0x0] =	vst.idx.add.f32.msk @!p1 $0xffff, v5  }
0x1ec: {  	[tilespmem:v2+s18+$0x0] =	vst.idx.add.f32.msk @!p1 $0xffff, v4  }
0x1ed: {  	v2 =	vld @!p1 [tilespmem:s9+$0x1FD0];
	_ =	sdelay $0x1  }
0x1ee: {  	v3 =	vld @!p1 [tilespmem:s9+$0x1030];
	_ =	sdelay $0x2  }
0x1ef: {  	v2 =	vmul.u32 @!p1 $0x2710, v2;
	_ =	sdelay $0x1  }
0x1f0: {  	v2 =	vadd.s32 @!p1 v2, v3  }
0x1f1: {  	s14 =	sadd.s32 $0x1, s14;
	v4 =	vld @!p1 [tilespmem:s9+$0x2F70];
	v2 =	vadd.s32 @!p1 $0x2710, v2  }
0x1f2: {  	p2 =	sne.s32 s14, $0x19  }
.Ltmp7:
0x1f3: {  	_ = 	snop;
	(pc) =	sbr.rel @p2 .LBB2_13-.Ltmp7, $4  }
0x1f4: {  	_ = 	snop  }
0x1f5: {  	[tilespmem:v3+s18+$0x0] =	vst.idx.add.f32.msk @!p1 $0xffff, v5  }
0x1f6: {  	s20 =	sadd.s32 $0xFA0, s3;
	s15 =	sadd.s32 $0xA0, s15;
	s16 =	sadd.s32 $0xA0, s16;
	[tilespmem:v2+s18+$0x0] =	vst.idx.add.f32.msk @!p1 $0xffff, v4  }
0x1f7: {  	[spmem:s2] =	stream.indirect.scatter.add.f32 [tilespmem:s11], [sflag:$0x4], $0x40, s20, s0, $0xb8;
	[tilespmem:$0x1E550] =	vst v63  }
0x1f8: {  	s13 =	sadd.s32 $0x1, s13  }
0x1f9: {  	p2 =	sne.s32 s13, $0x5  }
.Ltmp8:
0x1fa: {  	_ = 	snop;
	(pc) =	sbr.rel @p2 .LBB2_10-.Ltmp8, $4  }
0x1fb: {  	_ = 	snop  }
0x1fc: {  	_ =	swait.ge [sflag:s31], $0x1400  }
0x1fd: {  	[sflag:s31] =	ssyncset.done $0x0  }
0x1fe: {  	[sflag:s31] =	ssyncadd.s32 $0xFFFFEC00  }
0x1ff: {  	[bflag:$0x0] =	sbarrier.arrive $0xFFFF  }
0x200: {  	s3 =	simm.s32 @!p1 $0x0;
	s9 =	simm.s32 @!p1 $0x85C0;
	s13 =	rddreg [dreg:$0xc]  }
0x201: {  	[hbm4b:s13+s3] =	stream.linear.scatter @!p1 [tilespmem:s9], [sflag:$0x5], $0xC350, $0x38;
	[tilespmem:$0x1E550] =	vst v63  }
0x202: {  	s3 =	simm.s32 @!p1 $0x5  }
0x203: {  	s9 =	stileid.u32;
	_ =	swait.ge @!p1 [sflag:s3], $0xC350  }
0x204: {  	s9 =	sshll.u32 @!p0 s9, $0x6;
	[sflag:s3] =	ssyncset.done @!p1 $0x0  }
0x205: {  	[sflag:s3] =	ssyncadd.s32 @!p1 $0xFFFF3CB0;
	s3 =	sor.u32 @!p0 $0x1C05, s9;
	s9 =	rddreg [dreg:$0xd]  }
0x206: {  	[hbm:s9], [sflag:s3] =	dma.local @!p0 [spmem:s24], $0x1F40  }
0x207: {  	s3 =	simm.s32 @!p0 $0x5  }
0x208: {  	_ =	swait.ge @!p0 [sflag:s3], $0x1F40  }
0x209: {  	s12 =	sadd.s32 $0x1, s12;
	s20 =	rddreg [dreg:$0xe]  }
0x20a: {  	p2 =	sne.s32 s12, s20  }
.Ltmp9:
0x20b: {  	_ = 	snop;
	(pc) =	sbr.rel @p2 .LBB2_1-.Ltmp9, $3  }
0x20c: {  	_ =	sdelay $0x1  }
0x20d: {  	[sflag:s3] =	ssyncset.done @!p0 $0x0  }
0x20e: {  	[sflag:s3] =	ssyncadd.s32 @!p0 $0xFFFFE0C0  }
0x20f: {  	_ =	sfence.sel $0x180000  }
0x210: {  	[bflag:$0x0] =	sbarrier.arrive $0xFFFF  }
0x211: {  	_ =	strace $0x90000047  }
0x212: {  	s0 =	stileid.u32;
	[bflag:$0x2] =	sbarrier.arrive $0xFFFF  }
0x213: {  	p0 =	sne.s32 s0, $0x0;
	s0 =	rddreg [dreg:$0x3]  }
0x214: {  	s0 =	sadd.s32 @!p0 $0x100000, s0  }
0x215: {  	[sflag:s0] =	ssyncadd.tile.s32 @!p0 $0x1;
	_ =	shalt  }
.Lfunc_end2:
_tile_overlayer_lowered:
.L_overlay_start_2:
0x216: {  	(tag) =	ssettag $0x2  }
0x217: {  	s0 =	rddreg [dreg:$0x0];
	s2 =	stileid.u32  }
0x218: {  	s1 =	rddreg [dreg:$0x1];
	p0 =	sne.s32 s2, $0x0  }
0x219: {  	s3 =	rddreg [dreg:$0x2];
	[bflag:$0x3] =	sbarrier.arrive $0xFFFF;
	s2 =	simm.s32 @!p0 $0x1C05  }
0x21a: {  	[timem:s3], [sflag:s2] =	dma.local @!p0 [hbm:s0], s1  }
0x21b: {  	s0 =	simm.s32 @!p0 $0x5  }
0x21c: {  	_ =	swait.ge @!p0 [sflag:s0], s1  }
0x21d: {  	s1 =	ssub.s32 @!p0 $0x0, s1;
	[sflag:s0] =	ssyncset.done @!p0 $0x0  }
0x21e: {  	[sflag:s0] =	ssyncadd.s32 @!p0 s1  }
0x21f: {  	[bflag:$0x3] =	sbarrier.arrive $0xFFFF  }
0x220: {  	_ =	shalt  }

</sc_bundles>
